<compile_context>
chip_gen: v7x
topology: tpu7x:2x2x1
jax: 0.10.2.dev20260603
libtpu: 0.0.44.dev20260713+nightly
codegen_flags: <defaults>
</compile_context>

<pallas_src>
import functools

import jax
import jax.numpy as jnp
from jax import lax
from jax.experimental import pallas as pl
from jax.experimental.pallas import tpu as pltpu
from jax.experimental.pallas import tpu_sc as plsc

N_NODES = 100000
N_EDGES = 6400000

_info = plsc.get_sparse_core_info()
NC, NS, NL = _info.num_cores, _info.num_subcores, _info.num_lanes
NW = NC * NS

CHUNK = 5120
NBLK = CHUNK // 128
NCHUNKS = N_EDGES // CHUNK
ITERS = -(-NCHUNKS // NW)
NSTEPS = 2 * ITERS
OUT_WORDS = 4 * N_EDGES


def _make_kernel():
    mesh = plsc.VectorSubcoreMesh(core_axis_name="c", subcore_axis_name="s")

    @functools.partial(
        pl.kernel,
        mesh=mesh,
        out_type=[
            jax.ShapeDtypeStruct((OUT_WORDS,), jnp.float32),
            jax.ShapeDtypeStruct((OUT_WORDS,), jnp.float32),
        ],
        scratch_types=[
            pltpu.VMEM((2, 2, CHUNK), jnp.int32),
            pltpu.VMEM((3 * CHUNK,), jnp.int32),
            pltpu.VMEM((3 * CHUNK,), jnp.int32),
            pltpu.VMEM((4 * CHUNK,), jnp.float32),
            pltpu.VMEM((4 * CHUNK,), jnp.float32),
            pltpu.VMEM_SHARED((3 * N_NODES,), jnp.float32),
            pltpu.SemaphoreType.DMA,
            pltpu.SemaphoreType.DMA,
            pltpu.SemaphoreType.DMA,
        ],
    )
    def k(pos_hbm, edge_hbm, out0_hbm, out1_hbm,
          idx_v, exp0_v, exp1_v, vals0_v, vals1_v, pos_sp,
          sem_g, sem_o, sem_i):
        cid = lax.axis_index("c")
        sid = lax.axis_index("s")
        wid = sid * NC + cid
        iota = lax.iota(jnp.int32, NL)
        exps = (exp0_v, exp1_v)
        valss = (vals0_v, vals1_v)
        outs = (out0_hbm, out1_hbm)

        @pl.when(sid == 0)
        def _():
            pltpu.sync_copy(pos_hbm, pos_sp)

        plsc.subcore_barrier()


        def chunk_of(s):
            return (s // 2) * NW + wid

        def valid(s):
            return chunk_of(s) < NCHUNKS

        def prepare(s, par, q):
            @pl.when(valid(s))
            def _():
                def blk(b, c2):
                    for mm in range(8):
                        tv = idx_v[q, par, pl.ds(128 * b + NL * mm, NL)] * 3
                        o = 384 * b + NL * mm
                        exps[par][pl.ds(o, NL)] = tv
                        exps[par][pl.ds(o + 128, NL)] = tv + 1
                        exps[par][pl.ds(o + 256, NL)] = tv + 2
                    return c2

                lax.fori_loop(0, NBLK, blk, 0)

        def issue_idx(i):
            @pl.when((i * NW + wid) < NCHUNKS)
            def _():
                pltpu.async_copy(
                    edge_hbm.at[:, pl.ds((i * NW + wid) * CHUNK, CHUNK)],
                    idx_v.at[i % 2], sem_i)

        def wait_idx(i):
            @pl.when((i * NW + wid) < NCHUNKS)
            def _():
                pltpu.make_async_copy(
                    edge_hbm.at[:, pl.ds(0, CHUNK)],
                    idx_v.at[i % 2], sem_i).wait()

        def issue_gather(s, par):
            @pl.when(valid(s))
            def _():
                for b in range(NBLK):
                    pltpu.async_copy(
                        pos_sp.at[exps[par].at[pl.ds(384 * b, 384)]],
                        valss[par].at[pl.ds(512 * b, 384)], sem_g)

        def wait_gather(s, par):
            @pl.when(valid(s))
            def _():
                pltpu.make_async_copy(
                    pos_sp.at[exps[par]],
                    valss[par].at[pl.ds(0, 3 * CHUNK)], sem_g).wait()

        def issue_out(s, par):
            @pl.when(valid(s))
            def _():
                pltpu.async_copy(
                    valss[par],
                    outs[par].at[pl.ds(4 * chunk_of(s) * CHUNK, 4 * CHUNK)],
                    sem_o)

        def wait_out(s, extra=None):
            pred = valid(s) if extra is None else (valid(s) & extra)

            @pl.when(pred)
            def _():
                pltpu.make_async_copy(
                    vals0_v, out0_hbm.at[pl.ds(0, 4 * CHUNK)], sem_o).wait()

        issue_idx(0)
        wait_idx(0)
        issue_idx(1)
        prepare(0, 0, 0)
        issue_gather(0, 0)

        def body(t, carry):
            for par in (0, 1):
                s = 2 * t + par
                par1 = 1 - par
                if par == 1:
                    wait_idx(t + 1)
                    issue_idx(t + 2)
                    q1 = (t + 1) % 2
                else:
                    q1 = t % 2
                prepare(s + 1, par1, q1)
                wait_out(s - 1, s >= 1)
                issue_gather(s + 1, par1)
                wait_gather(s, par)
                issue_out(s, par)
            return carry

        lax.fori_loop(0, ITERS, body, 0)

        wait_out(NSTEPS - 1)

    return k


_kernel = _make_kernel()


def kernel(position, edge_index):
    out0, out1 = _kernel(position.reshape(-1), edge_index)

    def as2d(flat):
        y = flat.reshape(N_EDGES // 128, 4, 128).transpose(0, 2, 1)
        return y.reshape(N_EDGES, 4)[:, :3]

    return (as2d(out0), as2d(out1))

# --- scband reference (transcript-rebuilt; emitter-appended) ---
"""Pipeline reference for scband-node-position-67559835566323 (READ-ONLY COPY).

The authoritative reference and input builder live on the scoring server;
editing this copy changes nothing except your own understanding.
"""

import jax, jax.numpy as jnp
import numpy as np

N_NODES = 100000
N_EDGES = 6400000

def setup_inputs(seed: int = 0) -> dict:
    key = jax.random.key(seed)
    k1, k2 = jax.random.split(key)
    position = jax.random.normal(k1, (N_NODES, 3), dtype=jnp.float32)
    edge_index = jax.random.randint(k2, (2, N_EDGES), 0, N_NODES, dtype=jnp.int32)
    return {"position": position, "edge_index": edge_index}

def reference(position, edge_index):
    # NodePosition with selection_index=[0, 1]: GatherNodes with concat_axis=None
    # returns a separate gathered position tensor for each selection index.
    # edge_index has shape (2, M): row 0 = in-node indices, row 1 = out-node indices.
    x_in = jnp.take(position, edge_index[0], axis=0)   # (M, 3)
    x_out = jnp.take(position, edge_index[1], axis=0)  # (M, 3)
    return (x_in, x_out)

if __name__ == "__main__":
    import jax
    _d = setup_inputs()
    print(jax.jit(kernel)(*tuple(_d.values())))

</pallas_src>

<mosaic_0001>
#map = affine_map<(d0, d1) -> (0)>
#map1 = affine_map<(d0, d1) -> (0, 0)>
module attributes {stable_mosaic.version = 14 : i64} {
  func.func @k(%arg0: i32, %arg1: i32, %arg2: memref<300000xf32, #tpu.memory_space<hbm>>, %arg3: memref<2x6400000xi32, #tpu.memory_space<hbm>>, %arg4: memref<25600000xf32, #tpu.memory_space<hbm>>, %arg5: memref<25600000xf32, #tpu.memory_space<hbm>>, %arg6: memref<2x2x5120xi32, #tpu.memory_space<vmem>>, %arg7: memref<15360xi32, #tpu.memory_space<vmem>>, %arg8: memref<15360xi32, #tpu.memory_space<vmem>>, %arg9: memref<20480xf32, #tpu.memory_space<vmem>>, %arg10: memref<20480xf32, #tpu.memory_space<vmem>>, %arg11: memref<300000xf32, #tpu.memory_space<vmem_shared>>, %arg12: memref<!tpu.dma_semaphore, #tpu.memory_space<semaphore_mem>>, %arg13: memref<!tpu.dma_semaphore, #tpu.memory_space<semaphore_mem>>, %arg14: memref<!tpu.dma_semaphore, #tpu.memory_space<semaphore_mem>>) attributes {dimension_semantics = [#tpu.dimension_semantics<core_parallel>, #tpu.dimension_semantics<subcore_parallel>], iteration_bounds = array<i64: 2, 16>, scalar_prefetch = 0 : i64, scratch_operands = 9 : i64, tpu.core_type = #tpu.core_type<sc_vector_subcore>, window_params = [{transform_indices = #map}, {transform_indices = #map1}, {transform_indices = #map}, {transform_indices = #map}]} {
    %mul3A = arith.constant 2 : i32
    %mul3A_0 = arith.muli %arg1, %mul3A : i32
    %add3A = arith.addi %mul3A_0, %arg0 : i32
    %iota3A = tpu.iota {dimensions = array<i32: 0>} : vector<16xi32>
    %eq3A = arith.constant 0 : i32
    %eq3A_1 = arith.cmpi eq, %arg1, %eq3A : i32
    %convert_element_type3A = arith.extui %eq3A_1 : i1 to i32
    %cond3A = arith.constant 0 : i32
    %cond3A_2 = arith.cmpi ne, %convert_element_type3A, %cond3A : i32
    scf.if %cond3A_2 {
      "tpu.region"() ({
        %run_scoped3A = tpu.sem_alloc : memref<!tpu.dma_semaphore, #tpu.memory_space<semaphore_mem>>
        tpu.enqueue_dma source(%arg2 : memref<300000xf32, #tpu.memory_space<hbm>>) target(%arg11 : memref<300000xf32, #tpu.memory_space<vmem_shared>>) target_semaphore(%run_scoped3A : memref<!tpu.dma_semaphore, #tpu.memory_space<semaphore_mem>>)
        tpu.wait_dma2 semaphore(%run_scoped3A : memref<!tpu.dma_semaphore, #tpu.memory_space<semaphore_mem>>) src(%arg2 : memref<300000xf32, #tpu.memory_space<hbm>>) dst(%arg11 : memref<300000xf32, #tpu.memory_space<vmem_shared>>)
        tpu.yield
      }) : () -> ()
    } else {
    }
    %barrier3A = arith.constant 0 : index
    tpu.barrier barrier_id(%barrier3A)
    %add3A_3 = arith.constant 0 : i32
    %add3A_4 = arith.addi %add3A_3, %add3A : i32
    %lt3A = arith.constant 1250 : i32
    %lt3A_5 = arith.cmpi slt, %add3A_4, %lt3A : i32
    %convert_element_type3A_6 = arith.extui %lt3A_5 : i1 to i32
    %cond3A_7 = arith.constant 0 : i32
    %cond3A_8 = arith.cmpi ne, %convert_element_type3A_6, %cond3A_7 : i32
    scf.if %cond3A_8 {
      %add3A_49 = arith.constant 0 : i32
      %add3A_50 = arith.addi %add3A_49, %add3A : i32
      %mul3A_51 = arith.constant 5120 : i32
      %mul3A_52 = arith.muli %add3A_50, %mul3A_51 : i32
      %dma_start3A = arith.constant 0 : i32
      %dma_start3A_53 = arith.constant 0 : i32
      %dma_start3A_54 = arith.constant 0 : i32
      %dma_start3A_55 = tpu.memref_slice %arg6[%dma_start3A, %dma_start3A_53, %dma_start3A_54] : memref<2x2x5120xi32, #tpu.memory_space<vmem>> -> memref<1x2x5120xi32, #tpu.memory_space<vmem>>
      %dma_start3A_56 = tpu.memref_squeeze %dma_start3A_55 : memref<1x2x5120xi32, #tpu.memory_space<vmem>> -> memref<2x5120xi32, #tpu.memory_space<vmem>>
      %dma_start3A_57 = arith.constant 0 : i32
      %dma_start3A_58 = tpu.memref_slice %arg3[%dma_start3A_57, %mul3A_52] : memref<2x6400000xi32, #tpu.memory_space<hbm>> -> memref<2x5120xi32, #tpu.memory_space<hbm>>
      %dma_start3A_59 = arith.constant 0 : i32
      %dma_start3A_60 = arith.constant 0 : i32
      %dma_start3A_61 = tpu.memref_slice %arg6[%dma_start3A, %dma_start3A_59, %dma_start3A_60] : memref<2x2x5120xi32, #tpu.memory_space<vmem>> -> memref<1x2x5120xi32, #tpu.memory_space<vmem>>
      %dma_start3A_62 = tpu.memref_squeeze %dma_start3A_61 : memref<1x2x5120xi32, #tpu.memory_space<vmem>> -> memref<2x5120xi32, #tpu.memory_space<vmem>>
      %dma_start3A_63 = arith.constant 0 : i32
      %dma_start3A_64 = tpu.memref_slice %arg3[%dma_start3A_63, %mul3A_52] : memref<2x6400000xi32, #tpu.memory_space<hbm>> -> memref<2x5120xi32, #tpu.memory_space<hbm>>
      tpu.enqueue_dma source(%dma_start3A_64 : memref<2x5120xi32, #tpu.memory_space<hbm>>) target(%dma_start3A_62 : memref<2x5120xi32, #tpu.memory_space<vmem>>) target_semaphore(%arg14 : memref<!tpu.dma_semaphore, #tpu.memory_space<semaphore_mem>>)
    } else {
    }
    %add3A_9 = arith.constant 0 : i32
    %add3A_10 = arith.addi %add3A_9, %add3A : i32
    %lt3A_11 = arith.constant 1250 : i32
    %lt3A_12 = arith.cmpi slt, %add3A_10, %lt3A_11 : i32
    %convert_element_type3A_13 = arith.extui %lt3A_12 : i1 to i32
    %cond3A_14 = arith.constant 0 : i32
    %cond3A_15 = arith.cmpi ne, %convert_element_type3A_13, %cond3A_14 : i32
    scf.if %cond3A_15 {
      %dma_wait3A = arith.constant 0 : i32
      %dma_wait3A_49 = arith.constant 0 : i32
      %dma_wait3A_50 = arith.constant 0 : i32
      %dma_wait3A_51 = tpu.memref_slice %arg6[%dma_wait3A, %dma_wait3A_49, %dma_wait3A_50] : memref<2x2x5120xi32, #tpu.memory_space<vmem>> -> memref<1x2x5120xi32, #tpu.memory_space<vmem>>
      %dma_wait3A_52 = tpu.memref_squeeze %dma_wait3A_51 : memref<1x2x5120xi32, #tpu.memory_space<vmem>> -> memref<2x5120xi32, #tpu.memory_space<vmem>>
      %dma_wait3A_53 = arith.constant 0 : i32
      %dma_wait3A_54 = arith.constant 0 : i32
      %dma_wait3A_55 = tpu.memref_slice %arg3[%dma_wait3A_53, %dma_wait3A_54] : memref<2x6400000xi32, #tpu.memory_space<hbm>> -> memref<2x5120xi32, #tpu.memory_space<hbm>>
      %dma_wait3A_56 = arith.constant 0 : i32
      %dma_wait3A_57 = arith.constant 0 : i32
      %dma_wait3A_58 = tpu.memref_slice %arg6[%dma_wait3A, %dma_wait3A_56, %dma_wait3A_57] : memref<2x2x5120xi32, #tpu.memory_space<vmem>> -> memref<1x2x5120xi32, #tpu.memory_space<vmem>>
      %dma_wait3A_59 = tpu.memref_squeeze %dma_wait3A_58 : memref<1x2x5120xi32, #tpu.memory_space<vmem>> -> memref<2x5120xi32, #tpu.memory_space<vmem>>
      %dma_wait3A_60 = arith.constant 0 : i32
      %dma_wait3A_61 = arith.constant 0 : i32
      %dma_wait3A_62 = tpu.memref_slice %arg3[%dma_wait3A_60, %dma_wait3A_61] : memref<2x6400000xi32, #tpu.memory_space<hbm>> -> memref<2x5120xi32, #tpu.memory_space<hbm>>
      tpu.wait_dma2 semaphore(%arg14 : memref<!tpu.dma_semaphore, #tpu.memory_space<semaphore_mem>>) src(%dma_wait3A_62 : memref<2x5120xi32, #tpu.memory_space<hbm>>) dst(%dma_wait3A_59 : memref<2x5120xi32, #tpu.memory_space<vmem>>)
    } else {
    }
    %add3A_16 = arith.constant 32 : i32
    %add3A_17 = arith.addi %add3A_16, %add3A : i32
    %lt3A_18 = arith.constant 1250 : i32
    %lt3A_19 = arith.cmpi slt, %add3A_17, %lt3A_18 : i32
    %convert_element_type3A_20 = arith.extui %lt3A_19 : i1 to i32
    %cond3A_21 = arith.constant 0 : i32
    %cond3A_22 = arith.cmpi ne, %convert_element_type3A_20, %cond3A_21 : i32
    scf.if %cond3A_22 {
      %add3A_49 = arith.constant 32 : i32
      %add3A_50 = arith.addi %add3A_49, %add3A : i32
      %mul3A_51 = arith.constant 5120 : i32
      %mul3A_52 = arith.muli %add3A_50, %mul3A_51 : i32
      %dma_start3A = arith.constant 1 : i32
      %dma_start3A_53 = arith.constant 0 : i32
      %dma_start3A_54 = arith.constant 0 : i32
      %dma_start3A_55 = tpu.memref_slice %arg6[%dma_start3A, %dma_start3A_53, %dma_start3A_54] : memref<2x2x5120xi32, #tpu.memory_space<vmem>> -> memref<1x2x5120xi32, #tpu.memory_space<vmem>>
      %dma_start3A_56 = tpu.memref_squeeze %dma_start3A_55 : memref<1x2x5120xi32, #tpu.memory_space<vmem>> -> memref<2x5120xi32, #tpu.memory_space<vmem>>
      %dma_start3A_57 = arith.constant 0 : i32
      %dma_start3A_58 = tpu.memref_slice %arg3[%dma_start3A_57, %mul3A_52] : memref<2x6400000xi32, #tpu.memory_space<hbm>> -> memref<2x5120xi32, #tpu.memory_space<hbm>>
      %dma_start3A_59 = arith.constant 0 : i32
      %dma_start3A_60 = arith.constant 0 : i32
      %dma_start3A_61 = tpu.memref_slice %arg6[%dma_start3A, %dma_start3A_59, %dma_start3A_60] : memref<2x2x5120xi32, #tpu.memory_space<vmem>> -> memref<1x2x5120xi32, #tpu.memory_space<vmem>>
      %dma_start3A_62 = tpu.memref_squeeze %dma_start3A_61 : memref<1x2x5120xi32, #tpu.memory_space<vmem>> -> memref<2x5120xi32, #tpu.memory_space<vmem>>
      %dma_start3A_63 = arith.constant 0 : i32
      %dma_start3A_64 = tpu.memref_slice %arg3[%dma_start3A_63, %mul3A_52] : memref<2x6400000xi32, #tpu.memory_space<hbm>> -> memref<2x5120xi32, #tpu.memory_space<hbm>>
      tpu.enqueue_dma source(%dma_start3A_64 : memref<2x5120xi32, #tpu.memory_space<hbm>>) target(%dma_start3A_62 : memref<2x5120xi32, #tpu.memory_space<vmem>>) target_semaphore(%arg14 : memref<!tpu.dma_semaphore, #tpu.memory_space<semaphore_mem>>)
    } else {
    }
    %add3A_23 = arith.constant 0 : i32
    %add3A_24 = arith.addi %add3A_23, %add3A : i32
    %lt3A_25 = arith.constant 1250 : i32
    %lt3A_26 = arith.cmpi slt, %add3A_24, %lt3A_25 : i32
    %convert_element_type3A_27 = arith.extui %lt3A_26 : i1 to i32
    %cond3A_28 = arith.constant 0 : i32
    %cond3A_29 = arith.cmpi ne, %convert_element_type3A_27, %cond3A_28 : i32
    scf.if %cond3A_29 {
      %scan3A_49 = arith.constant 0 : i32
      %scan3A_50 = arith.constant 0 : i32
      %scan3A_51 = arith.constant 40 : i32
      %scan3A_52 = arith.addi %scan3A_50, %scan3A_51 : i32
      %scan3A_53 = arith.constant 1 : i32
      scf.for %scan3A_55 = %scan3A_50 to %scan3A_52 step %scan3A_53  : i32 {
        %mul3A_56 = arith.constant 128 : i32
        %mul3A_57 = arith.muli %mul3A_56, %scan3A_55 : i32
        %add3A_58 = arith.constant 0 : i32
        %add3A_59 = arith.addi %mul3A_57, %add3A_58 : i32
        %get3A = arith.constant 0 : i32
        %get3A_60 = arith.constant 0 : i32
        %get3A_61 = arith.index_cast %get3A : i32 to index
        %get3A_62 = arith.index_cast %get3A_60 : i32 to index
        %get3A_63 = arith.index_cast %add3A_59 : i32 to index
        %get3A_64 = tpu.vector_load %arg6[%get3A_61, %get3A_62, %get3A_63] {strides = array<i32>} : memref<2x2x5120xi32, #tpu.memory_space<vmem>>, vector<1x1x16xi32>,
        %get3A_65 = vector.shape_cast %get3A_64 : vector<1x1x16xi32> to vector<16xi32>
        %mul3A_66 = arith.constant 3 : i32
        %mul3A_67 = vector.broadcast %mul3A_66 : i32 to vector<16xi32>
        %mul3A_68 = arith.muli %get3A_65, %mul3A_67 : vector<16xi32>
        %mul3A_69 = arith.constant 384 : i32
        %mul3A_70 = arith.muli %mul3A_69, %scan3A_55 : i32
        %add3A_71 = arith.constant 0 : i32
        %add3A_72 = arith.addi %mul3A_70, %add3A_71 : i32
        %swap3A = arith.index_cast %add3A_72 : i32 to index
        %swap3A_73 = tpu.vector_load %arg7[%swap3A] {strides = array<i32>} : memref<15360xi32, #tpu.memory_space<vmem>>, vector<16xi32>,
        %swap3A_74 = vector.shape_cast %swap3A_73 : vector<16xi32> to vector<16xi32>
        %swap3A_75 = vector.shape_cast %mul3A_68 : vector<16xi32> to vector<16xi32>
        tpu.vector_store %arg7[%swap3A], %swap3A_75 {strides = array<i32>} : memref<15360xi32, #tpu.memory_space<vmem>>, vector<16xi32>,
        %add3A_76 = arith.constant 1 : i32
        %add3A_77 = vector.broadcast %add3A_76 : i32 to vector<16xi32>
        %add3A_78 = arith.addi %mul3A_68, %add3A_77 : vector<16xi32>
        %add3A_79 = arith.constant 128 : i32
        %add3A_80 = arith.addi %add3A_72, %add3A_79 : i32
        %swap3A_81 = arith.index_cast %add3A_80 : i32 to index
        %swap3A_82 = tpu.vector_load %arg7[%swap3A_81] {strides = array<i32>} : memref<15360xi32, #tpu.memory_space<vmem>>, vector<16xi32>,
        %swap3A_83 = vector.shape_cast %swap3A_82 : vector<16xi32> to vector<16xi32>
        %swap3A_84 = vector.shape_cast %add3A_78 : vector<16xi32> to vector<16xi32>
        tpu.vector_store %arg7[%swap3A_81], %swap3A_84 {strides = array<i32>} : memref<15360xi32, #tpu.memory_space<vmem>>, vector<16xi32>,
        %add3A_85 = arith.constant 2 : i32
        %add3A_86 = vector.broadcast %add3A_85 : i32 to vector<16xi32>
        %add3A_87 = arith.addi %mul3A_68, %add3A_86 : vector<16xi32>
        %add3A_88 = arith.constant 256 : i32
        %add3A_89 = arith.addi %add3A_72, %add3A_88 : i32
        %swap3A_90 = arith.index_cast %add3A_89 : i32 to index
        %swap3A_91 = tpu.vector_load %arg7[%swap3A_90] {strides = array<i32>} : memref<15360xi32, #tpu.memory_space<vmem>>, vector<16xi32>,
        %swap3A_92 = vector.shape_cast %swap3A_91 : vector<16xi32> to vector<16xi32>
        %swap3A_93 = vector.shape_cast %add3A_87 : vector<16xi32> to vector<16xi32>
        tpu.vector_store %arg7[%swap3A_90], %swap3A_93 {strides = array<i32>} : memref<15360xi32, #tpu.memory_space<vmem>>, vector<16xi32>,
        %mul3A_94 = arith.constant 128 : i32
        %mul3A_95 = arith.muli %mul3A_94, %scan3A_55 : i32
        %add3A_96 = arith.constant 16 : i32
        %add3A_97 = arith.addi %mul3A_95, %add3A_96 : i32
        %get3A_98 = arith.constant 0 : i32
        %get3A_99 = arith.constant 0 : i32
        %get3A_100 = arith.index_cast %get3A_98 : i32 to index
        %get3A_101 = arith.index_cast %get3A_99 : i32 to index
        %get3A_102 = arith.index_cast %add3A_97 : i32 to index
        %get3A_103 = tpu.vector_load %arg6[%get3A_100, %get3A_101, %get3A_102] {strides = array<i32>} : memref<2x2x5120xi32, #tpu.memory_space<vmem>>, vector<1x1x16xi32>,
        %get3A_104 = vector.shape_cast %get3A_103 : vector<1x1x16xi32> to vector<16xi32>
        %mul3A_105 = arith.constant 3 : i32
        %mul3A_106 = vector.broadcast %mul3A_105 : i32 to vector<16xi32>
        %mul3A_107 = arith.muli %get3A_104, %mul3A_106 : vector<16xi32>
        %mul3A_108 = arith.constant 384 : i32
        %mul3A_109 = arith.muli %mul3A_108, %scan3A_55 : i32
        %add3A_110 = arith.constant 16 : i32
        %add3A_111 = arith.addi %mul3A_109, %add3A_110 : i32
        %swap3A_112 = arith.index_cast %add3A_111 : i32 to index
        %swap3A_113 = tpu.vector_load %arg7[%swap3A_112] {strides = array<i32>} : memref<15360xi32, #tpu.memory_space<vmem>>, vector<16xi32>,
        %swap3A_114 = vector.shape_cast %swap3A_113 : vector<16xi32> to vector<16xi32>
        %swap3A_115 = vector.shape_cast %mul3A_107 : vector<16xi32> to vector<16xi32>
        tpu.vector_store %arg7[%swap3A_112], %swap3A_115 {strides = array<i32>} : memref<15360xi32, #tpu.memory_space<vmem>>, vector<16xi32>,
        %add3A_116 = arith.constant 1 : i32
        %add3A_117 = vector.broadcast %add3A_116 : i32 to vector<16xi32>
        %add3A_118 = arith.addi %mul3A_107, %add3A_117 : vector<16xi32>
        %add3A_119 = arith.constant 128 : i32
        %add3A_120 = arith.addi %add3A_111, %add3A_119 : i32
        %swap3A_121 = arith.index_cast %add3A_120 : i32 to index
        %swap3A_122 = tpu.vector_load %arg7[%swap3A_121] {strides = array<i32>} : memref<15360xi32, #tpu.memory_space<vmem>>, vector<16xi32>,
        %swap3A_123 = vector.shape_cast %swap3A_122 : vector<16xi32> to vector<16xi32>
        %swap3A_124 = vector.shape_cast %add3A_118 : vector<16xi32> to vector<16xi32>
        tpu.vector_store %arg7[%swap3A_121], %swap3A_124 {strides = array<i32>} : memref<15360xi32, #tpu.memory_space<vmem>>, vector<16xi32>,
        %add3A_125 = arith.constant 2 : i32
        %add3A_126 = vector.broadcast %add3A_125 : i32 to vector<16xi32>
        %add3A_127 = arith.addi %mul3A_107, %add3A_126 : vector<16xi32>
        %add3A_128 = arith.constant 256 : i32
        %add3A_129 = arith.addi %add3A_111, %add3A_128 : i32
        %swap3A_130 = arith.index_cast %add3A_129 : i32 to index
        %swap3A_131 = tpu.vector_load %arg7[%swap3A_130] {strides = array<i32>} : memref<15360xi32, #tpu.memory_space<vmem>>, vector<16xi32>,
        %swap3A_132 = vector.shape_cast %swap3A_131 : vector<16xi32> to vector<16xi32>
        %swap3A_133 = vector.shape_cast %add3A_127 : vector<16xi32> to vector<16xi32>
        tpu.vector_store %arg7[%swap3A_130], %swap3A_133 {strides = array<i32>} : memref<15360xi32, #tpu.memory_space<vmem>>, vector<16xi32>,
        %mul3A_134 = arith.constant 128 : i32
        %mul3A_135 = arith.muli %mul3A_134, %scan3A_55 : i32
        %add3A_136 = arith.constant 32 : i32
        %add3A_137 = arith.addi %mul3A_135, %add3A_136 : i32
        %get3A_138 = arith.constant 0 : i32
        %get3A_139 = arith.constant 0 : i32
        %get3A_140 = arith.index_cast %get3A_138 : i32 to index
        %get3A_141 = arith.index_cast %get3A_139 : i32 to index
        %get3A_142 = arith.index_cast %add3A_137 : i32 to index
        %get3A_143 = tpu.vector_load %arg6[%get3A_140, %get3A_141, %get3A_142] {strides = array<i32>} : memref<2x2x5120xi32, #tpu.memory_space<vmem>>, vector<1x1x16xi32>,
        %get3A_144 = vector.shape_cast %get3A_143 : vector<1x1x16xi32> to vector<16xi32>
        %mul3A_145 = arith.constant 3 : i32
        %mul3A_146 = vector.broadcast %mul3A_145 : i32 to vector<16xi32>
        %mul3A_147 = arith.muli %get3A_144, %mul3A_146 : vector<16xi32>
        %mul3A_148 = arith.constant 384 : i32
        %mul3A_149 = arith.muli %mul3A_148, %scan3A_55 : i32
        %add3A_150 = arith.constant 32 : i32
        %add3A_151 = arith.addi %mul3A_149, %add3A_150 : i32
        %swap3A_152 = arith.index_cast %add3A_151 : i32 to index
        %swap3A_153 = tpu.vector_load %arg7[%swap3A_152] {strides = array<i32>} : memref<15360xi32, #tpu.memory_space<vmem>>, vector<16xi32>,
        %swap3A_154 = vector.shape_cast %swap3A_153 : vector<16xi32> to vector<16xi32>
        %swap3A_155 = vector.shape_cast %mul3A_147 : vector<16xi32> to vector<16xi32>
        tpu.vector_store %arg7[%swap3A_152], %swap3A_155 {strides = array<i32>} : memref<15360xi32, #tpu.memory_space<vmem>>, vector<16xi32>,
        %add3A_156 = arith.constant 1 : i32
        %add3A_157 = vector.broadcast %add3A_156 : i32 to vector<16xi32>
        %add3A_158 = arith.addi %mul3A_147, %add3A_157 : vector<16xi32>
        %add3A_159 = arith.constant 128 : i32
        %add3A_160 = arith.addi %add3A_151, %add3A_159 : i32
        %swap3A_161 = arith.index_cast %add3A_160 : i32 to index
        %swap3A_162 = tpu.vector_load %arg7[%swap3A_161] {strides = array<i32>} : memref<15360xi32, #tpu.memory_space<vmem>>, vector<16xi32>,
        %swap3A_163 = vector.shape_cast %swap3A_162 : vector<16xi32> to vector<16xi32>
        %swap3A_164 = vector.shape_cast %add3A_158 : vector<16xi32> to vector<16xi32>
        tpu.vector_store %arg7[%swap3A_161], %swap3A_164 {strides = array<i32>} : memref<15360xi32, #tpu.memory_space<vmem>>, vector<16xi32>,
        %add3A_165 = arith.constant 2 : i32
        %add3A_166 = vector.broadcast %add3A_165 : i32 to vector<16xi32>
        %add3A_167 = arith.addi %mul3A_147, %add3A_166 : vector<16xi32>
        %add3A_168 = arith.constant 256 : i32
        %add3A_169 = arith.addi %add3A_151, %add3A_168 : i32
        %swap3A_170 = arith.index_cast %add3A_169 : i32 to index
        %swap3A_171 = tpu.vector_load %arg7[%swap3A_170] {strides = array<i32>} : memref<15360xi32, #tpu.memory_space<vmem>>, vector<16xi32>,
        %swap3A_172 = vector.shape_cast %swap3A_171 : vector<16xi32> to vector<16xi32>
        %swap3A_173 = vector.shape_cast %add3A_167 : vector<16xi32> to vector<16xi32>
        tpu.vector_store %arg7[%swap3A_170], %swap3A_173 {strides = array<i32>} : memref<15360xi32, #tpu.memory_space<vmem>>, vector<16xi32>,
        %mul3A_174 = arith.constant 128 : i32
        %mul3A_175 = arith.muli %mul3A_174, %scan3A_55 : i32
        %add3A_176 = arith.constant 48 : i32
        %add3A_177 = arith.addi %mul3A_175, %add3A_176 : i32
        %get3A_178 = arith.constant 0 : i32
        %get3A_179 = arith.constant 0 : i32
        %get3A_180 = arith.index_cast %get3A_178 : i32 to index
        %get3A_181 = arith.index_cast %get3A_179 : i32 to index
        %get3A_182 = arith.index_cast %add3A_177 : i32 to index
        %get3A_183 = tpu.vector_load %arg6[%get3A_180, %get3A_181, %get3A_182] {strides = array<i32>} : memref<2x2x5120xi32, #tpu.memory_space<vmem>>, vector<1x1x16xi32>,
        %get3A_184 = vector.shape_cast %get3A_183 : vector<1x1x16xi32> to vector<16xi32>
        %mul3A_185 = arith.constant 3 : i32
        %mul3A_186 = vector.broadcast %mul3A_185 : i32 to vector<16xi32>
        %mul3A_187 = arith.muli %get3A_184, %mul3A_186 : vector<16xi32>
        %mul3A_188 = arith.constant 384 : i32
        %mul3A_189 = arith.muli %mul3A_188, %scan3A_55 : i32
        %add3A_190 = arith.constant 48 : i32
        %add3A_191 = arith.addi %mul3A_189, %add3A_190 : i32
        %swap3A_192 = arith.index_cast %add3A_191 : i32 to index
        %swap3A_193 = tpu.vector_load %arg7[%swap3A_192] {strides = array<i32>} : memref<15360xi32, #tpu.memory_space<vmem>>, vector<16xi32>,
        %swap3A_194 = vector.shape_cast %swap3A_193 : vector<16xi32> to vector<16xi32>
        %swap3A_195 = vector.shape_cast %mul3A_187 : vector<16xi32> to vector<16xi32>
        tpu.vector_store %arg7[%swap3A_192], %swap3A_195 {strides = array<i32>} : memref<15360xi32, #tpu.memory_space<vmem>>, vector<16xi32>,
        %add3A_196 = arith.constant 1 : i32
        %add3A_197 = vector.broadcast %add3A_196 : i32 to vector<16xi32>
        %add3A_198 = arith.addi %mul3A_187, %add3A_197 : vector<16xi32>
        %add3A_199 = arith.constant 128 : i32
        %add3A_200 = arith.addi %add3A_191, %add3A_199 : i32
        %swap3A_201 = arith.index_cast %add3A_200 : i32 to index
        %swap3A_202 = tpu.vector_load %arg7[%swap3A_201] {strides = array<i32>} : memref<15360xi32, #tpu.memory_space<vmem>>, vector<16xi32>,
        %swap3A_203 = vector.shape_cast %swap3A_202 : vector<16xi32> to vector<16xi32>
        %swap3A_204 = vector.shape_cast %add3A_198 : vector<16xi32> to vector<16xi32>
        tpu.vector_store %arg7[%swap3A_201], %swap3A_204 {strides = array<i32>} : memref<15360xi32, #tpu.memory_space<vmem>>, vector<16xi32>,
        %add3A_205 = arith.constant 2 : i32
        %add3A_206 = vector.broadcast %add3A_205 : i32 to vector<16xi32>
        %add3A_207 = arith.addi %mul3A_187, %add3A_206 : vector<16xi32>
        %add3A_208 = arith.constant 256 : i32
        %add3A_209 = arith.addi %add3A_191, %add3A_208 : i32
        %swap3A_210 = arith.index_cast %add3A_209 : i32 to index
        %swap3A_211 = tpu.vector_load %arg7[%swap3A_210] {strides = array<i32>} : memref<15360xi32, #tpu.memory_space<vmem>>, vector<16xi32>,
        %swap3A_212 = vector.shape_cast %swap3A_211 : vector<16xi32> to vector<16xi32>
        %swap3A_213 = vector.shape_cast %add3A_207 : vector<16xi32> to vector<16xi32>
        tpu.vector_store %arg7[%swap3A_210], %swap3A_213 {strides = array<i32>} : memref<15360xi32, #tpu.memory_space<vmem>>, vector<16xi32>,
        %mul3A_214 = arith.constant 128 : i32
        %mul3A_215 = arith.muli %mul3A_214, %scan3A_55 : i32
        %add3A_216 = arith.constant 64 : i32
        %add3A_217 = arith.addi %mul3A_215, %add3A_216 : i32
        %get3A_218 = arith.constant 0 : i32
        %get3A_219 = arith.constant 0 : i32
        %get3A_220 = arith.index_cast %get3A_218 : i32 to index
        %get3A_221 = arith.index_cast %get3A_219 : i32 to index
        %get3A_222 = arith.index_cast %add3A_217 : i32 to index
        %get3A_223 = tpu.vector_load %arg6[%get3A_220, %get3A_221, %get3A_222] {strides = array<i32>} : memref<2x2x5120xi32, #tpu.memory_space<vmem>>, vector<1x1x16xi32>,
        %get3A_224 = vector.shape_cast %get3A_223 : vector<1x1x16xi32> to vector<16xi32>
        %mul3A_225 = arith.constant 3 : i32
        %mul3A_226 = vector.broadcast %mul3A_225 : i32 to vector<16xi32>
        %mul3A_227 = arith.muli %get3A_224, %mul3A_226 : vector<16xi32>
        %mul3A_228 = arith.constant 384 : i32
        %mul3A_229 = arith.muli %mul3A_228, %scan3A_55 : i32
        %add3A_230 = arith.constant 64 : i32
        %add3A_231 = arith.addi %mul3A_229, %add3A_230 : i32
        %swap3A_232 = arith.index_cast %add3A_231 : i32 to index
        %swap3A_233 = tpu.vector_load %arg7[%swap3A_232] {strides = array<i32>} : memref<15360xi32, #tpu.memory_space<vmem>>, vector<16xi32>,
        %swap3A_234 = vector.shape_cast %swap3A_233 : vector<16xi32> to vector<16xi32>
        %swap3A_235 = vector.shape_cast %mul3A_227 : vector<16xi32> to vector<16xi32>
        tpu.vector_store %arg7[%swap3A_232], %swap3A_235 {strides = array<i32>} : memref<15360xi32, #tpu.memory_space<vmem>>, vector<16xi32>,
        %add3A_236 = arith.constant 1 : i32
        %add3A_237 = vector.broadcast %add3A_236 : i32 to vector<16xi32>
        %add3A_238 = arith.addi %mul3A_227, %add3A_237 : vector<16xi32>
        %add3A_239 = arith.constant 128 : i32
        %add3A_240 = arith.addi %add3A_231, %add3A_239 : i32
        %swap3A_241 = arith.index_cast %add3A_240 : i32 to index
        %swap3A_242 = tpu.vector_load %arg7[%swap3A_241] {strides = array<i32>} : memref<15360xi32, #tpu.memory_space<vmem>>, vector<16xi32>,
        %swap3A_243 = vector.shape_cast %swap3A_242 : vector<16xi32> to vector<16xi32>
        %swap3A_244 = vector.shape_cast %add3A_238 : vector<16xi32> to vector<16xi32>
        tpu.vector_store %arg7[%swap3A_241], %swap3A_244 {strides = array<i32>} : memref<15360xi32, #tpu.memory_space<vmem>>, vector<16xi32>,
        %add3A_245 = arith.constant 2 : i32
        %add3A_246 = vector.broadcast %add3A_245 : i32 to vector<16xi32>
        %add3A_247 = arith.addi %mul3A_227, %add3A_246 : vector<16xi32>
        %add3A_248 = arith.constant 256 : i32
        %add3A_249 = arith.addi %add3A_231, %add3A_248 : i32
        %swap3A_250 = arith.index_cast %add3A_249 : i32 to index
        %swap3A_251 = tpu.vector_load %arg7[%swap3A_250] {strides = array<i32>} : memref<15360xi32, #tpu.memory_space<vmem>>, vector<16xi32>,
        %swap3A_252 = vector.shape_cast %swap3A_251 : vector<16xi32> to vector<16xi32>
        %swap3A_253 = vector.shape_cast %add3A_247 : vector<16xi32> to vector<16xi32>
        tpu.vector_store %arg7[%swap3A_250], %swap3A_253 {strides = array<i32>} : memref<15360xi32, #tpu.memory_space<vmem>>, vector<16xi32>,
        %mul3A_254 = arith.constant 128 : i32
        %mul3A_255 = arith.muli %mul3A_254, %scan3A_55 : i32
        %add3A_256 = arith.constant 80 : i32
        %add3A_257 = arith.addi %mul3A_255, %add3A_256 : i32
        %get3A_258 = arith.constant 0 : i32
        %get3A_259 = arith.constant 0 : i32
        %get3A_260 = arith.index_cast %get3A_258 : i32 to index
        %get3A_261 = arith.index_cast %get3A_259 : i32 to index
        %get3A_262 = arith.index_cast %add3A_257 : i32 to index
        %get3A_263 = tpu.vector_load %arg6[%get3A_260, %get3A_261, %get3A_262] {strides = array<i32>} : memref<2x2x5120xi32, #tpu.memory_space<vmem>>, vector<1x1x16xi32>,
        %get3A_264 = vector.shape_cast %get3A_263 : vector<1x1x16xi32> to vector<16xi32>
        %mul3A_265 = arith.constant 3 : i32
        %mul3A_266 = vector.broadcast %mul3A_265 : i32 to vector<16xi32>
        %mul3A_267 = arith.muli %get3A_264, %mul3A_266 : vector<16xi32>
        %mul3A_268 = arith.constant 384 : i32
        %mul3A_269 = arith.muli %mul3A_268, %scan3A_55 : i32
        %add3A_270 = arith.constant 80 : i32
        %add3A_271 = arith.addi %mul3A_269, %add3A_270 : i32
        %swap3A_272 = arith.index_cast %add3A_271 : i32 to index
        %swap3A_273 = tpu.vector_load %arg7[%swap3A_272] {strides = array<i32>} : memref<15360xi32, #tpu.memory_space<vmem>>, vector<16xi32>,
        %swap3A_274 = vector.shape_cast %swap3A_273 : vector<16xi32> to vector<16xi32>
        %swap3A_275 = vector.shape_cast %mul3A_267 : vector<16xi32> to vector<16xi32>
        tpu.vector_store %arg7[%swap3A_272], %swap3A_275 {strides = array<i32>} : memref<15360xi32, #tpu.memory_space<vmem>>, vector<16xi32>,
        %add3A_276 = arith.constant 1 : i32
        %add3A_277 = vector.broadcast %add3A_276 : i32 to vector<16xi32>
        %add3A_278 = arith.addi %mul3A_267, %add3A_277 : vector<16xi32>
        %add3A_279 = arith.constant 128 : i32
        %add3A_280 = arith.addi %add3A_271, %add3A_279 : i32
        %swap3A_281 = arith.index_cast %add3A_280 : i32 to index
        %swap3A_282 = tpu.vector_load %arg7[%swap3A_281] {strides = array<i32>} : memref<15360xi32, #tpu.memory_space<vmem>>, vector<16xi32>,
        %swap3A_283 = vector.shape_cast %swap3A_282 : vector<16xi32> to vector<16xi32>
        %swap3A_284 = vector.shape_cast %add3A_278 : vector<16xi32> to vector<16xi32>
        tpu.vector_store %arg7[%swap3A_281], %swap3A_284 {strides = array<i32>} : memref<15360xi32, #tpu.memory_space<vmem>>, vector<16xi32>,
        %add3A_285 = arith.constant 2 : i32
        %add3A_286 = vector.broadcast %add3A_285 : i32 to vector<16xi32>
        %add3A_287 = arith.addi %mul3A_267, %add3A_286 : vector<16xi32>
        %add3A_288 = arith.constant 256 : i32
        %add3A_289 = arith.addi %add3A_271, %add3A_288 : i32
        %swap3A_290 = arith.index_cast %add3A_289 : i32 to index
        %swap3A_291 = tpu.vector_load %arg7[%swap3A_290] {strides = array<i32>} : memref<15360xi32, #tpu.memory_space<vmem>>, vector<16xi32>,
        %swap3A_292 = vector.shape_cast %swap3A_291 : vector<16xi32> to vector<16xi32>
        %swap3A_293 = vector.shape_cast %add3A_287 : vector<16xi32> to vector<16xi32>
        tpu.vector_store %arg7[%swap3A_290], %swap3A_293 {strides = array<i32>} : memref<15360xi32, #tpu.memory_space<vmem>>, vector<16xi32>,
        %mul3A_294 = arith.constant 128 : i32
        %mul3A_295 = arith.muli %mul3A_294, %scan3A_55 : i32
        %add3A_296 = arith.constant 96 : i32
        %add3A_297 = arith.addi %mul3A_295, %add3A_296 : i32
        %get3A_298 = arith.constant 0 : i32
        %get3A_299 = arith.constant 0 : i32
        %get3A_300 = arith.index_cast %get3A_298 : i32 to index
        %get3A_301 = arith.index_cast %get3A_299 : i32 to index
        %get3A_302 = arith.index_cast %add3A_297 : i32 to index
        %get3A_303 = tpu.vector_load %arg6[%get3A_300, %get3A_301, %get3A_302] {strides = array<i32>} : memref<2x2x5120xi32, #tpu.memory_space<vmem>>, vector<1x1x16xi32>,
        %get3A_304 = vector.shape_cast %get3A_303 : vector<1x1x16xi32> to vector<16xi32>
        %mul3A_305 = arith.constant 3 : i32
        %mul3A_306 = vector.broadcast %mul3A_305 : i32 to vector<16xi32>
        %mul3A_307 = arith.muli %get3A_304, %mul3A_306 : vector<16xi32>
        %mul3A_308 = arith.constant 384 : i32
        %mul3A_309 = arith.muli %mul3A_308, %scan3A_55 : i32
        %add3A_310 = arith.constant 96 : i32
        %add3A_311 = arith.addi %mul3A_309, %add3A_310 : i32
        %swap3A_312 = arith.index_cast %add3A_311 : i32 to index
        %swap3A_313 = tpu.vector_load %arg7[%swap3A_312] {strides = array<i32>} : memref<15360xi32, #tpu.memory_space<vmem>>, vector<16xi32>,
        %swap3A_314 = vector.shape_cast %swap3A_313 : vector<16xi32> to vector<16xi32>
        %swap3A_315 = vector.shape_cast %mul3A_307 : vector<16xi32> to vector<16xi32>
        tpu.vector_store %arg7[%swap3A_312], %swap3A_315 {strides = array<i32>} : memref<15360xi32, #tpu.memory_space<vmem>>, vector<16xi32>,
        %add3A_316 = arith.constant 1 : i32
        %add3A_317 = vector.broadcast %add3A_316 : i32 to vector<16xi32>
        %add3A_318 = arith.addi %mul3A_307, %add3A_317 : vector<16xi32>
        %add3A_319 = arith.constant 128 : i32
        %add3A_320 = arith.addi %add3A_311, %add3A_319 : i32
        %swap3A_321 = arith.index_cast %add3A_320 : i32 to index
        %swap3A_322 = tpu.vector_load %arg7[%swap3A_321] {strides = array<i32>} : memref<15360xi32, #tpu.memory_space<vmem>>, vector<16xi32>,
        %swap3A_323 = vector.shape_cast %swap3A_322 : vector<16xi32> to vector<16xi32>
        %swap3A_324 = vector.shape_cast %add3A_318 : vector<16xi32> to vector<16xi32>
        tpu.vector_store %arg7[%swap3A_321], %swap3A_324 {strides = array<i32>} : memref<15360xi32, #tpu.memory_space<vmem>>, vector<16xi32>,
        %add3A_325 = arith.constant 2 : i32
        %add3A_326 = vector.broadcast %add3A_325 : i32 to vector<16xi32>
        %add3A_327 = arith.addi %mul3A_307, %add3A_326 : vector<16xi32>
        %add3A_328 = arith.constant 256 : i32
        %add3A_329 = arith.addi %add3A_311, %add3A_328 : i32
        %swap3A_330 = arith.index_cast %add3A_329 : i32 to index
        %swap3A_331 = tpu.vector_load %arg7[%swap3A_330] {strides = array<i32>} : memref<15360xi32, #tpu.memory_space<vmem>>, vector<16xi32>,
        %swap3A_332 = vector.shape_cast %swap3A_331 : vector<16xi32> to vector<16xi32>
        %swap3A_333 = vector.shape_cast %add3A_327 : vector<16xi32> to vector<16xi32>
        tpu.vector_store %arg7[%swap3A_330], %swap3A_333 {strides = array<i32>} : memref<15360xi32, #tpu.memory_space<vmem>>, vector<16xi32>,
        %mul3A_334 = arith.constant 128 : i32
        %mul3A_335 = arith.muli %mul3A_334, %scan3A_55 : i32
        %add3A_336 = arith.constant 112 : i32
        %add3A_337 = arith.addi %mul3A_335, %add3A_336 : i32
        %get3A_338 = arith.constant 0 : i32
        %get3A_339 = arith.constant 0 : i32
        %get3A_340 = arith.index_cast %get3A_338 : i32 to index
        %get3A_341 = arith.index_cast %get3A_339 : i32 to index
        %get3A_342 = arith.index_cast %add3A_337 : i32 to index
        %get3A_343 = tpu.vector_load %arg6[%get3A_340, %get3A_341, %get3A_342] {strides = array<i32>} : memref<2x2x5120xi32, #tpu.memory_space<vmem>>, vector<1x1x16xi32>,
        %get3A_344 = vector.shape_cast %get3A_343 : vector<1x1x16xi32> to vector<16xi32>
        %mul3A_345 = arith.constant 3 : i32
        %mul3A_346 = vector.broadcast %mul3A_345 : i32 to vector<16xi32>
        %mul3A_347 = arith.muli %get3A_344, %mul3A_346 : vector<16xi32>
        %mul3A_348 = arith.constant 384 : i32
        %mul3A_349 = arith.muli %mul3A_348, %scan3A_55 : i32
        %add3A_350 = arith.constant 112 : i32
        %add3A_351 = arith.addi %mul3A_349, %add3A_350 : i32
        %swap3A_352 = arith.index_cast %add3A_351 : i32 to index
        %swap3A_353 = tpu.vector_load %arg7[%swap3A_352] {strides = array<i32>} : memref<15360xi32, #tpu.memory_space<vmem>>, vector<16xi32>,
        %swap3A_354 = vector.shape_cast %swap3A_353 : vector<16xi32> to vector<16xi32>
        %swap3A_355 = vector.shape_cast %mul3A_347 : vector<16xi32> to vector<16xi32>
        tpu.vector_store %arg7[%swap3A_352], %swap3A_355 {strides = array<i32>} : memref<15360xi32, #tpu.memory_space<vmem>>, vector<16xi32>,
        %add3A_356 = arith.constant 1 : i32
        %add3A_357 = vector.broadcast %add3A_356 : i32 to vector<16xi32>
        %add3A_358 = arith.addi %mul3A_347, %add3A_357 : vector<16xi32>
        %add3A_359 = arith.constant 128 : i32
        %add3A_360 = arith.addi %add3A_351, %add3A_359 : i32
        %swap3A_361 = arith.index_cast %add3A_360 : i32 to index
        %swap3A_362 = tpu.vector_load %arg7[%swap3A_361] {strides = array<i32>} : memref<15360xi32, #tpu.memory_space<vmem>>, vector<16xi32>,
        %swap3A_363 = vector.shape_cast %swap3A_362 : vector<16xi32> to vector<16xi32>
        %swap3A_364 = vector.shape_cast %add3A_358 : vector<16xi32> to vector<16xi32>
        tpu.vector_store %arg7[%swap3A_361], %swap3A_364 {strides = array<i32>} : memref<15360xi32, #tpu.memory_space<vmem>>, vector<16xi32>,
        %add3A_365 = arith.constant 2 : i32
        %add3A_366 = vector.broadcast %add3A_365 : i32 to vector<16xi32>
        %add3A_367 = arith.addi %mul3A_347, %add3A_366 : vector<16xi32>
        %add3A_368 = arith.constant 256 : i32
        %add3A_369 = arith.addi %add3A_351, %add3A_368 : i32
        %swap3A_370 = arith.index_cast %add3A_369 : i32 to index
        %swap3A_371 = tpu.vector_load %arg7[%swap3A_370] {strides = array<i32>} : memref<15360xi32, #tpu.memory_space<vmem>>, vector<16xi32>,
        %swap3A_372 = vector.shape_cast %swap3A_371 : vector<16xi32> to vector<16xi32>
        %swap3A_373 = vector.shape_cast %add3A_367 : vector<16xi32> to vector<16xi32>
        tpu.vector_store %arg7[%swap3A_370], %swap3A_373 {strides = array<i32>} : memref<15360xi32, #tpu.memory_space<vmem>>, vector<16xi32>,
      }
      %scan3A_54 = arith.constant 40 : i32
    } else {
    }
    %add3A_30 = arith.constant 0 : i32
    %add3A_31 = arith.addi %add3A_30, %add3A : i32
    %lt3A_32 = arith.constant 1250 : i32
    %lt3A_33 = arith.cmpi slt, %add3A_31, %lt3A_32 : i32
    %convert_element_type3A_34 = arith.extui %lt3A_33 : i1 to i32
    %cond3A_35 = arith.constant 0 : i32
    %cond3A_36 = arith.cmpi ne, %convert_element_type3A_34, %cond3A_35 : i32
    scf.if %cond3A_36 {
      %dma_start3A = arith.constant 0 : i32
      %dma_start3A_49 = tpu.memref_slice %arg9[%dma_start3A] : memref<20480xf32, #tpu.memory_space<vmem>> -> memref<384xf32, #tpu.memory_space<vmem>>
      %dma_start3A_50 = arith.constant 0 : i32
      %dma_start3A_51 = tpu.memref_slice %arg7[%dma_start3A_50] : memref<15360xi32, #tpu.memory_space<vmem>> -> memref<384xi32, #tpu.memory_space<vmem>>
      %dma_start3A_52 = arith.constant 0 : i32
      %dma_start3A_53 = tpu.memref_slice %arg11[%dma_start3A_52] : memref<300000xf32, #tpu.memory_space<vmem_shared>> -> memref<300000xf32, #tpu.memory_space<vmem_shared>>
      tpu.enqueue_indirect_dma source(%dma_start3A_53 : memref<300000xf32, #tpu.memory_space<vmem_shared>>) target(%dma_start3A_49 : memref<384xf32, #tpu.memory_space<vmem>>) offsets(%dma_start3A_51 : memref<384xi32, #tpu.memory_space<vmem>>) semaphore(%arg12 : memref<!tpu.dma_semaphore, #tpu.memory_space<semaphore_mem>>)
      %dma_start3A_54 = arith.constant 512 : i32
      %dma_start3A_55 = tpu.memref_slice %arg9[%dma_start3A_54] : memref<20480xf32, #tpu.memory_space<vmem>> -> memref<384xf32, #tpu.memory_space<vmem>>
      %dma_start3A_56 = arith.constant 384 : i32
      %dma_start3A_57 = tpu.memref_slice %arg7[%dma_start3A_56] : memref<15360xi32, #tpu.memory_space<vmem>> -> memref<384xi32, #tpu.memory_space<vmem>>
      %dma_start3A_58 = arith.constant 0 : i32
      %dma_start3A_59 = tpu.memref_slice %arg11[%dma_start3A_58] : memref<300000xf32, #tpu.memory_space<vmem_shared>> -> memref<300000xf32, #tpu.memory_space<vmem_shared>>
      tpu.enqueue_indirect_dma source(%dma_start3A_59 : memref<300000xf32, #tpu.memory_space<vmem_shared>>) target(%dma_start3A_55 : memref<384xf32, #tpu.memory_space<vmem>>) offsets(%dma_start3A_57 : memref<384xi32, #tpu.memory_space<vmem>>) semaphore(%arg12 : memref<!tpu.dma_semaphore, #tpu.memory_space<semaphore_mem>>)
      %dma_start3A_60 = arith.constant 1024 : i32
      %dma_start3A_61 = tpu.memref_slice %arg9[%dma_start3A_60] : memref<20480xf32, #tpu.memory_space<vmem>> -> memref<384xf32, #tpu.memory_space<vmem>>
      %dma_start3A_62 = arith.constant 768 : i32
      %dma_start3A_63 = tpu.memref_slice %arg7[%dma_start3A_62] : memref<15360xi32, #tpu.memory_space<vmem>> -> memref<384xi32, #tpu.memory_space<vmem>>
      %dma_start3A_64 = arith.constant 0 : i32
      %dma_start3A_65 = tpu.memref_slice %arg11[%dma_start3A_64] : memref<300000xf32, #tpu.memory_space<vmem_shared>> -> memref<300000xf32, #tpu.memory_space<vmem_shared>>
      tpu.enqueue_indirect_dma source(%dma_start3A_65 : memref<300000xf32, #tpu.memory_space<vmem_shared>>) target(%dma_start3A_61 : memref<384xf32, #tpu.memory_space<vmem>>) offsets(%dma_start3A_63 : memref<384xi32, #tpu.memory_space<vmem>>) semaphore(%arg12 : memref<!tpu.dma_semaphore, #tpu.memory_space<semaphore_mem>>)
      %dma_start3A_66 = arith.constant 1536 : i32
      %dma_start3A_67 = tpu.memref_slice %arg9[%dma_start3A_66] : memref<20480xf32, #tpu.memory_space<vmem>> -> memref<384xf32, #tpu.memory_space<vmem>>
      %dma_start3A_68 = arith.constant 1152 : i32
      %dma_start3A_69 = tpu.memref_slice %arg7[%dma_start3A_68] : memref<15360xi32, #tpu.memory_space<vmem>> -> memref<384xi32, #tpu.memory_space<vmem>>
      %dma_start3A_70 = arith.constant 0 : i32
      %dma_start3A_71 = tpu.memref_slice %arg11[%dma_start3A_70] : memref<300000xf32, #tpu.memory_space<vmem_shared>> -> memref<300000xf32, #tpu.memory_space<vmem_shared>>
      tpu.enqueue_indirect_dma source(%dma_start3A_71 : memref<300000xf32, #tpu.memory_space<vmem_shared>>) target(%dma_start3A_67 : memref<384xf32, #tpu.memory_space<vmem>>) offsets(%dma_start3A_69 : memref<384xi32, #tpu.memory_space<vmem>>) semaphore(%arg12 : memref<!tpu.dma_semaphore, #tpu.memory_space<semaphore_mem>>)
      %dma_start3A_72 = arith.constant 2048 : i32
      %dma_start3A_73 = tpu.memref_slice %arg9[%dma_start3A_72] : memref<20480xf32, #tpu.memory_space<vmem>> -> memref<384xf32, #tpu.memory_space<vmem>>
      %dma_start3A_74 = arith.constant 1536 : i32
      %dma_start3A_75 = tpu.memref_slice %arg7[%dma_start3A_74] : memref<15360xi32, #tpu.memory_space<vmem>> -> memref<384xi32, #tpu.memory_space<vmem>>
      %dma_start3A_76 = arith.constant 0 : i32
      %dma_start3A_77 = tpu.memref_slice %arg11[%dma_start3A_76] : memref<300000xf32, #tpu.memory_space<vmem_shared>> -> memref<300000xf32, #tpu.memory_space<vmem_shared>>
      tpu.enqueue_indirect_dma source(%dma_start3A_77 : memref<300000xf32, #tpu.memory_space<vmem_shared>>) target(%dma_start3A_73 : memref<384xf32, #tpu.memory_space<vmem>>) offsets(%dma_start3A_75 : memref<384xi32, #tpu.memory_space<vmem>>) semaphore(%arg12 : memref<!tpu.dma_semaphore, #tpu.memory_space<semaphore_mem>>)
      %dma_start3A_78 = arith.constant 2560 : i32
      %dma_start3A_79 = tpu.memref_slice %arg9[%dma_start3A_78] : memref<20480xf32, #tpu.memory_space<vmem>> -> memref<384xf32, #tpu.memory_space<vmem>>
      %dma_start3A_80 = arith.constant 1920 : i32
      %dma_start3A_81 = tpu.memref_slice %arg7[%dma_start3A_80] : memref<15360xi32, #tpu.memory_space<vmem>> -> memref<384xi32, #tpu.memory_space<vmem>>
      %dma_start3A_82 = arith.constant 0 : i32
      %dma_start3A_83 = tpu.memref_slice %arg11[%dma_start3A_82] : memref<300000xf32, #tpu.memory_space<vmem_shared>> -> memref<300000xf32, #tpu.memory_space<vmem_shared>>
      tpu.enqueue_indirect_dma source(%dma_start3A_83 : memref<300000xf32, #tpu.memory_space<vmem_shared>>) target(%dma_start3A_79 : memref<384xf32, #tpu.memory_space<vmem>>) offsets(%dma_start3A_81 : memref<384xi32, #tpu.memory_space<vmem>>) semaphore(%arg12 : memref<!tpu.dma_semaphore, #tpu.memory_space<semaphore_mem>>)
      %dma_start3A_84 = arith.constant 3072 : i32
      %dma_start3A_85 = tpu.memref_slice %arg9[%dma_start3A_84] : memref<20480xf32, #tpu.memory_space<vmem>> -> memref<384xf32, #tpu.memory_space<vmem>>
      %dma_start3A_86 = arith.constant 2304 : i32
      %dma_start3A_87 = tpu.memref_slice %arg7[%dma_start3A_86] : memref<15360xi32, #tpu.memory_space<vmem>> -> memref<384xi32, #tpu.memory_space<vmem>>
      %dma_start3A_88 = arith.constant 0 : i32
      %dma_start3A_89 = tpu.memref_slice %arg11[%dma_start3A_88] : memref<300000xf32, #tpu.memory_space<vmem_shared>> -> memref<300000xf32, #tpu.memory_space<vmem_shared>>
      tpu.enqueue_indirect_dma source(%dma_start3A_89 : memref<300000xf32, #tpu.memory_space<vmem_shared>>) target(%dma_start3A_85 : memref<384xf32, #tpu.memory_space<vmem>>) offsets(%dma_start3A_87 : memref<384xi32, #tpu.memory_space<vmem>>) semaphore(%arg12 : memref<!tpu.dma_semaphore, #tpu.memory_space<semaphore_mem>>)
      %dma_start3A_90 = arith.constant 3584 : i32
      %dma_start3A_91 = tpu.memref_slice %arg9[%dma_start3A_90] : memref<20480xf32, #tpu.memory_space<vmem>> -> memref<384xf32, #tpu.memory_space<vmem>>
      %dma_start3A_92 = arith.constant 2688 : i32
      %dma_start3A_93 = tpu.memref_slice %arg7[%dma_start3A_92] : memref<15360xi32, #tpu.memory_space<vmem>> -> memref<384xi32, #tpu.memory_space<vmem>>
      %dma_start3A_94 = arith.constant 0 : i32
      %dma_start3A_95 = tpu.memref_slice %arg11[%dma_start3A_94] : memref<300000xf32, #tpu.memory_space<vmem_shared>> -> memref<300000xf32, #tpu.memory_space<vmem_shared>>
      tpu.enqueue_indirect_dma source(%dma_start3A_95 : memref<300000xf32, #tpu.memory_space<vmem_shared>>) target(%dma_start3A_91 : memref<384xf32, #tpu.memory_space<vmem>>) offsets(%dma_start3A_93 : memref<384xi32, #tpu.memory_space<vmem>>) semaphore(%arg12 : memref<!tpu.dma_semaphore, #tpu.memory_space<semaphore_mem>>)
      %dma_start3A_96 = arith.constant 4096 : i32
      %dma_start3A_97 = tpu.memref_slice %arg9[%dma_start3A_96] : memref<20480xf32, #tpu.memory_space<vmem>> -> memref<384xf32, #tpu.memory_space<vmem>>
      %dma_start3A_98 = arith.constant 3072 : i32
      %dma_start3A_99 = tpu.memref_slice %arg7[%dma_start3A_98] : memref<15360xi32, #tpu.memory_space<vmem>> -> memref<384xi32, #tpu.memory_space<vmem>>
      %dma_start3A_100 = arith.constant 0 : i32
      %dma_start3A_101 = tpu.memref_slice %arg11[%dma_start3A_100] : memref<300000xf32, #tpu.memory_space<vmem_shared>> -> memref<300000xf32, #tpu.memory_space<vmem_shared>>
      tpu.enqueue_indirect_dma source(%dma_start3A_101 : memref<300000xf32, #tpu.memory_space<vmem_shared>>) target(%dma_start3A_97 : memref<384xf32, #tpu.memory_space<vmem>>) offsets(%dma_start3A_99 : memref<384xi32, #tpu.memory_space<vmem>>) semaphore(%arg12 : memref<!tpu.dma_semaphore, #tpu.memory_space<semaphore_mem>>)
      %dma_start3A_102 = arith.constant 4608 : i32
      %dma_start3A_103 = tpu.memref_slice %arg9[%dma_start3A_102] : memref<20480xf32, #tpu.memory_space<vmem>> -> memref<384xf32, #tpu.memory_space<vmem>>
      %dma_start3A_104 = arith.constant 3456 : i32
      %dma_start3A_105 = tpu.memref_slice %arg7[%dma_start3A_104] : memref<15360xi32, #tpu.memory_space<vmem>> -> memref<384xi32, #tpu.memory_space<vmem>>
      %dma_start3A_106 = arith.constant 0 : i32
      %dma_start3A_107 = tpu.memref_slice %arg11[%dma_start3A_106] : memref<300000xf32, #tpu.memory_space<vmem_shared>> -> memref<300000xf32, #tpu.memory_space<vmem_shared>>
      tpu.enqueue_indirect_dma source(%dma_start3A_107 : memref<300000xf32, #tpu.memory_space<vmem_shared>>) target(%dma_start3A_103 : memref<384xf32, #tpu.memory_space<vmem>>) offsets(%dma_start3A_105 : memref<384xi32, #tpu.memory_space<vmem>>) semaphore(%arg12 : memref<!tpu.dma_semaphore, #tpu.memory_space<semaphore_mem>>)
      %dma_start3A_108 = arith.constant 5120 : i32
      %dma_start3A_109 = tpu.memref_slice %arg9[%dma_start3A_108] : memref<20480xf32, #tpu.memory_space<vmem>> -> memref<384xf32, #tpu.memory_space<vmem>>
      %dma_start3A_110 = arith.constant 3840 : i32
      %dma_start3A_111 = tpu.memref_slice %arg7[%dma_start3A_110] : memref<15360xi32, #tpu.memory_space<vmem>> -> memref<384xi32, #tpu.memory_space<vmem>>
      %dma_start3A_112 = arith.constant 0 : i32
      %dma_start3A_113 = tpu.memref_slice %arg11[%dma_start3A_112] : memref<300000xf32, #tpu.memory_space<vmem_shared>> -> memref<300000xf32, #tpu.memory_space<vmem_shared>>
      tpu.enqueue_indirect_dma source(%dma_start3A_113 : memref<300000xf32, #tpu.memory_space<vmem_shared>>) target(%dma_start3A_109 : memref<384xf32, #tpu.memory_space<vmem>>) offsets(%dma_start3A_111 : memref<384xi32, #tpu.memory_space<vmem>>) semaphore(%arg12 : memref<!tpu.dma_semaphore, #tpu.memory_space<semaphore_mem>>)
      %dma_start3A_114 = arith.constant 5632 : i32
      %dma_start3A_115 = tpu.memref_slice %arg9[%dma_start3A_114] : memref<20480xf32, #tpu.memory_space<vmem>> -> memref<384xf32, #tpu.memory_space<vmem>>
      %dma_start3A_116 = arith.constant 4224 : i32
      %dma_start3A_117 = tpu.memref_slice %arg7[%dma_start3A_116] : memref<15360xi32, #tpu.memory_space<vmem>> -> memref<384xi32, #tpu.memory_space<vmem>>
      %dma_start3A_118 = arith.constant 0 : i32
      %dma_start3A_119 = tpu.memref_slice %arg11[%dma_start3A_118] : memref<300000xf32, #tpu.memory_space<vmem_shared>> -> memref<300000xf32, #tpu.memory_space<vmem_shared>>
      tpu.enqueue_indirect_dma source(%dma_start3A_119 : memref<300000xf32, #tpu.memory_space<vmem_shared>>) target(%dma_start3A_115 : memref<384xf32, #tpu.memory_space<vmem>>) offsets(%dma_start3A_117 : memref<384xi32, #tpu.memory_space<vmem>>) semaphore(%arg12 : memref<!tpu.dma_semaphore, #tpu.memory_space<semaphore_mem>>)
      %dma_start3A_120 = arith.constant 6144 : i32
      %dma_start3A_121 = tpu.memref_slice %arg9[%dma_start3A_120] : memref<20480xf32, #tpu.memory_space<vmem>> -> memref<384xf32, #tpu.memory_space<vmem>>
      %dma_start3A_122 = arith.constant 4608 : i32
      %dma_start3A_123 = tpu.memref_slice %arg7[%dma_start3A_122] : memref<15360xi32, #tpu.memory_space<vmem>> -> memref<384xi32, #tpu.memory_space<vmem>>
      %dma_start3A_124 = arith.constant 0 : i32
      %dma_start3A_125 = tpu.memref_slice %arg11[%dma_start3A_124] : memref<300000xf32, #tpu.memory_space<vmem_shared>> -> memref<300000xf32, #tpu.memory_space<vmem_shared>>
      tpu.enqueue_indirect_dma source(%dma_start3A_125 : memref<300000xf32, #tpu.memory_space<vmem_shared>>) target(%dma_start3A_121 : memref<384xf32, #tpu.memory_space<vmem>>) offsets(%dma_start3A_123 : memref<384xi32, #tpu.memory_space<vmem>>) semaphore(%arg12 : memref<!tpu.dma_semaphore, #tpu.memory_space<semaphore_mem>>)
      %dma_start3A_126 = arith.constant 6656 : i32
      %dma_start3A_127 = tpu.memref_slice %arg9[%dma_start3A_126] : memref<20480xf32, #tpu.memory_space<vmem>> -> memref<384xf32, #tpu.memory_space<vmem>>
      %dma_start3A_128 = arith.constant 4992 : i32
      %dma_start3A_129 = tpu.memref_slice %arg7[%dma_start3A_128] : memref<15360xi32, #tpu.memory_space<vmem>> -> memref<384xi32, #tpu.memory_space<vmem>>
      %dma_start3A_130 = arith.constant 0 : i32
      %dma_start3A_131 = tpu.memref_slice %arg11[%dma_start3A_130] : memref<300000xf32, #tpu.memory_space<vmem_shared>> -> memref<300000xf32, #tpu.memory_space<vmem_shared>>
      tpu.enqueue_indirect_dma source(%dma_start3A_131 : memref<300000xf32, #tpu.memory_space<vmem_shared>>) target(%dma_start3A_127 : memref<384xf32, #tpu.memory_space<vmem>>) offsets(%dma_start3A_129 : memref<384xi32, #tpu.memory_space<vmem>>) semaphore(%arg12 : memref<!tpu.dma_semaphore, #tpu.memory_space<semaphore_mem>>)
      %dma_start3A_132 = arith.constant 7168 : i32
      %dma_start3A_133 = tpu.memref_slice %arg9[%dma_start3A_132] : memref<20480xf32, #tpu.memory_space<vmem>> -> memref<384xf32, #tpu.memory_space<vmem>>
      %dma_start3A_134 = arith.constant 5376 : i32
      %dma_start3A_135 = tpu.memref_slice %arg7[%dma_start3A_134] : memref<15360xi32, #tpu.memory_space<vmem>> -> memref<384xi32, #tpu.memory_space<vmem>>
      %dma_start3A_136 = arith.constant 0 : i32
      %dma_start3A_137 = tpu.memref_slice %arg11[%dma_start3A_136] : memref<300000xf32, #tpu.memory_space<vmem_shared>> -> memref<300000xf32, #tpu.memory_space<vmem_shared>>
      tpu.enqueue_indirect_dma source(%dma_start3A_137 : memref<300000xf32, #tpu.memory_space<vmem_shared>>) target(%dma_start3A_133 : memref<384xf32, #tpu.memory_space<vmem>>) offsets(%dma_start3A_135 : memref<384xi32, #tpu.memory_space<vmem>>) semaphore(%arg12 : memref<!tpu.dma_semaphore, #tpu.memory_space<semaphore_mem>>)
      %dma_start3A_138 = arith.constant 7680 : i32
      %dma_start3A_139 = tpu.memref_slice %arg9[%dma_start3A_138] : memref<20480xf32, #tpu.memory_space<vmem>> -> memref<384xf32, #tpu.memory_space<vmem>>
      %dma_start3A_140 = arith.constant 5760 : i32
      %dma_start3A_141 = tpu.memref_slice %arg7[%dma_start3A_140] : memref<15360xi32, #tpu.memory_space<vmem>> -> memref<384xi32, #tpu.memory_space<vmem>>
      %dma_start3A_142 = arith.constant 0 : i32
      %dma_start3A_143 = tpu.memref_slice %arg11[%dma_start3A_142] : memref<300000xf32, #tpu.memory_space<vmem_shared>> -> memref<300000xf32, #tpu.memory_space<vmem_shared>>
      tpu.enqueue_indirect_dma source(%dma_start3A_143 : memref<300000xf32, #tpu.memory_space<vmem_shared>>) target(%dma_start3A_139 : memref<384xf32, #tpu.memory_space<vmem>>) offsets(%dma_start3A_141 : memref<384xi32, #tpu.memory_space<vmem>>) semaphore(%arg12 : memref<!tpu.dma_semaphore, #tpu.memory_space<semaphore_mem>>)
      %dma_start3A_144 = arith.constant 8192 : i32
      %dma_start3A_145 = tpu.memref_slice %arg9[%dma_start3A_144] : memref<20480xf32, #tpu.memory_space<vmem>> -> memref<384xf32, #tpu.memory_space<vmem>>
      %dma_start3A_146 = arith.constant 6144 : i32
      %dma_start3A_147 = tpu.memref_slice %arg7[%dma_start3A_146] : memref<15360xi32, #tpu.memory_space<vmem>> -> memref<384xi32, #tpu.memory_space<vmem>>
      %dma_start3A_148 = arith.constant 0 : i32
      %dma_start3A_149 = tpu.memref_slice %arg11[%dma_start3A_148] : memref<300000xf32, #tpu.memory_space<vmem_shared>> -> memref<300000xf32, #tpu.memory_space<vmem_shared>>
      tpu.enqueue_indirect_dma source(%dma_start3A_149 : memref<300000xf32, #tpu.memory_space<vmem_shared>>) target(%dma_start3A_145 : memref<384xf32, #tpu.memory_space<vmem>>) offsets(%dma_start3A_147 : memref<384xi32, #tpu.memory_space<vmem>>) semaphore(%arg12 : memref<!tpu.dma_semaphore, #tpu.memory_space<semaphore_mem>>)
      %dma_start3A_150 = arith.constant 8704 : i32
      %dma_start3A_151 = tpu.memref_slice %arg9[%dma_start3A_150] : memref<20480xf32, #tpu.memory_space<vmem>> -> memref<384xf32, #tpu.memory_space<vmem>>
      %dma_start3A_152 = arith.constant 6528 : i32
      %dma_start3A_153 = tpu.memref_slice %arg7[%dma_start3A_152] : memref<15360xi32, #tpu.memory_space<vmem>> -> memref<384xi32, #tpu.memory_space<vmem>>
      %dma_start3A_154 = arith.constant 0 : i32
      %dma_start3A_155 = tpu.memref_slice %arg11[%dma_start3A_154] : memref<300000xf32, #tpu.memory_space<vmem_shared>> -> memref<300000xf32, #tpu.memory_space<vmem_shared>>
      tpu.enqueue_indirect_dma source(%dma_start3A_155 : memref<300000xf32, #tpu.memory_space<vmem_shared>>) target(%dma_start3A_151 : memref<384xf32, #tpu.memory_space<vmem>>) offsets(%dma_start3A_153 : memref<384xi32, #tpu.memory_space<vmem>>) semaphore(%arg12 : memref<!tpu.dma_semaphore, #tpu.memory_space<semaphore_mem>>)
      %dma_start3A_156 = arith.constant 9216 : i32
      %dma_start3A_157 = tpu.memref_slice %arg9[%dma_start3A_156] : memref<20480xf32, #tpu.memory_space<vmem>> -> memref<384xf32, #tpu.memory_space<vmem>>
      %dma_start3A_158 = arith.constant 6912 : i32
      %dma_start3A_159 = tpu.memref_slice %arg7[%dma_start3A_158] : memref<15360xi32, #tpu.memory_space<vmem>> -> memref<384xi32, #tpu.memory_space<vmem>>
      %dma_start3A_160 = arith.constant 0 : i32
      %dma_start3A_161 = tpu.memref_slice %arg11[%dma_start3A_160] : memref<300000xf32, #tpu.memory_space<vmem_shared>> -> memref<300000xf32, #tpu.memory_space<vmem_shared>>
      tpu.enqueue_indirect_dma source(%dma_start3A_161 : memref<300000xf32, #tpu.memory_space<vmem_shared>>) target(%dma_start3A_157 : memref<384xf32, #tpu.memory_space<vmem>>) offsets(%dma_start3A_159 : memref<384xi32, #tpu.memory_space<vmem>>) semaphore(%arg12 : memref<!tpu.dma_semaphore, #tpu.memory_space<semaphore_mem>>)
      %dma_start3A_162 = arith.constant 9728 : i32
      %dma_start3A_163 = tpu.memref_slice %arg9[%dma_start3A_162] : memref<20480xf32, #tpu.memory_space<vmem>> -> memref<384xf32, #tpu.memory_space<vmem>>
      %dma_start3A_164 = arith.constant 7296 : i32
      %dma_start3A_165 = tpu.memref_slice %arg7[%dma_start3A_164] : memref<15360xi32, #tpu.memory_space<vmem>> -> memref<384xi32, #tpu.memory_space<vmem>>
      %dma_start3A_166 = arith.constant 0 : i32
      %dma_start3A_167 = tpu.memref_slice %arg11[%dma_start3A_166] : memref<300000xf32, #tpu.memory_space<vmem_shared>> -> memref<300000xf32, #tpu.memory_space<vmem_shared>>
      tpu.enqueue_indirect_dma source(%dma_start3A_167 : memref<300000xf32, #tpu.memory_space<vmem_shared>>) target(%dma_start3A_163 : memref<384xf32, #tpu.memory_space<vmem>>) offsets(%dma_start3A_165 : memref<384xi32, #tpu.memory_space<vmem>>) semaphore(%arg12 : memref<!tpu.dma_semaphore, #tpu.memory_space<semaphore_mem>>)
      %dma_start3A_168 = arith.constant 10240 : i32
      %dma_start3A_169 = tpu.memref_slice %arg9[%dma_start3A_168] : memref<20480xf32, #tpu.memory_space<vmem>> -> memref<384xf32, #tpu.memory_space<vmem>>
      %dma_start3A_170 = arith.constant 7680 : i32
      %dma_start3A_171 = tpu.memref_slice %arg7[%dma_start3A_170] : memref<15360xi32, #tpu.memory_space<vmem>> -> memref<384xi32, #tpu.memory_space<vmem>>
      %dma_start3A_172 = arith.constant 0 : i32
      %dma_start3A_173 = tpu.memref_slice %arg11[%dma_start3A_172] : memref<300000xf32, #tpu.memory_space<vmem_shared>> -> memref<300000xf32, #tpu.memory_space<vmem_shared>>
      tpu.enqueue_indirect_dma source(%dma_start3A_173 : memref<300000xf32, #tpu.memory_space<vmem_shared>>) target(%dma_start3A_169 : memref<384xf32, #tpu.memory_space<vmem>>) offsets(%dma_start3A_171 : memref<384xi32, #tpu.memory_space<vmem>>) semaphore(%arg12 : memref<!tpu.dma_semaphore, #tpu.memory_space<semaphore_mem>>)
      %dma_start3A_174 = arith.constant 10752 : i32
      %dma_start3A_175 = tpu.memref_slice %arg9[%dma_start3A_174] : memref<20480xf32, #tpu.memory_space<vmem>> -> memref<384xf32, #tpu.memory_space<vmem>>
      %dma_start3A_176 = arith.constant 8064 : i32
      %dma_start3A_177 = tpu.memref_slice %arg7[%dma_start3A_176] : memref<15360xi32, #tpu.memory_space<vmem>> -> memref<384xi32, #tpu.memory_space<vmem>>
      %dma_start3A_178 = arith.constant 0 : i32
      %dma_start3A_179 = tpu.memref_slice %arg11[%dma_start3A_178] : memref<300000xf32, #tpu.memory_space<vmem_shared>> -> memref<300000xf32, #tpu.memory_space<vmem_shared>>
      tpu.enqueue_indirect_dma source(%dma_start3A_179 : memref<300000xf32, #tpu.memory_space<vmem_shared>>) target(%dma_start3A_175 : memref<384xf32, #tpu.memory_space<vmem>>) offsets(%dma_start3A_177 : memref<384xi32, #tpu.memory_space<vmem>>) semaphore(%arg12 : memref<!tpu.dma_semaphore, #tpu.memory_space<semaphore_mem>>)
      %dma_start3A_180 = arith.constant 11264 : i32
      %dma_start3A_181 = tpu.memref_slice %arg9[%dma_start3A_180] : memref<20480xf32, #tpu.memory_space<vmem>> -> memref<384xf32, #tpu.memory_space<vmem>>
      %dma_start3A_182 = arith.constant 8448 : i32
      %dma_start3A_183 = tpu.memref_slice %arg7[%dma_start3A_182] : memref<15360xi32, #tpu.memory_space<vmem>> -> memref<384xi32, #tpu.memory_space<vmem>>
      %dma_start3A_184 = arith.constant 0 : i32
      %dma_start3A_185 = tpu.memref_slice %arg11[%dma_start3A_184] : memref<300000xf32, #tpu.memory_space<vmem_shared>> -> memref<300000xf32, #tpu.memory_space<vmem_shared>>
      tpu.enqueue_indirect_dma source(%dma_start3A_185 : memref<300000xf32, #tpu.memory_space<vmem_shared>>) target(%dma_start3A_181 : memref<384xf32, #tpu.memory_space<vmem>>) offsets(%dma_start3A_183 : memref<384xi32, #tpu.memory_space<vmem>>) semaphore(%arg12 : memref<!tpu.dma_semaphore, #tpu.memory_space<semaphore_mem>>)
      %dma_start3A_186 = arith.constant 11776 : i32
      %dma_start3A_187 = tpu.memref_slice %arg9[%dma_start3A_186] : memref<20480xf32, #tpu.memory_space<vmem>> -> memref<384xf32, #tpu.memory_space<vmem>>
      %dma_start3A_188 = arith.constant 8832 : i32
      %dma_start3A_189 = tpu.memref_slice %arg7[%dma_start3A_188] : memref<15360xi32, #tpu.memory_space<vmem>> -> memref<384xi32, #tpu.memory_space<vmem>>
      %dma_start3A_190 = arith.constant 0 : i32
      %dma_start3A_191 = tpu.memref_slice %arg11[%dma_start3A_190] : memref<300000xf32, #tpu.memory_space<vmem_shared>> -> memref<300000xf32, #tpu.memory_space<vmem_shared>>
      tpu.enqueue_indirect_dma source(%dma_start3A_191 : memref<300000xf32, #tpu.memory_space<vmem_shared>>) target(%dma_start3A_187 : memref<384xf32, #tpu.memory_space<vmem>>) offsets(%dma_start3A_189 : memref<384xi32, #tpu.memory_space<vmem>>) semaphore(%arg12 : memref<!tpu.dma_semaphore, #tpu.memory_space<semaphore_mem>>)
      %dma_start3A_192 = arith.constant 12288 : i32
      %dma_start3A_193 = tpu.memref_slice %arg9[%dma_start3A_192] : memref<20480xf32, #tpu.memory_space<vmem>> -> memref<384xf32, #tpu.memory_space<vmem>>
      %dma_start3A_194 = arith.constant 9216 : i32
      %dma_start3A_195 = tpu.memref_slice %arg7[%dma_start3A_194] : memref<15360xi32, #tpu.memory_space<vmem>> -> memref<384xi32, #tpu.memory_space<vmem>>
      %dma_start3A_196 = arith.constant 0 : i32
      %dma_start3A_197 = tpu.memref_slice %arg11[%dma_start3A_196] : memref<300000xf32, #tpu.memory_space<vmem_shared>> -> memref<300000xf32, #tpu.memory_space<vmem_shared>>
      tpu.enqueue_indirect_dma source(%dma_start3A_197 : memref<300000xf32, #tpu.memory_space<vmem_shared>>) target(%dma_start3A_193 : memref<384xf32, #tpu.memory_space<vmem>>) offsets(%dma_start3A_195 : memref<384xi32, #tpu.memory_space<vmem>>) semaphore(%arg12 : memref<!tpu.dma_semaphore, #tpu.memory_space<semaphore_mem>>)
      %dma_start3A_198 = arith.constant 12800 : i32
      %dma_start3A_199 = tpu.memref_slice %arg9[%dma_start3A_198] : memref<20480xf32, #tpu.memory_space<vmem>> -> memref<384xf32, #tpu.memory_space<vmem>>
      %dma_start3A_200 = arith.constant 9600 : i32
      %dma_start3A_201 = tpu.memref_slice %arg7[%dma_start3A_200] : memref<15360xi32, #tpu.memory_space<vmem>> -> memref<384xi32, #tpu.memory_space<vmem>>
      %dma_start3A_202 = arith.constant 0 : i32
      %dma_start3A_203 = tpu.memref_slice %arg11[%dma_start3A_202] : memref<300000xf32, #tpu.memory_space<vmem_shared>> -> memref<300000xf32, #tpu.memory_space<vmem_shared>>
      tpu.enqueue_indirect_dma source(%dma_start3A_203 : memref<300000xf32, #tpu.memory_space<vmem_shared>>) target(%dma_start3A_199 : memref<384xf32, #tpu.memory_space<vmem>>) offsets(%dma_start3A_201 : memref<384xi32, #tpu.memory_space<vmem>>) semaphore(%arg12 : memref<!tpu.dma_semaphore, #tpu.memory_space<semaphore_mem>>)
      %dma_start3A_204 = arith.constant 13312 : i32
      %dma_start3A_205 = tpu.memref_slice %arg9[%dma_start3A_204] : memref<20480xf32, #tpu.memory_space<vmem>> -> memref<384xf32, #tpu.memory_space<vmem>>
      %dma_start3A_206 = arith.constant 9984 : i32
      %dma_start3A_207 = tpu.memref_slice %arg7[%dma_start3A_206] : memref<15360xi32, #tpu.memory_space<vmem>> -> memref<384xi32, #tpu.memory_space<vmem>>
      %dma_start3A_208 = arith.constant 0 : i32
      %dma_start3A_209 = tpu.memref_slice %arg11[%dma_start3A_208] : memref<300000xf32, #tpu.memory_space<vmem_shared>> -> memref<300000xf32, #tpu.memory_space<vmem_shared>>
      tpu.enqueue_indirect_dma source(%dma_start3A_209 : memref<300000xf32, #tpu.memory_space<vmem_shared>>) target(%dma_start3A_205 : memref<384xf32, #tpu.memory_space<vmem>>) offsets(%dma_start3A_207 : memref<384xi32, #tpu.memory_space<vmem>>) semaphore(%arg12 : memref<!tpu.dma_semaphore, #tpu.memory_space<semaphore_mem>>)
      %dma_start3A_210 = arith.constant 13824 : i32
      %dma_start3A_211 = tpu.memref_slice %arg9[%dma_start3A_210] : memref<20480xf32, #tpu.memory_space<vmem>> -> memref<384xf32, #tpu.memory_space<vmem>>
      %dma_start3A_212 = arith.constant 10368 : i32
      %dma_start3A_213 = tpu.memref_slice %arg7[%dma_start3A_212] : memref<15360xi32, #tpu.memory_space<vmem>> -> memref<384xi32, #tpu.memory_space<vmem>>
      %dma_start3A_214 = arith.constant 0 : i32
      %dma_start3A_215 = tpu.memref_slice %arg11[%dma_start3A_214] : memref<300000xf32, #tpu.memory_space<vmem_shared>> -> memref<300000xf32, #tpu.memory_space<vmem_shared>>
      tpu.enqueue_indirect_dma source(%dma_start3A_215 : memref<300000xf32, #tpu.memory_space<vmem_shared>>) target(%dma_start3A_211 : memref<384xf32, #tpu.memory_space<vmem>>) offsets(%dma_start3A_213 : memref<384xi32, #tpu.memory_space<vmem>>) semaphore(%arg12 : memref<!tpu.dma_semaphore, #tpu.memory_space<semaphore_mem>>)
      %dma_start3A_216 = arith.constant 14336 : i32
      %dma_start3A_217 = tpu.memref_slice %arg9[%dma_start3A_216] : memref<20480xf32, #tpu.memory_space<vmem>> -> memref<384xf32, #tpu.memory_space<vmem>>
      %dma_start3A_218 = arith.constant 10752 : i32
      %dma_start3A_219 = tpu.memref_slice %arg7[%dma_start3A_218] : memref<15360xi32, #tpu.memory_space<vmem>> -> memref<384xi32, #tpu.memory_space<vmem>>
      %dma_start3A_220 = arith.constant 0 : i32
      %dma_start3A_221 = tpu.memref_slice %arg11[%dma_start3A_220] : memref<300000xf32, #tpu.memory_space<vmem_shared>> -> memref<300000xf32, #tpu.memory_space<vmem_shared>>
      tpu.enqueue_indirect_dma source(%dma_start3A_221 : memref<300000xf32, #tpu.memory_space<vmem_shared>>) target(%dma_start3A_217 : memref<384xf32, #tpu.memory_space<vmem>>) offsets(%dma_start3A_219 : memref<384xi32, #tpu.memory_space<vmem>>) semaphore(%arg12 : memref<!tpu.dma_semaphore, #tpu.memory_space<semaphore_mem>>)
      %dma_start3A_222 = arith.constant 14848 : i32
      %dma_start3A_223 = tpu.memref_slice %arg9[%dma_start3A_222] : memref<20480xf32, #tpu.memory_space<vmem>> -> memref<384xf32, #tpu.memory_space<vmem>>
      %dma_start3A_224 = arith.constant 11136 : i32
      %dma_start3A_225 = tpu.memref_slice %arg7[%dma_start3A_224] : memref<15360xi32, #tpu.memory_space<vmem>> -> memref<384xi32, #tpu.memory_space<vmem>>
      %dma_start3A_226 = arith.constant 0 : i32
      %dma_start3A_227 = tpu.memref_slice %arg11[%dma_start3A_226] : memref<300000xf32, #tpu.memory_space<vmem_shared>> -> memref<300000xf32, #tpu.memory_space<vmem_shared>>
      tpu.enqueue_indirect_dma source(%dma_start3A_227 : memref<300000xf32, #tpu.memory_space<vmem_shared>>) target(%dma_start3A_223 : memref<384xf32, #tpu.memory_space<vmem>>) offsets(%dma_start3A_225 : memref<384xi32, #tpu.memory_space<vmem>>) semaphore(%arg12 : memref<!tpu.dma_semaphore, #tpu.memory_space<semaphore_mem>>)
      %dma_start3A_228 = arith.constant 15360 : i32
      %dma_start3A_229 = tpu.memref_slice %arg9[%dma_start3A_228] : memref<20480xf32, #tpu.memory_space<vmem>> -> memref<384xf32, #tpu.memory_space<vmem>>
      %dma_start3A_230 = arith.constant 11520 : i32
      %dma_start3A_231 = tpu.memref_slice %arg7[%dma_start3A_230] : memref<15360xi32, #tpu.memory_space<vmem>> -> memref<384xi32, #tpu.memory_space<vmem>>
      %dma_start3A_232 = arith.constant 0 : i32
      %dma_start3A_233 = tpu.memref_slice %arg11[%dma_start3A_232] : memref<300000xf32, #tpu.memory_space<vmem_shared>> -> memref<300000xf32, #tpu.memory_space<vmem_shared>>
      tpu.enqueue_indirect_dma source(%dma_start3A_233 : memref<300000xf32, #tpu.memory_space<vmem_shared>>) target(%dma_start3A_229 : memref<384xf32, #tpu.memory_space<vmem>>) offsets(%dma_start3A_231 : memref<384xi32, #tpu.memory_space<vmem>>) semaphore(%arg12 : memref<!tpu.dma_semaphore, #tpu.memory_space<semaphore_mem>>)
      %dma_start3A_234 = arith.constant 15872 : i32
      %dma_start3A_235 = tpu.memref_slice %arg9[%dma_start3A_234] : memref<20480xf32, #tpu.memory_space<vmem>> -> memref<384xf32, #tpu.memory_space<vmem>>
      %dma_start3A_236 = arith.constant 11904 : i32
      %dma_start3A_237 = tpu.memref_slice %arg7[%dma_start3A_236] : memref<15360xi32, #tpu.memory_space<vmem>> -> memref<384xi32, #tpu.memory_space<vmem>>
      %dma_start3A_238 = arith.constant 0 : i32
      %dma_start3A_239 = tpu.memref_slice %arg11[%dma_start3A_238] : memref<300000xf32, #tpu.memory_space<vmem_shared>> -> memref<300000xf32, #tpu.memory_space<vmem_shared>>
      tpu.enqueue_indirect_dma source(%dma_start3A_239 : memref<300000xf32, #tpu.memory_space<vmem_shared>>) target(%dma_start3A_235 : memref<384xf32, #tpu.memory_space<vmem>>) offsets(%dma_start3A_237 : memref<384xi32, #tpu.memory_space<vmem>>) semaphore(%arg12 : memref<!tpu.dma_semaphore, #tpu.memory_space<semaphore_mem>>)
      %dma_start3A_240 = arith.constant 16384 : i32
      %dma_start3A_241 = tpu.memref_slice %arg9[%dma_start3A_240] : memref<20480xf32, #tpu.memory_space<vmem>> -> memref<384xf32, #tpu.memory_space<vmem>>
      %dma_start3A_242 = arith.constant 12288 : i32
      %dma_start3A_243 = tpu.memref_slice %arg7[%dma_start3A_242] : memref<15360xi32, #tpu.memory_space<vmem>> -> memref<384xi32, #tpu.memory_space<vmem>>
      %dma_start3A_244 = arith.constant 0 : i32
      %dma_start3A_245 = tpu.memref_slice %arg11[%dma_start3A_244] : memref<300000xf32, #tpu.memory_space<vmem_shared>> -> memref<300000xf32, #tpu.memory_space<vmem_shared>>
      tpu.enqueue_indirect_dma source(%dma_start3A_245 : memref<300000xf32, #tpu.memory_space<vmem_shared>>) target(%dma_start3A_241 : memref<384xf32, #tpu.memory_space<vmem>>) offsets(%dma_start3A_243 : memref<384xi32, #tpu.memory_space<vmem>>) semaphore(%arg12 : memref<!tpu.dma_semaphore, #tpu.memory_space<semaphore_mem>>)
      %dma_start3A_246 = arith.constant 16896 : i32
      %dma_start3A_247 = tpu.memref_slice %arg9[%dma_start3A_246] : memref<20480xf32, #tpu.memory_space<vmem>> -> memref<384xf32, #tpu.memory_space<vmem>>
      %dma_start3A_248 = arith.constant 12672 : i32
      %dma_start3A_249 = tpu.memref_slice %arg7[%dma_start3A_248] : memref<15360xi32, #tpu.memory_space<vmem>> -> memref<384xi32, #tpu.memory_space<vmem>>
      %dma_start3A_250 = arith.constant 0 : i32
      %dma_start3A_251 = tpu.memref_slice %arg11[%dma_start3A_250] : memref<300000xf32, #tpu.memory_space<vmem_shared>> -> memref<300000xf32, #tpu.memory_space<vmem_shared>>
      tpu.enqueue_indirect_dma source(%dma_start3A_251 : memref<300000xf32, #tpu.memory_space<vmem_shared>>) target(%dma_start3A_247 : memref<384xf32, #tpu.memory_space<vmem>>) offsets(%dma_start3A_249 : memref<384xi32, #tpu.memory_space<vmem>>) semaphore(%arg12 : memref<!tpu.dma_semaphore, #tpu.memory_space<semaphore_mem>>)
      %dma_start3A_252 = arith.constant 17408 : i32
      %dma_start3A_253 = tpu.memref_slice %arg9[%dma_start3A_252] : memref<20480xf32, #tpu.memory_space<vmem>> -> memref<384xf32, #tpu.memory_space<vmem>>
      %dma_start3A_254 = arith.constant 13056 : i32
      %dma_start3A_255 = tpu.memref_slice %arg7[%dma_start3A_254] : memref<15360xi32, #tpu.memory_space<vmem>> -> memref<384xi32, #tpu.memory_space<vmem>>
      %dma_start3A_256 = arith.constant 0 : i32
      %dma_start3A_257 = tpu.memref_slice %arg11[%dma_start3A_256] : memref<300000xf32, #tpu.memory_space<vmem_shared>> -> memref<300000xf32, #tpu.memory_space<vmem_shared>>
      tpu.enqueue_indirect_dma source(%dma_start3A_257 : memref<300000xf32, #tpu.memory_space<vmem_shared>>) target(%dma_start3A_253 : memref<384xf32, #tpu.memory_space<vmem>>) offsets(%dma_start3A_255 : memref<384xi32, #tpu.memory_space<vmem>>) semaphore(%arg12 : memref<!tpu.dma_semaphore, #tpu.memory_space<semaphore_mem>>)
      %dma_start3A_258 = arith.constant 17920 : i32
      %dma_start3A_259 = tpu.memref_slice %arg9[%dma_start3A_258] : memref<20480xf32, #tpu.memory_space<vmem>> -> memref<384xf32, #tpu.memory_space<vmem>>
      %dma_start3A_260 = arith.constant 13440 : i32
      %dma_start3A_261 = tpu.memref_slice %arg7[%dma_start3A_260] : memref<15360xi32, #tpu.memory_space<vmem>> -> memref<384xi32, #tpu.memory_space<vmem>>
      %dma_start3A_262 = arith.constant 0 : i32
      %dma_start3A_263 = tpu.memref_slice %arg11[%dma_start3A_262] : memref<300000xf32, #tpu.memory_space<vmem_shared>> -> memref<300000xf32, #tpu.memory_space<vmem_shared>>
      tpu.enqueue_indirect_dma source(%dma_start3A_263 : memref<300000xf32, #tpu.memory_space<vmem_shared>>) target(%dma_start3A_259 : memref<384xf32, #tpu.memory_space<vmem>>) offsets(%dma_start3A_261 : memref<384xi32, #tpu.memory_space<vmem>>) semaphore(%arg12 : memref<!tpu.dma_semaphore, #tpu.memory_space<semaphore_mem>>)
      %dma_start3A_264 = arith.constant 18432 : i32
      %dma_start3A_265 = tpu.memref_slice %arg9[%dma_start3A_264] : memref<20480xf32, #tpu.memory_space<vmem>> -> memref<384xf32, #tpu.memory_space<vmem>>
      %dma_start3A_266 = arith.constant 13824 : i32
      %dma_start3A_267 = tpu.memref_slice %arg7[%dma_start3A_266] : memref<15360xi32, #tpu.memory_space<vmem>> -> memref<384xi32, #tpu.memory_space<vmem>>
      %dma_start3A_268 = arith.constant 0 : i32
      %dma_start3A_269 = tpu.memref_slice %arg11[%dma_start3A_268] : memref<300000xf32, #tpu.memory_space<vmem_shared>> -> memref<300000xf32, #tpu.memory_space<vmem_shared>>
      tpu.enqueue_indirect_dma source(%dma_start3A_269 : memref<300000xf32, #tpu.memory_space<vmem_shared>>) target(%dma_start3A_265 : memref<384xf32, #tpu.memory_space<vmem>>) offsets(%dma_start3A_267 : memref<384xi32, #tpu.memory_space<vmem>>) semaphore(%arg12 : memref<!tpu.dma_semaphore, #tpu.memory_space<semaphore_mem>>)
      %dma_start3A_270 = arith.constant 18944 : i32
      %dma_start3A_271 = tpu.memref_slice %arg9[%dma_start3A_270] : memref<20480xf32, #tpu.memory_space<vmem>> -> memref<384xf32, #tpu.memory_space<vmem>>
      %dma_start3A_272 = arith.constant 14208 : i32
      %dma_start3A_273 = tpu.memref_slice %arg7[%dma_start3A_272] : memref<15360xi32, #tpu.memory_space<vmem>> -> memref<384xi32, #tpu.memory_space<vmem>>
      %dma_start3A_274 = arith.constant 0 : i32
      %dma_start3A_275 = tpu.memref_slice %arg11[%dma_start3A_274] : memref<300000xf32, #tpu.memory_space<vmem_shared>> -> memref<300000xf32, #tpu.memory_space<vmem_shared>>
      tpu.enqueue_indirect_dma source(%dma_start3A_275 : memref<300000xf32, #tpu.memory_space<vmem_shared>>) target(%dma_start3A_271 : memref<384xf32, #tpu.memory_space<vmem>>) offsets(%dma_start3A_273 : memref<384xi32, #tpu.memory_space<vmem>>) semaphore(%arg12 : memref<!tpu.dma_semaphore, #tpu.memory_space<semaphore_mem>>)
      %dma_start3A_276 = arith.constant 19456 : i32
      %dma_start3A_277 = tpu.memref_slice %arg9[%dma_start3A_276] : memref<20480xf32, #tpu.memory_space<vmem>> -> memref<384xf32, #tpu.memory_space<vmem>>
      %dma_start3A_278 = arith.constant 14592 : i32
      %dma_start3A_279 = tpu.memref_slice %arg7[%dma_start3A_278] : memref<15360xi32, #tpu.memory_space<vmem>> -> memref<384xi32, #tpu.memory_space<vmem>>
      %dma_start3A_280 = arith.constant 0 : i32
      %dma_start3A_281 = tpu.memref_slice %arg11[%dma_start3A_280] : memref<300000xf32, #tpu.memory_space<vmem_shared>> -> memref<300000xf32, #tpu.memory_space<vmem_shared>>
      tpu.enqueue_indirect_dma source(%dma_start3A_281 : memref<300000xf32, #tpu.memory_space<vmem_shared>>) target(%dma_start3A_277 : memref<384xf32, #tpu.memory_space<vmem>>) offsets(%dma_start3A_279 : memref<384xi32, #tpu.memory_space<vmem>>) semaphore(%arg12 : memref<!tpu.dma_semaphore, #tpu.memory_space<semaphore_mem>>)
      %dma_start3A_282 = arith.constant 19968 : i32
      %dma_start3A_283 = tpu.memref_slice %arg9[%dma_start3A_282] : memref<20480xf32, #tpu.memory_space<vmem>> -> memref<384xf32, #tpu.memory_space<vmem>>
      %dma_start3A_284 = arith.constant 14976 : i32
      %dma_start3A_285 = tpu.memref_slice %arg7[%dma_start3A_284] : memref<15360xi32, #tpu.memory_space<vmem>> -> memref<384xi32, #tpu.memory_space<vmem>>
      %dma_start3A_286 = arith.constant 0 : i32
      %dma_start3A_287 = tpu.memref_slice %arg11[%dma_start3A_286] : memref<300000xf32, #tpu.memory_space<vmem_shared>> -> memref<300000xf32, #tpu.memory_space<vmem_shared>>
      tpu.enqueue_indirect_dma source(%dma_start3A_287 : memref<300000xf32, #tpu.memory_space<vmem_shared>>) target(%dma_start3A_283 : memref<384xf32, #tpu.memory_space<vmem>>) offsets(%dma_start3A_285 : memref<384xi32, #tpu.memory_space<vmem>>) semaphore(%arg12 : memref<!tpu.dma_semaphore, #tpu.memory_space<semaphore_mem>>)
    } else {
    }
    %scan3A = arith.constant 0 : i32
    %scan3A_37 = arith.constant 0 : i32
    %scan3A_38 = arith.constant 40 : i32
    %scan3A_39 = arith.addi %scan3A_37, %scan3A_38 : i32
    %scan3A_40 = arith.constant 1 : i32
    scf.for %scan3A_49 = %scan3A_37 to %scan3A_39 step %scan3A_40  : i32 {
      %mul3A_50 = arith.constant 2 : i32
      %mul3A_51 = arith.muli %mul3A_50, %scan3A_49 : i32
      %add3A_52 = arith.constant 0 : i32
      %add3A_53 = arith.addi %mul3A_51, %add3A_52 : i32
      %jit3A = arith.constant 2 : i32
      %eq3A_54 = arith.constant 0 : i32
      %eq3A_55 = arith.cmpi eq, %jit3A, %eq3A_54 : i32
      %jit3A_56 = arith.constant 1 : i32
      %select_n3A = arith.select %eq3A_55, %jit3A_56, %jit3A : i32
      %rem3A = arith.remsi %scan3A_49, %select_n3A : i32
      %ne3A = arith.constant 0 : i32
      %ne3A_57 = arith.cmpi ne, %rem3A, %ne3A : i32
      %lt3A_58 = arith.constant 0 : i32
      %lt3A_59 = arith.cmpi slt, %rem3A, %lt3A_58 : i32
      %lt3A_60 = arith.constant 0 : i32
      %lt3A_61 = arith.cmpi slt, %select_n3A, %lt3A_60 : i32
      %ne3A_62 = arith.xori %lt3A_59, %lt3A_61 : i1
      %and3A = arith.andi %ne3A_62, %ne3A_57 : i1
      %add3A_63 = arith.addi %rem3A, %select_n3A : i32
      %select_n3A_64 = arith.select %and3A, %add3A_63, %rem3A : i32
      %add3A_65 = arith.constant 1 : i32
      %add3A_66 = arith.addi %add3A_53, %add3A_65 : i32
      %jit3A_67 = arith.constant 2 : i32
      %div3A = arith.divsi %add3A_66, %jit3A_67 : i32
      %sign3A = arith.constant 0 : i32
      %sign3A_68 = arith.cmpi sgt, %add3A_66, %sign3A : i32
      %sign3A_69 = arith.extui %sign3A_68 : i1 to i32
      %sign3A_70 = arith.constant 0 : i32
      %sign3A_71 = arith.cmpi slt, %add3A_66, %sign3A_70 : i32
      %sign3A_72 = arith.extui %sign3A_71 : i1 to i32
      %sign3A_73 = arith.subi %sign3A_69, %sign3A_72 : i32
      %sign3A_74 = arith.constant 0 : i32
      %sign3A_75 = arith.cmpi sgt, %jit3A_67, %sign3A_74 : i32
      %sign3A_76 = arith.extui %sign3A_75 : i1 to i32
      %sign3A_77 = arith.constant 0 : i32
      %sign3A_78 = arith.cmpi slt, %jit3A_67, %sign3A_77 : i32
      %sign3A_79 = arith.extui %sign3A_78 : i1 to i32
      %sign3A_80 = arith.subi %sign3A_76, %sign3A_79 : i32
      %ne3A_81 = arith.cmpi ne, %sign3A_73, %sign3A_80 : i32
      %rem3A_82 = arith.remsi %add3A_66, %jit3A_67 : i32
      %ne3A_83 = arith.constant 0 : i32
      %ne3A_84 = arith.cmpi ne, %rem3A_82, %ne3A_83 : i32
      %and3A_85 = arith.andi %ne3A_81, %ne3A_84 : i1
      %sub3A = arith.constant 1 : i32
      %sub3A_86 = arith.subi %div3A, %sub3A : i32
      %select_n3A_87 = arith.select %and3A_85, %sub3A_86, %div3A : i32
      %mul3A_88 = arith.constant 32 : i32
      %mul3A_89 = arith.muli %select_n3A_87, %mul3A_88 : i32
      %add3A_90 = arith.addi %mul3A_89, %add3A : i32
      %lt3A_91 = arith.constant 1250 : i32
      %lt3A_92 = arith.cmpi slt, %add3A_90, %lt3A_91 : i32
      %convert_element_type3A_93 = arith.extui %lt3A_92 : i1 to i32
      %cond3A_94 = arith.constant 0 : i32
      %cond3A_95 = arith.cmpi ne, %convert_element_type3A_93, %cond3A_94 : i32
      scf.if %cond3A_95 {
        %scan3A_441 = arith.constant 0 : i32
        %scan3A_442 = arith.constant 0 : i32
        %scan3A_443 = arith.constant 40 : i32
        %scan3A_444 = arith.addi %scan3A_442, %scan3A_443 : i32
        %scan3A_445 = arith.constant 1 : i32
        scf.for %scan3A_447 = %scan3A_442 to %scan3A_444 step %scan3A_445  : i32 {
          %mul3A_448 = arith.constant 128 : i32
          %mul3A_449 = arith.muli %mul3A_448, %scan3A_447 : i32
          %add3A_450 = arith.constant 0 : i32
          %add3A_451 = arith.addi %mul3A_449, %add3A_450 : i32
          %get3A = arith.constant 1 : i32
          %get3A_452 = arith.index_cast %select_n3A_64 : i32 to index
          %get3A_453 = arith.index_cast %get3A : i32 to index
          %get3A_454 = arith.index_cast %add3A_451 : i32 to index
          %get3A_455 = tpu.vector_load %arg6[%get3A_452, %get3A_453, %get3A_454] {strides = array<i32>} : memref<2x2x5120xi32, #tpu.memory_space<vmem>>, vector<1x1x16xi32>,
          %get3A_456 = vector.shape_cast %get3A_455 : vector<1x1x16xi32> to vector<16xi32>
          %mul3A_457 = arith.constant 3 : i32
          %mul3A_458 = vector.broadcast %mul3A_457 : i32 to vector<16xi32>
          %mul3A_459 = arith.muli %get3A_456, %mul3A_458 : vector<16xi32>
          %mul3A_460 = arith.constant 384 : i32
          %mul3A_461 = arith.muli %mul3A_460, %scan3A_447 : i32
          %add3A_462 = arith.constant 0 : i32
          %add3A_463 = arith.addi %mul3A_461, %add3A_462 : i32
          %swap3A = arith.index_cast %add3A_463 : i32 to index
          %swap3A_464 = tpu.vector_load %arg8[%swap3A] {strides = array<i32>} : memref<15360xi32, #tpu.memory_space<vmem>>, vector<16xi32>,
          %swap3A_465 = vector.shape_cast %swap3A_464 : vector<16xi32> to vector<16xi32>
          %swap3A_466 = vector.shape_cast %mul3A_459 : vector<16xi32> to vector<16xi32>
          tpu.vector_store %arg8[%swap3A], %swap3A_466 {strides = array<i32>} : memref<15360xi32, #tpu.memory_space<vmem>>, vector<16xi32>,
          %add3A_467 = arith.constant 1 : i32
          %add3A_468 = vector.broadcast %add3A_467 : i32 to vector<16xi32>
          %add3A_469 = arith.addi %mul3A_459, %add3A_468 : vector<16xi32>
          %add3A_470 = arith.constant 128 : i32
          %add3A_471 = arith.addi %add3A_463, %add3A_470 : i32
          %swap3A_472 = arith.index_cast %add3A_471 : i32 to index
          %swap3A_473 = tpu.vector_load %arg8[%swap3A_472] {strides = array<i32>} : memref<15360xi32, #tpu.memory_space<vmem>>, vector<16xi32>,
          %swap3A_474 = vector.shape_cast %swap3A_473 : vector<16xi32> to vector<16xi32>
          %swap3A_475 = vector.shape_cast %add3A_469 : vector<16xi32> to vector<16xi32>
          tpu.vector_store %arg8[%swap3A_472], %swap3A_475 {strides = array<i32>} : memref<15360xi32, #tpu.memory_space<vmem>>, vector<16xi32>,
          %add3A_476 = arith.constant 2 : i32
          %add3A_477 = vector.broadcast %add3A_476 : i32 to vector<16xi32>
          %add3A_478 = arith.addi %mul3A_459, %add3A_477 : vector<16xi32>
          %add3A_479 = arith.constant 256 : i32
          %add3A_480 = arith.addi %add3A_463, %add3A_479 : i32
          %swap3A_481 = arith.index_cast %add3A_480 : i32 to index
          %swap3A_482 = tpu.vector_load %arg8[%swap3A_481] {strides = array<i32>} : memref<15360xi32, #tpu.memory_space<vmem>>, vector<16xi32>,
          %swap3A_483 = vector.shape_cast %swap3A_482 : vector<16xi32> to vector<16xi32>
          %swap3A_484 = vector.shape_cast %add3A_478 : vector<16xi32> to vector<16xi32>
          tpu.vector_store %arg8[%swap3A_481], %swap3A_484 {strides = array<i32>} : memref<15360xi32, #tpu.memory_space<vmem>>, vector<16xi32>,
          %mul3A_485 = arith.constant 128 : i32
          %mul3A_486 = arith.muli %mul3A_485, %scan3A_447 : i32
          %add3A_487 = arith.constant 16 : i32
          %add3A_488 = arith.addi %mul3A_486, %add3A_487 : i32
          %get3A_489 = arith.constant 1 : i32
          %get3A_490 = arith.index_cast %select_n3A_64 : i32 to index
          %get3A_491 = arith.index_cast %get3A_489 : i32 to index
          %get3A_492 = arith.index_cast %add3A_488 : i32 to index
          %get3A_493 = tpu.vector_load %arg6[%get3A_490, %get3A_491, %get3A_492] {strides = array<i32>} : memref<2x2x5120xi32, #tpu.memory_space<vmem>>, vector<1x1x16xi32>,
          %get3A_494 = vector.shape_cast %get3A_493 : vector<1x1x16xi32> to vector<16xi32>
          %mul3A_495 = arith.constant 3 : i32
          %mul3A_496 = vector.broadcast %mul3A_495 : i32 to vector<16xi32>
          %mul3A_497 = arith.muli %get3A_494, %mul3A_496 : vector<16xi32>
          %mul3A_498 = arith.constant 384 : i32
          %mul3A_499 = arith.muli %mul3A_498, %scan3A_447 : i32
          %add3A_500 = arith.constant 16 : i32
          %add3A_501 = arith.addi %mul3A_499, %add3A_500 : i32
          %swap3A_502 = arith.index_cast %add3A_501 : i32 to index
          %swap3A_503 = tpu.vector_load %arg8[%swap3A_502] {strides = array<i32>} : memref<15360xi32, #tpu.memory_space<vmem>>, vector<16xi32>,
          %swap3A_504 = vector.shape_cast %swap3A_503 : vector<16xi32> to vector<16xi32>
          %swap3A_505 = vector.shape_cast %mul3A_497 : vector<16xi32> to vector<16xi32>
          tpu.vector_store %arg8[%swap3A_502], %swap3A_505 {strides = array<i32>} : memref<15360xi32, #tpu.memory_space<vmem>>, vector<16xi32>,
          %add3A_506 = arith.constant 1 : i32
          %add3A_507 = vector.broadcast %add3A_506 : i32 to vector<16xi32>
          %add3A_508 = arith.addi %mul3A_497, %add3A_507 : vector<16xi32>
          %add3A_509 = arith.constant 128 : i32
          %add3A_510 = arith.addi %add3A_501, %add3A_509 : i32
          %swap3A_511 = arith.index_cast %add3A_510 : i32 to index
          %swap3A_512 = tpu.vector_load %arg8[%swap3A_511] {strides = array<i32>} : memref<15360xi32, #tpu.memory_space<vmem>>, vector<16xi32>,
          %swap3A_513 = vector.shape_cast %swap3A_512 : vector<16xi32> to vector<16xi32>
          %swap3A_514 = vector.shape_cast %add3A_508 : vector<16xi32> to vector<16xi32>
          tpu.vector_store %arg8[%swap3A_511], %swap3A_514 {strides = array<i32>} : memref<15360xi32, #tpu.memory_space<vmem>>, vector<16xi32>,
          %add3A_515 = arith.constant 2 : i32
          %add3A_516 = vector.broadcast %add3A_515 : i32 to vector<16xi32>
          %add3A_517 = arith.addi %mul3A_497, %add3A_516 : vector<16xi32>
          %add3A_518 = arith.constant 256 : i32
          %add3A_519 = arith.addi %add3A_501, %add3A_518 : i32
          %swap3A_520 = arith.index_cast %add3A_519 : i32 to index
          %swap3A_521 = tpu.vector_load %arg8[%swap3A_520] {strides = array<i32>} : memref<15360xi32, #tpu.memory_space<vmem>>, vector<16xi32>,
          %swap3A_522 = vector.shape_cast %swap3A_521 : vector<16xi32> to vector<16xi32>
          %swap3A_523 = vector.shape_cast %add3A_517 : vector<16xi32> to vector<16xi32>
          tpu.vector_store %arg8[%swap3A_520], %swap3A_523 {strides = array<i32>} : memref<15360xi32, #tpu.memory_space<vmem>>, vector<16xi32>,
          %mul3A_524 = arith.constant 128 : i32
          %mul3A_525 = arith.muli %mul3A_524, %scan3A_447 : i32
          %add3A_526 = arith.constant 32 : i32
          %add3A_527 = arith.addi %mul3A_525, %add3A_526 : i32
          %get3A_528 = arith.constant 1 : i32
          %get3A_529 = arith.index_cast %select_n3A_64 : i32 to index
          %get3A_530 = arith.index_cast %get3A_528 : i32 to index
          %get3A_531 = arith.index_cast %add3A_527 : i32 to index
          %get3A_532 = tpu.vector_load %arg6[%get3A_529, %get3A_530, %get3A_531] {strides = array<i32>} : memref<2x2x5120xi32, #tpu.memory_space<vmem>>, vector<1x1x16xi32>,
          %get3A_533 = vector.shape_cast %get3A_532 : vector<1x1x16xi32> to vector<16xi32>
          %mul3A_534 = arith.constant 3 : i32
          %mul3A_535 = vector.broadcast %mul3A_534 : i32 to vector<16xi32>
          %mul3A_536 = arith.muli %get3A_533, %mul3A_535 : vector<16xi32>
          %mul3A_537 = arith.constant 384 : i32
          %mul3A_538 = arith.muli %mul3A_537, %scan3A_447 : i32
          %add3A_539 = arith.constant 32 : i32
          %add3A_540 = arith.addi %mul3A_538, %add3A_539 : i32
          %swap3A_541 = arith.index_cast %add3A_540 : i32 to index
          %swap3A_542 = tpu.vector_load %arg8[%swap3A_541] {strides = array<i32>} : memref<15360xi32, #tpu.memory_space<vmem>>, vector<16xi32>,
          %swap3A_543 = vector.shape_cast %swap3A_542 : vector<16xi32> to vector<16xi32>
          %swap3A_544 = vector.shape_cast %mul3A_536 : vector<16xi32> to vector<16xi32>
          tpu.vector_store %arg8[%swap3A_541], %swap3A_544 {strides = array<i32>} : memref<15360xi32, #tpu.memory_space<vmem>>, vector<16xi32>,
          %add3A_545 = arith.constant 1 : i32
          %add3A_546 = vector.broadcast %add3A_545 : i32 to vector<16xi32>
          %add3A_547 = arith.addi %mul3A_536, %add3A_546 : vector<16xi32>
          %add3A_548 = arith.constant 128 : i32
          %add3A_549 = arith.addi %add3A_540, %add3A_548 : i32
          %swap3A_550 = arith.index_cast %add3A_549 : i32 to index
          %swap3A_551 = tpu.vector_load %arg8[%swap3A_550] {strides = array<i32>} : memref<15360xi32, #tpu.memory_space<vmem>>, vector<16xi32>,
          %swap3A_552 = vector.shape_cast %swap3A_551 : vector<16xi32> to vector<16xi32>
          %swap3A_553 = vector.shape_cast %add3A_547 : vector<16xi32> to vector<16xi32>
          tpu.vector_store %arg8[%swap3A_550], %swap3A_553 {strides = array<i32>} : memref<15360xi32, #tpu.memory_space<vmem>>, vector<16xi32>,
          %add3A_554 = arith.constant 2 : i32
          %add3A_555 = vector.broadcast %add3A_554 : i32 to vector<16xi32>
          %add3A_556 = arith.addi %mul3A_536, %add3A_555 : vector<16xi32>
          %add3A_557 = arith.constant 256 : i32
          %add3A_558 = arith.addi %add3A_540, %add3A_557 : i32
          %swap3A_559 = arith.index_cast %add3A_558 : i32 to index
          %swap3A_560 = tpu.vector_load %arg8[%swap3A_559] {strides = array<i32>} : memref<15360xi32, #tpu.memory_space<vmem>>, vector<16xi32>,
          %swap3A_561 = vector.shape_cast %swap3A_560 : vector<16xi32> to vector<16xi32>
          %swap3A_562 = vector.shape_cast %add3A_556 : vector<16xi32> to vector<16xi32>
          tpu.vector_store %arg8[%swap3A_559], %swap3A_562 {strides = array<i32>} : memref<15360xi32, #tpu.memory_space<vmem>>, vector<16xi32>,
          %mul3A_563 = arith.constant 128 : i32
          %mul3A_564 = arith.muli %mul3A_563, %scan3A_447 : i32
          %add3A_565 = arith.constant 48 : i32
          %add3A_566 = arith.addi %mul3A_564, %add3A_565 : i32
          %get3A_567 = arith.constant 1 : i32
          %get3A_568 = arith.index_cast %select_n3A_64 : i32 to index
          %get3A_569 = arith.index_cast %get3A_567 : i32 to index
          %get3A_570 = arith.index_cast %add3A_566 : i32 to index
          %get3A_571 = tpu.vector_load %arg6[%get3A_568, %get3A_569, %get3A_570] {strides = array<i32>} : memref<2x2x5120xi32, #tpu.memory_space<vmem>>, vector<1x1x16xi32>,
          %get3A_572 = vector.shape_cast %get3A_571 : vector<1x1x16xi32> to vector<16xi32>
          %mul3A_573 = arith.constant 3 : i32
          %mul3A_574 = vector.broadcast %mul3A_573 : i32 to vector<16xi32>
          %mul3A_575 = arith.muli %get3A_572, %mul3A_574 : vector<16xi32>
          %mul3A_576 = arith.constant 384 : i32
          %mul3A_577 = arith.muli %mul3A_576, %scan3A_447 : i32
          %add3A_578 = arith.constant 48 : i32
          %add3A_579 = arith.addi %mul3A_577, %add3A_578 : i32
          %swap3A_580 = arith.index_cast %add3A_579 : i32 to index
          %swap3A_581 = tpu.vector_load %arg8[%swap3A_580] {strides = array<i32>} : memref<15360xi32, #tpu.memory_space<vmem>>, vector<16xi32>,
          %swap3A_582 = vector.shape_cast %swap3A_581 : vector<16xi32> to vector<16xi32>
          %swap3A_583 = vector.shape_cast %mul3A_575 : vector<16xi32> to vector<16xi32>
          tpu.vector_store %arg8[%swap3A_580], %swap3A_583 {strides = array<i32>} : memref<15360xi32, #tpu.memory_space<vmem>>, vector<16xi32>,
          %add3A_584 = arith.constant 1 : i32
          %add3A_585 = vector.broadcast %add3A_584 : i32 to vector<16xi32>
          %add3A_586 = arith.addi %mul3A_575, %add3A_585 : vector<16xi32>
          %add3A_587 = arith.constant 128 : i32
          %add3A_588 = arith.addi %add3A_579, %add3A_587 : i32
          %swap3A_589 = arith.index_cast %add3A_588 : i32 to index
          %swap3A_590 = tpu.vector_load %arg8[%swap3A_589] {strides = array<i32>} : memref<15360xi32, #tpu.memory_space<vmem>>, vector<16xi32>,
          %swap3A_591 = vector.shape_cast %swap3A_590 : vector<16xi32> to vector<16xi32>
          %swap3A_592 = vector.shape_cast %add3A_586 : vector<16xi32> to vector<16xi32>
          tpu.vector_store %arg8[%swap3A_589], %swap3A_592 {strides = array<i32>} : memref<15360xi32, #tpu.memory_space<vmem>>, vector<16xi32>,
          %add3A_593 = arith.constant 2 : i32
          %add3A_594 = vector.broadcast %add3A_593 : i32 to vector<16xi32>
          %add3A_595 = arith.addi %mul3A_575, %add3A_594 : vector<16xi32>
          %add3A_596 = arith.constant 256 : i32
          %add3A_597 = arith.addi %add3A_579, %add3A_596 : i32
          %swap3A_598 = arith.index_cast %add3A_597 : i32 to index
          %swap3A_599 = tpu.vector_load %arg8[%swap3A_598] {strides = array<i32>} : memref<15360xi32, #tpu.memory_space<vmem>>, vector<16xi32>,
          %swap3A_600 = vector.shape_cast %swap3A_599 : vector<16xi32> to vector<16xi32>
          %swap3A_601 = vector.shape_cast %add3A_595 : vector<16xi32> to vector<16xi32>
          tpu.vector_store %arg8[%swap3A_598], %swap3A_601 {strides = array<i32>} : memref<15360xi32, #tpu.memory_space<vmem>>, vector<16xi32>,
          %mul3A_602 = arith.constant 128 : i32
          %mul3A_603 = arith.muli %mul3A_602, %scan3A_447 : i32
          %add3A_604 = arith.constant 64 : i32
          %add3A_605 = arith.addi %mul3A_603, %add3A_604 : i32
          %get3A_606 = arith.constant 1 : i32
          %get3A_607 = arith.index_cast %select_n3A_64 : i32 to index
          %get3A_608 = arith.index_cast %get3A_606 : i32 to index
          %get3A_609 = arith.index_cast %add3A_605 : i32 to index
          %get3A_610 = tpu.vector_load %arg6[%get3A_607, %get3A_608, %get3A_609] {strides = array<i32>} : memref<2x2x5120xi32, #tpu.memory_space<vmem>>, vector<1x1x16xi32>,
          %get3A_611 = vector.shape_cast %get3A_610 : vector<1x1x16xi32> to vector<16xi32>
          %mul3A_612 = arith.constant 3 : i32
          %mul3A_613 = vector.broadcast %mul3A_612 : i32 to vector<16xi32>
          %mul3A_614 = arith.muli %get3A_611, %mul3A_613 : vector<16xi32>
          %mul3A_615 = arith.constant 384 : i32
          %mul3A_616 = arith.muli %mul3A_615, %scan3A_447 : i32
          %add3A_617 = arith.constant 64 : i32
          %add3A_618 = arith.addi %mul3A_616, %add3A_617 : i32
          %swap3A_619 = arith.index_cast %add3A_618 : i32 to index
          %swap3A_620 = tpu.vector_load %arg8[%swap3A_619] {strides = array<i32>} : memref<15360xi32, #tpu.memory_space<vmem>>, vector<16xi32>,
          %swap3A_621 = vector.shape_cast %swap3A_620 : vector<16xi32> to vector<16xi32>
          %swap3A_622 = vector.shape_cast %mul3A_614 : vector<16xi32> to vector<16xi32>
          tpu.vector_store %arg8[%swap3A_619], %swap3A_622 {strides = array<i32>} : memref<15360xi32, #tpu.memory_space<vmem>>, vector<16xi32>,
          %add3A_623 = arith.constant 1 : i32
          %add3A_624 = vector.broadcast %add3A_623 : i32 to vector<16xi32>
          %add3A_625 = arith.addi %mul3A_614, %add3A_624 : vector<16xi32>
          %add3A_626 = arith.constant 128 : i32
          %add3A_627 = arith.addi %add3A_618, %add3A_626 : i32
          %swap3A_628 = arith.index_cast %add3A_627 : i32 to index
          %swap3A_629 = tpu.vector_load %arg8[%swap3A_628] {strides = array<i32>} : memref<15360xi32, #tpu.memory_space<vmem>>, vector<16xi32>,
          %swap3A_630 = vector.shape_cast %swap3A_629 : vector<16xi32> to vector<16xi32>
          %swap3A_631 = vector.shape_cast %add3A_625 : vector<16xi32> to vector<16xi32>
          tpu.vector_store %arg8[%swap3A_628], %swap3A_631 {strides = array<i32>} : memref<15360xi32, #tpu.memory_space<vmem>>, vector<16xi32>,
          %add3A_632 = arith.constant 2 : i32
          %add3A_633 = vector.broadcast %add3A_632 : i32 to vector<16xi32>
          %add3A_634 = arith.addi %mul3A_614, %add3A_633 : vector<16xi32>
          %add3A_635 = arith.constant 256 : i32
          %add3A_636 = arith.addi %add3A_618, %add3A_635 : i32
          %swap3A_637 = arith.index_cast %add3A_636 : i32 to index
          %swap3A_638 = tpu.vector_load %arg8[%swap3A_637] {strides = array<i32>} : memref<15360xi32, #tpu.memory_space<vmem>>, vector<16xi32>,
          %swap3A_639 = vector.shape_cast %swap3A_638 : vector<16xi32> to vector<16xi32>
          %swap3A_640 = vector.shape_cast %add3A_634 : vector<16xi32> to vector<16xi32>
          tpu.vector_store %arg8[%swap3A_637], %swap3A_640 {strides = array<i32>} : memref<15360xi32, #tpu.memory_space<vmem>>, vector<16xi32>,
          %mul3A_641 = arith.constant 128 : i32
          %mul3A_642 = arith.muli %mul3A_641, %scan3A_447 : i32
          %add3A_643 = arith.constant 80 : i32
          %add3A_644 = arith.addi %mul3A_642, %add3A_643 : i32
          %get3A_645 = arith.constant 1 : i32
          %get3A_646 = arith.index_cast %select_n3A_64 : i32 to index
          %get3A_647 = arith.index_cast %get3A_645 : i32 to index
          %get3A_648 = arith.index_cast %add3A_644 : i32 to index
          %get3A_649 = tpu.vector_load %arg6[%get3A_646, %get3A_647, %get3A_648] {strides = array<i32>} : memref<2x2x5120xi32, #tpu.memory_space<vmem>>, vector<1x1x16xi32>,
          %get3A_650 = vector.shape_cast %get3A_649 : vector<1x1x16xi32> to vector<16xi32>
          %mul3A_651 = arith.constant 3 : i32
          %mul3A_652 = vector.broadcast %mul3A_651 : i32 to vector<16xi32>
          %mul3A_653 = arith.muli %get3A_650, %mul3A_652 : vector<16xi32>
          %mul3A_654 = arith.constant 384 : i32
          %mul3A_655 = arith.muli %mul3A_654, %scan3A_447 : i32
          %add3A_656 = arith.constant 80 : i32
          %add3A_657 = arith.addi %mul3A_655, %add3A_656 : i32
          %swap3A_658 = arith.index_cast %add3A_657 : i32 to index
          %swap3A_659 = tpu.vector_load %arg8[%swap3A_658] {strides = array<i32>} : memref<15360xi32, #tpu.memory_space<vmem>>, vector<16xi32>,
          %swap3A_660 = vector.shape_cast %swap3A_659 : vector<16xi32> to vector<16xi32>
          %swap3A_661 = vector.shape_cast %mul3A_653 : vector<16xi32> to vector<16xi32>
          tpu.vector_store %arg8[%swap3A_658], %swap3A_661 {strides = array<i32>} : memref<15360xi32, #tpu.memory_space<vmem>>, vector<16xi32>,
          %add3A_662 = arith.constant 1 : i32
          %add3A_663 = vector.broadcast %add3A_662 : i32 to vector<16xi32>
          %add3A_664 = arith.addi %mul3A_653, %add3A_663 : vector<16xi32>
          %add3A_665 = arith.constant 128 : i32
          %add3A_666 = arith.addi %add3A_657, %add3A_665 : i32
          %swap3A_667 = arith.index_cast %add3A_666 : i32 to index
          %swap3A_668 = tpu.vector_load %arg8[%swap3A_667] {strides = array<i32>} : memref<15360xi32, #tpu.memory_space<vmem>>, vector<16xi32>,
          %swap3A_669 = vector.shape_cast %swap3A_668 : vector<16xi32> to vector<16xi32>
          %swap3A_670 = vector.shape_cast %add3A_664 : vector<16xi32> to vector<16xi32>
          tpu.vector_store %arg8[%swap3A_667], %swap3A_670 {strides = array<i32>} : memref<15360xi32, #tpu.memory_space<vmem>>, vector<16xi32>,
          %add3A_671 = arith.constant 2 : i32
          %add3A_672 = vector.broadcast %add3A_671 : i32 to vector<16xi32>
          %add3A_673 = arith.addi %mul3A_653, %add3A_672 : vector<16xi32>
          %add3A_674 = arith.constant 256 : i32
          %add3A_675 = arith.addi %add3A_657, %add3A_674 : i32
          %swap3A_676 = arith.index_cast %add3A_675 : i32 to index
          %swap3A_677 = tpu.vector_load %arg8[%swap3A_676] {strides = array<i32>} : memref<15360xi32, #tpu.memory_space<vmem>>, vector<16xi32>,
          %swap3A_678 = vector.shape_cast %swap3A_677 : vector<16xi32> to vector<16xi32>
          %swap3A_679 = vector.shape_cast %add3A_673 : vector<16xi32> to vector<16xi32>
          tpu.vector_store %arg8[%swap3A_676], %swap3A_679 {strides = array<i32>} : memref<15360xi32, #tpu.memory_space<vmem>>, vector<16xi32>,
          %mul3A_680 = arith.constant 128 : i32
          %mul3A_681 = arith.muli %mul3A_680, %scan3A_447 : i32
          %add3A_682 = arith.constant 96 : i32
          %add3A_683 = arith.addi %mul3A_681, %add3A_682 : i32
          %get3A_684 = arith.constant 1 : i32
          %get3A_685 = arith.index_cast %select_n3A_64 : i32 to index
          %get3A_686 = arith.index_cast %get3A_684 : i32 to index
          %get3A_687 = arith.index_cast %add3A_683 : i32 to index
          %get3A_688 = tpu.vector_load %arg6[%get3A_685, %get3A_686, %get3A_687] {strides = array<i32>} : memref<2x2x5120xi32, #tpu.memory_space<vmem>>, vector<1x1x16xi32>,
          %get3A_689 = vector.shape_cast %get3A_688 : vector<1x1x16xi32> to vector<16xi32>
          %mul3A_690 = arith.constant 3 : i32
          %mul3A_691 = vector.broadcast %mul3A_690 : i32 to vector<16xi32>
          %mul3A_692 = arith.muli %get3A_689, %mul3A_691 : vector<16xi32>
          %mul3A_693 = arith.constant 384 : i32
          %mul3A_694 = arith.muli %mul3A_693, %scan3A_447 : i32
          %add3A_695 = arith.constant 96 : i32
          %add3A_696 = arith.addi %mul3A_694, %add3A_695 : i32
          %swap3A_697 = arith.index_cast %add3A_696 : i32 to index
          %swap3A_698 = tpu.vector_load %arg8[%swap3A_697] {strides = array<i32>} : memref<15360xi32, #tpu.memory_space<vmem>>, vector<16xi32>,
          %swap3A_699 = vector.shape_cast %swap3A_698 : vector<16xi32> to vector<16xi32>
          %swap3A_700 = vector.shape_cast %mul3A_692 : vector<16xi32> to vector<16xi32>
          tpu.vector_store %arg8[%swap3A_697], %swap3A_700 {strides = array<i32>} : memref<15360xi32, #tpu.memory_space<vmem>>, vector<16xi32>,
          %add3A_701 = arith.constant 1 : i32
          %add3A_702 = vector.broadcast %add3A_701 : i32 to vector<16xi32>
          %add3A_703 = arith.addi %mul3A_692, %add3A_702 : vector<16xi32>
          %add3A_704 = arith.constant 128 : i32
          %add3A_705 = arith.addi %add3A_696, %add3A_704 : i32
          %swap3A_706 = arith.index_cast %add3A_705 : i32 to index
          %swap3A_707 = tpu.vector_load %arg8[%swap3A_706] {strides = array<i32>} : memref<15360xi32, #tpu.memory_space<vmem>>, vector<16xi32>,
          %swap3A_708 = vector.shape_cast %swap3A_707 : vector<16xi32> to vector<16xi32>
          %swap3A_709 = vector.shape_cast %add3A_703 : vector<16xi32> to vector<16xi32>
          tpu.vector_store %arg8[%swap3A_706], %swap3A_709 {strides = array<i32>} : memref<15360xi32, #tpu.memory_space<vmem>>, vector<16xi32>,
          %add3A_710 = arith.constant 2 : i32
          %add3A_711 = vector.broadcast %add3A_710 : i32 to vector<16xi32>
          %add3A_712 = arith.addi %mul3A_692, %add3A_711 : vector<16xi32>
          %add3A_713 = arith.constant 256 : i32
          %add3A_714 = arith.addi %add3A_696, %add3A_713 : i32
          %swap3A_715 = arith.index_cast %add3A_714 : i32 to index
          %swap3A_716 = tpu.vector_load %arg8[%swap3A_715] {strides = array<i32>} : memref<15360xi32, #tpu.memory_space<vmem>>, vector<16xi32>,
          %swap3A_717 = vector.shape_cast %swap3A_716 : vector<16xi32> to vector<16xi32>
          %swap3A_718 = vector.shape_cast %add3A_712 : vector<16xi32> to vector<16xi32>
          tpu.vector_store %arg8[%swap3A_715], %swap3A_718 {strides = array<i32>} : memref<15360xi32, #tpu.memory_space<vmem>>, vector<16xi32>,
          %mul3A_719 = arith.constant 128 : i32
          %mul3A_720 = arith.muli %mul3A_719, %scan3A_447 : i32
          %add3A_721 = arith.constant 112 : i32
          %add3A_722 = arith.addi %mul3A_720, %add3A_721 : i32
          %get3A_723 = arith.constant 1 : i32
          %get3A_724 = arith.index_cast %select_n3A_64 : i32 to index
          %get3A_725 = arith.index_cast %get3A_723 : i32 to index
          %get3A_726 = arith.index_cast %add3A_722 : i32 to index
          %get3A_727 = tpu.vector_load %arg6[%get3A_724, %get3A_725, %get3A_726] {strides = array<i32>} : memref<2x2x5120xi32, #tpu.memory_space<vmem>>, vector<1x1x16xi32>,
          %get3A_728 = vector.shape_cast %get3A_727 : vector<1x1x16xi32> to vector<16xi32>
          %mul3A_729 = arith.constant 3 : i32
          %mul3A_730 = vector.broadcast %mul3A_729 : i32 to vector<16xi32>
          %mul3A_731 = arith.muli %get3A_728, %mul3A_730 : vector<16xi32>
          %mul3A_732 = arith.constant 384 : i32
          %mul3A_733 = arith.muli %mul3A_732, %scan3A_447 : i32
          %add3A_734 = arith.constant 112 : i32
          %add3A_735 = arith.addi %mul3A_733, %add3A_734 : i32
          %swap3A_736 = arith.index_cast %add3A_735 : i32 to index
          %swap3A_737 = tpu.vector_load %arg8[%swap3A_736] {strides = array<i32>} : memref<15360xi32, #tpu.memory_space<vmem>>, vector<16xi32>,
          %swap3A_738 = vector.shape_cast %swap3A_737 : vector<16xi32> to vector<16xi32>
          %swap3A_739 = vector.shape_cast %mul3A_731 : vector<16xi32> to vector<16xi32>
          tpu.vector_store %arg8[%swap3A_736], %swap3A_739 {strides = array<i32>} : memref<15360xi32, #tpu.memory_space<vmem>>, vector<16xi32>,
          %add3A_740 = arith.constant 1 : i32
          %add3A_741 = vector.broadcast %add3A_740 : i32 to vector<16xi32>
          %add3A_742 = arith.addi %mul3A_731, %add3A_741 : vector<16xi32>
          %add3A_743 = arith.constant 128 : i32
          %add3A_744 = arith.addi %add3A_735, %add3A_743 : i32
          %swap3A_745 = arith.index_cast %add3A_744 : i32 to index
          %swap3A_746 = tpu.vector_load %arg8[%swap3A_745] {strides = array<i32>} : memref<15360xi32, #tpu.memory_space<vmem>>, vector<16xi32>,
          %swap3A_747 = vector.shape_cast %swap3A_746 : vector<16xi32> to vector<16xi32>
          %swap3A_748 = vector.shape_cast %add3A_742 : vector<16xi32> to vector<16xi32>
          tpu.vector_store %arg8[%swap3A_745], %swap3A_748 {strides = array<i32>} : memref<15360xi32, #tpu.memory_space<vmem>>, vector<16xi32>,
          %add3A_749 = arith.constant 2 : i32
          %add3A_750 = vector.broadcast %add3A_749 : i32 to vector<16xi32>
          %add3A_751 = arith.addi %mul3A_731, %add3A_750 : vector<16xi32>
          %add3A_752 = arith.constant 256 : i32
          %add3A_753 = arith.addi %add3A_735, %add3A_752 : i32
          %swap3A_754 = arith.index_cast %add3A_753 : i32 to index
          %swap3A_755 = tpu.vector_load %arg8[%swap3A_754] {strides = array<i32>} : memref<15360xi32, #tpu.memory_space<vmem>>, vector<16xi32>,
          %swap3A_756 = vector.shape_cast %swap3A_755 : vector<16xi32> to vector<16xi32>
          %swap3A_757 = vector.shape_cast %add3A_751 : vector<16xi32> to vector<16xi32>
          tpu.vector_store %arg8[%swap3A_754], %swap3A_757 {strides = array<i32>} : memref<15360xi32, #tpu.memory_space<vmem>>, vector<16xi32>,
        }
        %scan3A_446 = arith.constant 40 : i32
      } else {
      }
      %sub3A_96 = arith.constant 1 : i32
      %sub3A_97 = arith.subi %add3A_53, %sub3A_96 : i32
      %ge3A = arith.constant 1 : i32
      %ge3A_98 = arith.cmpi sge, %add3A_53, %ge3A : i32
      %jit3A_99 = arith.constant 2 : i32
      %div3A_100 = arith.divsi %sub3A_97, %jit3A_99 : i32
      %sign3A_101 = arith.constant 0 : i32
      %sign3A_102 = arith.cmpi sgt, %sub3A_97, %sign3A_101 : i32
      %sign3A_103 = arith.extui %sign3A_102 : i1 to i32
      %sign3A_104 = arith.constant 0 : i32
      %sign3A_105 = arith.cmpi slt, %sub3A_97, %sign3A_104 : i32
      %sign3A_106 = arith.extui %sign3A_105 : i1 to i32
      %sign3A_107 = arith.subi %sign3A_103, %sign3A_106 : i32
      %sign3A_108 = arith.constant 0 : i32
      %sign3A_109 = arith.cmpi sgt, %jit3A_99, %sign3A_108 : i32
      %sign3A_110 = arith.extui %sign3A_109 : i1 to i32
      %sign3A_111 = arith.constant 0 : i32
      %sign3A_112 = arith.cmpi slt, %jit3A_99, %sign3A_111 : i32
      %sign3A_113 = arith.extui %sign3A_112 : i1 to i32
      %sign3A_114 = arith.subi %sign3A_110, %sign3A_113 : i32
      %ne3A_115 = arith.cmpi ne, %sign3A_107, %sign3A_114 : i32
      %rem3A_116 = arith.remsi %sub3A_97, %jit3A_99 : i32
      %ne3A_117 = arith.constant 0 : i32
      %ne3A_118 = arith.cmpi ne, %rem3A_116, %ne3A_117 : i32
      %and3A_119 = arith.andi %ne3A_115, %ne3A_118 : i1
      %sub3A_120 = arith.constant 1 : i32
      %sub3A_121 = arith.subi %div3A_100, %sub3A_120 : i32
      %select_n3A_122 = arith.select %and3A_119, %sub3A_121, %div3A_100 : i32
      %mul3A_123 = arith.constant 32 : i32
      %mul3A_124 = arith.muli %select_n3A_122, %mul3A_123 : i32
      %add3A_125 = arith.addi %mul3A_124, %add3A : i32
      %lt3A_126 = arith.constant 1250 : i32
      %lt3A_127 = arith.cmpi slt, %add3A_125, %lt3A_126 : i32
      %and3A_128 = arith.andi %lt3A_127, %ge3A_98 : i1
      %convert_element_type3A_129 = arith.extui %and3A_128 : i1 to i32
      %cond3A_130 = arith.constant 0 : i32
      %cond3A_131 = arith.cmpi ne, %convert_element_type3A_129, %cond3A_130 : i32
      scf.if %cond3A_131 {
        %dma_wait3A = arith.constant 0 : i32
        %dma_wait3A_441 = tpu.memref_slice %arg4[%dma_wait3A] : memref<25600000xf32, #tpu.memory_space<hbm>> -> memref<20480xf32, #tpu.memory_space<hbm>>
        %dma_wait3A_442 = arith.constant 0 : i32
        %dma_wait3A_443 = tpu.memref_slice %arg4[%dma_wait3A_442] : memref<25600000xf32, #tpu.memory_space<hbm>> -> memref<20480xf32, #tpu.memory_space<hbm>>
        tpu.wait_dma2 semaphore(%arg13 : memref<!tpu.dma_semaphore, #tpu.memory_space<semaphore_mem>>) src(%arg9 : memref<20480xf32, #tpu.memory_space<vmem>>) dst(%dma_wait3A_443 : memref<20480xf32, #tpu.memory_space<hbm>>)
      } else {
      }
      %add3A_132 = arith.constant 1 : i32
      %add3A_133 = arith.addi %add3A_53, %add3A_132 : i32
      %jit3A_134 = arith.constant 2 : i32
      %div3A_135 = arith.divsi %add3A_133, %jit3A_134 : i32
      %sign3A_136 = arith.constant 0 : i32
      %sign3A_137 = arith.cmpi sgt, %add3A_133, %sign3A_136 : i32
      %sign3A_138 = arith.extui %sign3A_137 : i1 to i32
      %sign3A_139 = arith.constant 0 : i32
      %sign3A_140 = arith.cmpi slt, %add3A_133, %sign3A_139 : i32
      %sign3A_141 = arith.extui %sign3A_140 : i1 to i32
      %sign3A_142 = arith.subi %sign3A_138, %sign3A_141 : i32
      %sign3A_143 = arith.constant 0 : i32
      %sign3A_144 = arith.cmpi sgt, %jit3A_134, %sign3A_143 : i32
      %sign3A_145 = arith.extui %sign3A_144 : i1 to i32
      %sign3A_146 = arith.constant 0 : i32
      %sign3A_147 = arith.cmpi slt, %jit3A_134, %sign3A_146 : i32
      %sign3A_148 = arith.extui %sign3A_147 : i1 to i32
      %sign3A_149 = arith.subi %sign3A_145, %sign3A_148 : i32
      %ne3A_150 = arith.cmpi ne, %sign3A_142, %sign3A_149 : i32
      %rem3A_151 = arith.remsi %add3A_133, %jit3A_134 : i32
      %ne3A_152 = arith.constant 0 : i32
      %ne3A_153 = arith.cmpi ne, %rem3A_151, %ne3A_152 : i32
      %and3A_154 = arith.andi %ne3A_150, %ne3A_153 : i1
      %sub3A_155 = arith.constant 1 : i32
      %sub3A_156 = arith.subi %div3A_135, %sub3A_155 : i32
      %select_n3A_157 = arith.select %and3A_154, %sub3A_156, %div3A_135 : i32
      %mul3A_158 = arith.constant 32 : i32
      %mul3A_159 = arith.muli %select_n3A_157, %mul3A_158 : i32
      %add3A_160 = arith.addi %mul3A_159, %add3A : i32
      %lt3A_161 = arith.constant 1250 : i32
      %lt3A_162 = arith.cmpi slt, %add3A_160, %lt3A_161 : i32
      %convert_element_type3A_163 = arith.extui %lt3A_162 : i1 to i32
      %cond3A_164 = arith.constant 0 : i32
      %cond3A_165 = arith.cmpi ne, %convert_element_type3A_163, %cond3A_164 : i32
      scf.if %cond3A_165 {
        %dma_start3A = arith.constant 0 : i32
        %dma_start3A_441 = tpu.memref_slice %arg10[%dma_start3A] : memref<20480xf32, #tpu.memory_space<vmem>> -> memref<384xf32, #tpu.memory_space<vmem>>
        %dma_start3A_442 = arith.constant 0 : i32
        %dma_start3A_443 = tpu.memref_slice %arg8[%dma_start3A_442] : memref<15360xi32, #tpu.memory_space<vmem>> -> memref<384xi32, #tpu.memory_space<vmem>>
        %dma_start3A_444 = arith.constant 0 : i32
        %dma_start3A_445 = tpu.memref_slice %arg11[%dma_start3A_444] : memref<300000xf32, #tpu.memory_space<vmem_shared>> -> memref<300000xf32, #tpu.memory_space<vmem_shared>>
        tpu.enqueue_indirect_dma source(%dma_start3A_445 : memref<300000xf32, #tpu.memory_space<vmem_shared>>) target(%dma_start3A_441 : memref<384xf32, #tpu.memory_space<vmem>>) offsets(%dma_start3A_443 : memref<384xi32, #tpu.memory_space<vmem>>) semaphore(%arg12 : memref<!tpu.dma_semaphore, #tpu.memory_space<semaphore_mem>>)
        %dma_start3A_446 = arith.constant 512 : i32
        %dma_start3A_447 = tpu.memref_slice %arg10[%dma_start3A_446] : memref<20480xf32, #tpu.memory_space<vmem>> -> memref<384xf32, #tpu.memory_space<vmem>>
        %dma_start3A_448 = arith.constant 384 : i32
        %dma_start3A_449 = tpu.memref_slice %arg8[%dma_start3A_448] : memref<15360xi32, #tpu.memory_space<vmem>> -> memref<384xi32, #tpu.memory_space<vmem>>
        %dma_start3A_450 = arith.constant 0 : i32
        %dma_start3A_451 = tpu.memref_slice %arg11[%dma_start3A_450] : memref<300000xf32, #tpu.memory_space<vmem_shared>> -> memref<300000xf32, #tpu.memory_space<vmem_shared>>
        tpu.enqueue_indirect_dma source(%dma_start3A_451 : memref<300000xf32, #tpu.memory_space<vmem_shared>>) target(%dma_start3A_447 : memref<384xf32, #tpu.memory_space<vmem>>) offsets(%dma_start3A_449 : memref<384xi32, #tpu.memory_space<vmem>>) semaphore(%arg12 : memref<!tpu.dma_semaphore, #tpu.memory_space<semaphore_mem>>)
        %dma_start3A_452 = arith.constant 1024 : i32
        %dma_start3A_453 = tpu.memref_slice %arg10[%dma_start3A_452] : memref<20480xf32, #tpu.memory_space<vmem>> -> memref<384xf32, #tpu.memory_space<vmem>>
        %dma_start3A_454 = arith.constant 768 : i32
        %dma_start3A_455 = tpu.memref_slice %arg8[%dma_start3A_454] : memref<15360xi32, #tpu.memory_space<vmem>> -> memref<384xi32, #tpu.memory_space<vmem>>
        %dma_start3A_456 = arith.constant 0 : i32
        %dma_start3A_457 = tpu.memref_slice %arg11[%dma_start3A_456] : memref<300000xf32, #tpu.memory_space<vmem_shared>> -> memref<300000xf32, #tpu.memory_space<vmem_shared>>
        tpu.enqueue_indirect_dma source(%dma_start3A_457 : memref<300000xf32, #tpu.memory_space<vmem_shared>>) target(%dma_start3A_453 : memref<384xf32, #tpu.memory_space<vmem>>) offsets(%dma_start3A_455 : memref<384xi32, #tpu.memory_space<vmem>>) semaphore(%arg12 : memref<!tpu.dma_semaphore, #tpu.memory_space<semaphore_mem>>)
        %dma_start3A_458 = arith.constant 1536 : i32
        %dma_start3A_459 = tpu.memref_slice %arg10[%dma_start3A_458] : memref<20480xf32, #tpu.memory_space<vmem>> -> memref<384xf32, #tpu.memory_space<vmem>>
        %dma_start3A_460 = arith.constant 1152 : i32
        %dma_start3A_461 = tpu.memref_slice %arg8[%dma_start3A_460] : memref<15360xi32, #tpu.memory_space<vmem>> -> memref<384xi32, #tpu.memory_space<vmem>>
        %dma_start3A_462 = arith.constant 0 : i32
        %dma_start3A_463 = tpu.memref_slice %arg11[%dma_start3A_462] : memref<300000xf32, #tpu.memory_space<vmem_shared>> -> memref<300000xf32, #tpu.memory_space<vmem_shared>>
        tpu.enqueue_indirect_dma source(%dma_start3A_463 : memref<300000xf32, #tpu.memory_space<vmem_shared>>) target(%dma_start3A_459 : memref<384xf32, #tpu.memory_space<vmem>>) offsets(%dma_start3A_461 : memref<384xi32, #tpu.memory_space<vmem>>) semaphore(%arg12 : memref<!tpu.dma_semaphore, #tpu.memory_space<semaphore_mem>>)
        %dma_start3A_464 = arith.constant 2048 : i32
        %dma_start3A_465 = tpu.memref_slice %arg10[%dma_start3A_464] : memref<20480xf32, #tpu.memory_space<vmem>> -> memref<384xf32, #tpu.memory_space<vmem>>
        %dma_start3A_466 = arith.constant 1536 : i32
        %dma_start3A_467 = tpu.memref_slice %arg8[%dma_start3A_466] : memref<15360xi32, #tpu.memory_space<vmem>> -> memref<384xi32, #tpu.memory_space<vmem>>
        %dma_start3A_468 = arith.constant 0 : i32
        %dma_start3A_469 = tpu.memref_slice %arg11[%dma_start3A_468] : memref<300000xf32, #tpu.memory_space<vmem_shared>> -> memref<300000xf32, #tpu.memory_space<vmem_shared>>
        tpu.enqueue_indirect_dma source(%dma_start3A_469 : memref<300000xf32, #tpu.memory_space<vmem_shared>>) target(%dma_start3A_465 : memref<384xf32, #tpu.memory_space<vmem>>) offsets(%dma_start3A_467 : memref<384xi32, #tpu.memory_space<vmem>>) semaphore(%arg12 : memref<!tpu.dma_semaphore, #tpu.memory_space<semaphore_mem>>)
        %dma_start3A_470 = arith.constant 2560 : i32
        %dma_start3A_471 = tpu.memref_slice %arg10[%dma_start3A_470] : memref<20480xf32, #tpu.memory_space<vmem>> -> memref<384xf32, #tpu.memory_space<vmem>>
        %dma_start3A_472 = arith.constant 1920 : i32
        %dma_start3A_473 = tpu.memref_slice %arg8[%dma_start3A_472] : memref<15360xi32, #tpu.memory_space<vmem>> -> memref<384xi32, #tpu.memory_space<vmem>>
        %dma_start3A_474 = arith.constant 0 : i32
        %dma_start3A_475 = tpu.memref_slice %arg11[%dma_start3A_474] : memref<300000xf32, #tpu.memory_space<vmem_shared>> -> memref<300000xf32, #tpu.memory_space<vmem_shared>>
        tpu.enqueue_indirect_dma source(%dma_start3A_475 : memref<300000xf32, #tpu.memory_space<vmem_shared>>) target(%dma_start3A_471 : memref<384xf32, #tpu.memory_space<vmem>>) offsets(%dma_start3A_473 : memref<384xi32, #tpu.memory_space<vmem>>) semaphore(%arg12 : memref<!tpu.dma_semaphore, #tpu.memory_space<semaphore_mem>>)
        %dma_start3A_476 = arith.constant 3072 : i32
        %dma_start3A_477 = tpu.memref_slice %arg10[%dma_start3A_476] : memref<20480xf32, #tpu.memory_space<vmem>> -> memref<384xf32, #tpu.memory_space<vmem>>
        %dma_start3A_478 = arith.constant 2304 : i32
        %dma_start3A_479 = tpu.memref_slice %arg8[%dma_start3A_478] : memref<15360xi32, #tpu.memory_space<vmem>> -> memref<384xi32, #tpu.memory_space<vmem>>
        %dma_start3A_480 = arith.constant 0 : i32
        %dma_start3A_481 = tpu.memref_slice %arg11[%dma_start3A_480] : memref<300000xf32, #tpu.memory_space<vmem_shared>> -> memref<300000xf32, #tpu.memory_space<vmem_shared>>
        tpu.enqueue_indirect_dma source(%dma_start3A_481 : memref<300000xf32, #tpu.memory_space<vmem_shared>>) target(%dma_start3A_477 : memref<384xf32, #tpu.memory_space<vmem>>) offsets(%dma_start3A_479 : memref<384xi32, #tpu.memory_space<vmem>>) semaphore(%arg12 : memref<!tpu.dma_semaphore, #tpu.memory_space<semaphore_mem>>)
        %dma_start3A_482 = arith.constant 3584 : i32
        %dma_start3A_483 = tpu.memref_slice %arg10[%dma_start3A_482] : memref<20480xf32, #tpu.memory_space<vmem>> -> memref<384xf32, #tpu.memory_space<vmem>>
        %dma_start3A_484 = arith.constant 2688 : i32
        %dma_start3A_485 = tpu.memref_slice %arg8[%dma_start3A_484] : memref<15360xi32, #tpu.memory_space<vmem>> -> memref<384xi32, #tpu.memory_space<vmem>>
        %dma_start3A_486 = arith.constant 0 : i32
        %dma_start3A_487 = tpu.memref_slice %arg11[%dma_start3A_486] : memref<300000xf32, #tpu.memory_space<vmem_shared>> -> memref<300000xf32, #tpu.memory_space<vmem_shared>>
        tpu.enqueue_indirect_dma source(%dma_start3A_487 : memref<300000xf32, #tpu.memory_space<vmem_shared>>) target(%dma_start3A_483 : memref<384xf32, #tpu.memory_space<vmem>>) offsets(%dma_start3A_485 : memref<384xi32, #tpu.memory_space<vmem>>) semaphore(%arg12 : memref<!tpu.dma_semaphore, #tpu.memory_space<semaphore_mem>>)
        %dma_start3A_488 = arith.constant 4096 : i32
        %dma_start3A_489 = tpu.memref_slice %arg10[%dma_start3A_488] : memref<20480xf32, #tpu.memory_space<vmem>> -> memref<384xf32, #tpu.memory_space<vmem>>
        %dma_start3A_490 = arith.constant 3072 : i32
        %dma_start3A_491 = tpu.memref_slice %arg8[%dma_start3A_490] : memref<15360xi32, #tpu.memory_space<vmem>> -> memref<384xi32, #tpu.memory_space<vmem>>
        %dma_start3A_492 = arith.constant 0 : i32
        %dma_start3A_493 = tpu.memref_slice %arg11[%dma_start3A_492] : memref<300000xf32, #tpu.memory_space<vmem_shared>> -> memref<300000xf32, #tpu.memory_space<vmem_shared>>
        tpu.enqueue_indirect_dma source(%dma_start3A_493 : memref<300000xf32, #tpu.memory_space<vmem_shared>>) target(%dma_start3A_489 : memref<384xf32, #tpu.memory_space<vmem>>) offsets(%dma_start3A_491 : memref<384xi32, #tpu.memory_space<vmem>>) semaphore(%arg12 : memref<!tpu.dma_semaphore, #tpu.memory_space<semaphore_mem>>)
        %dma_start3A_494 = arith.constant 4608 : i32
        %dma_start3A_495 = tpu.memref_slice %arg10[%dma_start3A_494] : memref<20480xf32, #tpu.memory_space<vmem>> -> memref<384xf32, #tpu.memory_space<vmem>>
        %dma_start3A_496 = arith.constant 3456 : i32
        %dma_start3A_497 = tpu.memref_slice %arg8[%dma_start3A_496] : memref<15360xi32, #tpu.memory_space<vmem>> -> memref<384xi32, #tpu.memory_space<vmem>>
        %dma_start3A_498 = arith.constant 0 : i32
        %dma_start3A_499 = tpu.memref_slice %arg11[%dma_start3A_498] : memref<300000xf32, #tpu.memory_space<vmem_shared>> -> memref<300000xf32, #tpu.memory_space<vmem_shared>>
        tpu.enqueue_indirect_dma source(%dma_start3A_499 : memref<300000xf32, #tpu.memory_space<vmem_shared>>) target(%dma_start3A_495 : memref<384xf32, #tpu.memory_space<vmem>>) offsets(%dma_start3A_497 : memref<384xi32, #tpu.memory_space<vmem>>) semaphore(%arg12 : memref<!tpu.dma_semaphore, #tpu.memory_space<semaphore_mem>>)
        %dma_start3A_500 = arith.constant 5120 : i32
        %dma_start3A_501 = tpu.memref_slice %arg10[%dma_start3A_500] : memref<20480xf32, #tpu.memory_space<vmem>> -> memref<384xf32, #tpu.memory_space<vmem>>
        %dma_start3A_502 = arith.constant 3840 : i32
        %dma_start3A_503 = tpu.memref_slice %arg8[%dma_start3A_502] : memref<15360xi32, #tpu.memory_space<vmem>> -> memref<384xi32, #tpu.memory_space<vmem>>
        %dma_start3A_504 = arith.constant 0 : i32
        %dma_start3A_505 = tpu.memref_slice %arg11[%dma_start3A_504] : memref<300000xf32, #tpu.memory_space<vmem_shared>> -> memref<300000xf32, #tpu.memory_space<vmem_shared>>
        tpu.enqueue_indirect_dma source(%dma_start3A_505 : memref<300000xf32, #tpu.memory_space<vmem_shared>>) target(%dma_start3A_501 : memref<384xf32, #tpu.memory_space<vmem>>) offsets(%dma_start3A_503 : memref<384xi32, #tpu.memory_space<vmem>>) semaphore(%arg12 : memref<!tpu.dma_semaphore, #tpu.memory_space<semaphore_mem>>)
        %dma_start3A_506 = arith.constant 5632 : i32
        %dma_start3A_507 = tpu.memref_slice %arg10[%dma_start3A_506] : memref<20480xf32, #tpu.memory_space<vmem>> -> memref<384xf32, #tpu.memory_space<vmem>>
        %dma_start3A_508 = arith.constant 4224 : i32
        %dma_start3A_509 = tpu.memref_slice %arg8[%dma_start3A_508] : memref<15360xi32, #tpu.memory_space<vmem>> -> memref<384xi32, #tpu.memory_space<vmem>>
        %dma_start3A_510 = arith.constant 0 : i32
        %dma_start3A_511 = tpu.memref_slice %arg11[%dma_start3A_510] : memref<300000xf32, #tpu.memory_space<vmem_shared>> -> memref<300000xf32, #tpu.memory_space<vmem_shared>>
        tpu.enqueue_indirect_dma source(%dma_start3A_511 : memref<300000xf32, #tpu.memory_space<vmem_shared>>) target(%dma_start3A_507 : memref<384xf32, #tpu.memory_space<vmem>>) offsets(%dma_start3A_509 : memref<384xi32, #tpu.memory_space<vmem>>) semaphore(%arg12 : memref<!tpu.dma_semaphore, #tpu.memory_space<semaphore_mem>>)
        %dma_start3A_512 = arith.constant 6144 : i32
        %dma_start3A_513 = tpu.memref_slice %arg10[%dma_start3A_512] : memref<20480xf32, #tpu.memory_space<vmem>> -> memref<384xf32, #tpu.memory_space<vmem>>
        %dma_start3A_514 = arith.constant 4608 : i32
        %dma_start3A_515 = tpu.memref_slice %arg8[%dma_start3A_514] : memref<15360xi32, #tpu.memory_space<vmem>> -> memref<384xi32, #tpu.memory_space<vmem>>
        %dma_start3A_516 = arith.constant 0 : i32
        %dma_start3A_517 = tpu.memref_slice %arg11[%dma_start3A_516] : memref<300000xf32, #tpu.memory_space<vmem_shared>> -> memref<300000xf32, #tpu.memory_space<vmem_shared>>
        tpu.enqueue_indirect_dma source(%dma_start3A_517 : memref<300000xf32, #tpu.memory_space<vmem_shared>>) target(%dma_start3A_513 : memref<384xf32, #tpu.memory_space<vmem>>) offsets(%dma_start3A_515 : memref<384xi32, #tpu.memory_space<vmem>>) semaphore(%arg12 : memref<!tpu.dma_semaphore, #tpu.memory_space<semaphore_mem>>)
        %dma_start3A_518 = arith.constant 6656 : i32
        %dma_start3A_519 = tpu.memref_slice %arg10[%dma_start3A_518] : memref<20480xf32, #tpu.memory_space<vmem>> -> memref<384xf32, #tpu.memory_space<vmem>>
        %dma_start3A_520 = arith.constant 4992 : i32
        %dma_start3A_521 = tpu.memref_slice %arg8[%dma_start3A_520] : memref<15360xi32, #tpu.memory_space<vmem>> -> memref<384xi32, #tpu.memory_space<vmem>>
        %dma_start3A_522 = arith.constant 0 : i32
        %dma_start3A_523 = tpu.memref_slice %arg11[%dma_start3A_522] : memref<300000xf32, #tpu.memory_space<vmem_shared>> -> memref<300000xf32, #tpu.memory_space<vmem_shared>>
        tpu.enqueue_indirect_dma source(%dma_start3A_523 : memref<300000xf32, #tpu.memory_space<vmem_shared>>) target(%dma_start3A_519 : memref<384xf32, #tpu.memory_space<vmem>>) offsets(%dma_start3A_521 : memref<384xi32, #tpu.memory_space<vmem>>) semaphore(%arg12 : memref<!tpu.dma_semaphore, #tpu.memory_space<semaphore_mem>>)
        %dma_start3A_524 = arith.constant 7168 : i32
        %dma_start3A_525 = tpu.memref_slice %arg10[%dma_start3A_524] : memref<20480xf32, #tpu.memory_space<vmem>> -> memref<384xf32, #tpu.memory_space<vmem>>
        %dma_start3A_526 = arith.constant 5376 : i32
        %dma_start3A_527 = tpu.memref_slice %arg8[%dma_start3A_526] : memref<15360xi32, #tpu.memory_space<vmem>> -> memref<384xi32, #tpu.memory_space<vmem>>
        %dma_start3A_528 = arith.constant 0 : i32
        %dma_start3A_529 = tpu.memref_slice %arg11[%dma_start3A_528] : memref<300000xf32, #tpu.memory_space<vmem_shared>> -> memref<300000xf32, #tpu.memory_space<vmem_shared>>
        tpu.enqueue_indirect_dma source(%dma_start3A_529 : memref<300000xf32, #tpu.memory_space<vmem_shared>>) target(%dma_start3A_525 : memref<384xf32, #tpu.memory_space<vmem>>) offsets(%dma_start3A_527 : memref<384xi32, #tpu.memory_space<vmem>>) semaphore(%arg12 : memref<!tpu.dma_semaphore, #tpu.memory_space<semaphore_mem>>)
        %dma_start3A_530 = arith.constant 7680 : i32
        %dma_start3A_531 = tpu.memref_slice %arg10[%dma_start3A_530] : memref<20480xf32, #tpu.memory_space<vmem>> -> memref<384xf32, #tpu.memory_space<vmem>>
        %dma_start3A_532 = arith.constant 5760 : i32
        %dma_start3A_533 = tpu.memref_slice %arg8[%dma_start3A_532] : memref<15360xi32, #tpu.memory_space<vmem>> -> memref<384xi32, #tpu.memory_space<vmem>>
        %dma_start3A_534 = arith.constant 0 : i32
        %dma_start3A_535 = tpu.memref_slice %arg11[%dma_start3A_534] : memref<300000xf32, #tpu.memory_space<vmem_shared>> -> memref<300000xf32, #tpu.memory_space<vmem_shared>>
        tpu.enqueue_indirect_dma source(%dma_start3A_535 : memref<300000xf32, #tpu.memory_space<vmem_shared>>) target(%dma_start3A_531 : memref<384xf32, #tpu.memory_space<vmem>>) offsets(%dma_start3A_533 : memref<384xi32, #tpu.memory_space<vmem>>) semaphore(%arg12 : memref<!tpu.dma_semaphore, #tpu.memory_space<semaphore_mem>>)
        %dma_start3A_536 = arith.constant 8192 : i32
        %dma_start3A_537 = tpu.memref_slice %arg10[%dma_start3A_536] : memref<20480xf32, #tpu.memory_space<vmem>> -> memref<384xf32, #tpu.memory_space<vmem>>
        %dma_start3A_538 = arith.constant 6144 : i32
        %dma_start3A_539 = tpu.memref_slice %arg8[%dma_start3A_538] : memref<15360xi32, #tpu.memory_space<vmem>> -> memref<384xi32, #tpu.memory_space<vmem>>
        %dma_start3A_540 = arith.constant 0 : i32
        %dma_start3A_541 = tpu.memref_slice %arg11[%dma_start3A_540] : memref<300000xf32, #tpu.memory_space<vmem_shared>> -> memref<300000xf32, #tpu.memory_space<vmem_shared>>
        tpu.enqueue_indirect_dma source(%dma_start3A_541 : memref<300000xf32, #tpu.memory_space<vmem_shared>>) target(%dma_start3A_537 : memref<384xf32, #tpu.memory_space<vmem>>) offsets(%dma_start3A_539 : memref<384xi32, #tpu.memory_space<vmem>>) semaphore(%arg12 : memref<!tpu.dma_semaphore, #tpu.memory_space<semaphore_mem>>)
        %dma_start3A_542 = arith.constant 8704 : i32
        %dma_start3A_543 = tpu.memref_slice %arg10[%dma_start3A_542] : memref<20480xf32, #tpu.memory_space<vmem>> -> memref<384xf32, #tpu.memory_space<vmem>>
        %dma_start3A_544 = arith.constant 6528 : i32
        %dma_start3A_545 = tpu.memref_slice %arg8[%dma_start3A_544] : memref<15360xi32, #tpu.memory_space<vmem>> -> memref<384xi32, #tpu.memory_space<vmem>>
        %dma_start3A_546 = arith.constant 0 : i32
        %dma_start3A_547 = tpu.memref_slice %arg11[%dma_start3A_546] : memref<300000xf32, #tpu.memory_space<vmem_shared>> -> memref<300000xf32, #tpu.memory_space<vmem_shared>>
        tpu.enqueue_indirect_dma source(%dma_start3A_547 : memref<300000xf32, #tpu.memory_space<vmem_shared>>) target(%dma_start3A_543 : memref<384xf32, #tpu.memory_space<vmem>>) offsets(%dma_start3A_545 : memref<384xi32, #tpu.memory_space<vmem>>) semaphore(%arg12 : memref<!tpu.dma_semaphore, #tpu.memory_space<semaphore_mem>>)
        %dma_start3A_548 = arith.constant 9216 : i32
        %dma_start3A_549 = tpu.memref_slice %arg10[%dma_start3A_548] : memref<20480xf32, #tpu.memory_space<vmem>> -> memref<384xf32, #tpu.memory_space<vmem>>
        %dma_start3A_550 = arith.constant 6912 : i32
        %dma_start3A_551 = tpu.memref_slice %arg8[%dma_start3A_550] : memref<15360xi32, #tpu.memory_space<vmem>> -> memref<384xi32, #tpu.memory_space<vmem>>
        %dma_start3A_552 = arith.constant 0 : i32
        %dma_start3A_553 = tpu.memref_slice %arg11[%dma_start3A_552] : memref<300000xf32, #tpu.memory_space<vmem_shared>> -> memref<300000xf32, #tpu.memory_space<vmem_shared>>
        tpu.enqueue_indirect_dma source(%dma_start3A_553 : memref<300000xf32, #tpu.memory_space<vmem_shared>>) target(%dma_start3A_549 : memref<384xf32, #tpu.memory_space<vmem>>) offsets(%dma_start3A_551 : memref<384xi32, #tpu.memory_space<vmem>>) semaphore(%arg12 : memref<!tpu.dma_semaphore, #tpu.memory_space<semaphore_mem>>)
        %dma_start3A_554 = arith.constant 9728 : i32
        %dma_start3A_555 = tpu.memref_slice %arg10[%dma_start3A_554] : memref<20480xf32, #tpu.memory_space<vmem>> -> memref<384xf32, #tpu.memory_space<vmem>>
        %dma_start3A_556 = arith.constant 7296 : i32
        %dma_start3A_557 = tpu.memref_slice %arg8[%dma_start3A_556] : memref<15360xi32, #tpu.memory_space<vmem>> -> memref<384xi32, #tpu.memory_space<vmem>>
        %dma_start3A_558 = arith.constant 0 : i32
        %dma_start3A_559 = tpu.memref_slice %arg11[%dma_start3A_558] : memref<300000xf32, #tpu.memory_space<vmem_shared>> -> memref<300000xf32, #tpu.memory_space<vmem_shared>>
        tpu.enqueue_indirect_dma source(%dma_start3A_559 : memref<300000xf32, #tpu.memory_space<vmem_shared>>) target(%dma_start3A_555 : memref<384xf32, #tpu.memory_space<vmem>>) offsets(%dma_start3A_557 : memref<384xi32, #tpu.memory_space<vmem>>) semaphore(%arg12 : memref<!tpu.dma_semaphore, #tpu.memory_space<semaphore_mem>>)
        %dma_start3A_560 = arith.constant 10240 : i32
        %dma_start3A_561 = tpu.memref_slice %arg10[%dma_start3A_560] : memref<20480xf32, #tpu.memory_space<vmem>> -> memref<384xf32, #tpu.memory_space<vmem>>
        %dma_start3A_562 = arith.constant 7680 : i32
        %dma_start3A_563 = tpu.memref_slice %arg8[%dma_start3A_562] : memref<15360xi32, #tpu.memory_space<vmem>> -> memref<384xi32, #tpu.memory_space<vmem>>
        %dma_start3A_564 = arith.constant 0 : i32
        %dma_start3A_565 = tpu.memref_slice %arg11[%dma_start3A_564] : memref<300000xf32, #tpu.memory_space<vmem_shared>> -> memref<300000xf32, #tpu.memory_space<vmem_shared>>
        tpu.enqueue_indirect_dma source(%dma_start3A_565 : memref<300000xf32, #tpu.memory_space<vmem_shared>>) target(%dma_start3A_561 : memref<384xf32, #tpu.memory_space<vmem>>) offsets(%dma_start3A_563 : memref<384xi32, #tpu.memory_space<vmem>>) semaphore(%arg12 : memref<!tpu.dma_semaphore, #tpu.memory_space<semaphore_mem>>)
        %dma_start3A_566 = arith.constant 10752 : i32
        %dma_start3A_567 = tpu.memref_slice %arg10[%dma_start3A_566] : memref<20480xf32, #tpu.memory_space<vmem>> -> memref<384xf32, #tpu.memory_space<vmem>>
        %dma_start3A_568 = arith.constant 8064 : i32
        %dma_start3A_569 = tpu.memref_slice %arg8[%dma_start3A_568] : memref<15360xi32, #tpu.memory_space<vmem>> -> memref<384xi32, #tpu.memory_space<vmem>>
        %dma_start3A_570 = arith.constant 0 : i32
        %dma_start3A_571 = tpu.memref_slice %arg11[%dma_start3A_570] : memref<300000xf32, #tpu.memory_space<vmem_shared>> -> memref<300000xf32, #tpu.memory_space<vmem_shared>>
        tpu.enqueue_indirect_dma source(%dma_start3A_571 : memref<300000xf32, #tpu.memory_space<vmem_shared>>) target(%dma_start3A_567 : memref<384xf32, #tpu.memory_space<vmem>>) offsets(%dma_start3A_569 : memref<384xi32, #tpu.memory_space<vmem>>) semaphore(%arg12 : memref<!tpu.dma_semaphore, #tpu.memory_space<semaphore_mem>>)
        %dma_start3A_572 = arith.constant 11264 : i32
        %dma_start3A_573 = tpu.memref_slice %arg10[%dma_start3A_572] : memref<20480xf32, #tpu.memory_space<vmem>> -> memref<384xf32, #tpu.memory_space<vmem>>
        %dma_start3A_574 = arith.constant 8448 : i32
        %dma_start3A_575 = tpu.memref_slice %arg8[%dma_start3A_574] : memref<15360xi32, #tpu.memory_space<vmem>> -> memref<384xi32, #tpu.memory_space<vmem>>
        %dma_start3A_576 = arith.constant 0 : i32
        %dma_start3A_577 = tpu.memref_slice %arg11[%dma_start3A_576] : memref<300000xf32, #tpu.memory_space<vmem_shared>> -> memref<300000xf32, #tpu.memory_space<vmem_shared>>
        tpu.enqueue_indirect_dma source(%dma_start3A_577 : memref<300000xf32, #tpu.memory_space<vmem_shared>>) target(%dma_start3A_573 : memref<384xf32, #tpu.memory_space<vmem>>) offsets(%dma_start3A_575 : memref<384xi32, #tpu.memory_space<vmem>>) semaphore(%arg12 : memref<!tpu.dma_semaphore, #tpu.memory_space<semaphore_mem>>)
        %dma_start3A_578 = arith.constant 11776 : i32
        %dma_start3A_579 = tpu.memref_slice %arg10[%dma_start3A_578] : memref<20480xf32, #tpu.memory_space<vmem>> -> memref<384xf32, #tpu.memory_space<vmem>>
        %dma_start3A_580 = arith.constant 8832 : i32
        %dma_start3A_581 = tpu.memref_slice %arg8[%dma_start3A_580] : memref<15360xi32, #tpu.memory_space<vmem>> -> memref<384xi32, #tpu.memory_space<vmem>>
        %dma_start3A_582 = arith.constant 0 : i32
        %dma_start3A_583 = tpu.memref_slice %arg11[%dma_start3A_582] : memref<300000xf32, #tpu.memory_space<vmem_shared>> -> memref<300000xf32, #tpu.memory_space<vmem_shared>>
        tpu.enqueue_indirect_dma source(%dma_start3A_583 : memref<300000xf32, #tpu.memory_space<vmem_shared>>) target(%dma_start3A_579 : memref<384xf32, #tpu.memory_space<vmem>>) offsets(%dma_start3A_581 : memref<384xi32, #tpu.memory_space<vmem>>) semaphore(%arg12 : memref<!tpu.dma_semaphore, #tpu.memory_space<semaphore_mem>>)
        %dma_start3A_584 = arith.constant 12288 : i32
        %dma_start3A_585 = tpu.memref_slice %arg10[%dma_start3A_584] : memref<20480xf32, #tpu.memory_space<vmem>> -> memref<384xf32, #tpu.memory_space<vmem>>
        %dma_start3A_586 = arith.constant 9216 : i32
        %dma_start3A_587 = tpu.memref_slice %arg8[%dma_start3A_586] : memref<15360xi32, #tpu.memory_space<vmem>> -> memref<384xi32, #tpu.memory_space<vmem>>
        %dma_start3A_588 = arith.constant 0 : i32
        %dma_start3A_589 = tpu.memref_slice %arg11[%dma_start3A_588] : memref<300000xf32, #tpu.memory_space<vmem_shared>> -> memref<300000xf32, #tpu.memory_space<vmem_shared>>
        tpu.enqueue_indirect_dma source(%dma_start3A_589 : memref<300000xf32, #tpu.memory_space<vmem_shared>>) target(%dma_start3A_585 : memref<384xf32, #tpu.memory_space<vmem>>) offsets(%dma_start3A_587 : memref<384xi32, #tpu.memory_space<vmem>>) semaphore(%arg12 : memref<!tpu.dma_semaphore, #tpu.memory_space<semaphore_mem>>)
        %dma_start3A_590 = arith.constant 12800 : i32
        %dma_start3A_591 = tpu.memref_slice %arg10[%dma_start3A_590] : memref<20480xf32, #tpu.memory_space<vmem>> -> memref<384xf32, #tpu.memory_space<vmem>>
        %dma_start3A_592 = arith.constant 9600 : i32
        %dma_start3A_593 = tpu.memref_slice %arg8[%dma_start3A_592] : memref<15360xi32, #tpu.memory_space<vmem>> -> memref<384xi32, #tpu.memory_space<vmem>>
        %dma_start3A_594 = arith.constant 0 : i32
        %dma_start3A_595 = tpu.memref_slice %arg11[%dma_start3A_594] : memref<300000xf32, #tpu.memory_space<vmem_shared>> -> memref<300000xf32, #tpu.memory_space<vmem_shared>>
        tpu.enqueue_indirect_dma source(%dma_start3A_595 : memref<300000xf32, #tpu.memory_space<vmem_shared>>) target(%dma_start3A_591 : memref<384xf32, #tpu.memory_space<vmem>>) offsets(%dma_start3A_593 : memref<384xi32, #tpu.memory_space<vmem>>) semaphore(%arg12 : memref<!tpu.dma_semaphore, #tpu.memory_space<semaphore_mem>>)
        %dma_start3A_596 = arith.constant 13312 : i32
        %dma_start3A_597 = tpu.memref_slice %arg10[%dma_start3A_596] : memref<20480xf32, #tpu.memory_space<vmem>> -> memref<384xf32, #tpu.memory_space<vmem>>
        %dma_start3A_598 = arith.constant 9984 : i32
        %dma_start3A_599 = tpu.memref_slice %arg8[%dma_start3A_598] : memref<15360xi32, #tpu.memory_space<vmem>> -> memref<384xi32, #tpu.memory_space<vmem>>
        %dma_start3A_600 = arith.constant 0 : i32
        %dma_start3A_601 = tpu.memref_slice %arg11[%dma_start3A_600] : memref<300000xf32, #tpu.memory_space<vmem_shared>> -> memref<300000xf32, #tpu.memory_space<vmem_shared>>
        tpu.enqueue_indirect_dma source(%dma_start3A_601 : memref<300000xf32, #tpu.memory_space<vmem_shared>>) target(%dma_start3A_597 : memref<384xf32, #tpu.memory_space<vmem>>) offsets(%dma_start3A_599 : memref<384xi32, #tpu.memory_space<vmem>>) semaphore(%arg12 : memref<!tpu.dma_semaphore, #tpu.memory_space<semaphore_mem>>)
        %dma_start3A_602 = arith.constant 13824 : i32
        %dma_start3A_603 = tpu.memref_slice %arg10[%dma_start3A_602] : memref<20480xf32, #tpu.memory_space<vmem>> -> memref<384xf32, #tpu.memory_space<vmem>>
        %dma_start3A_604 = arith.constant 10368 : i32
        %dma_start3A_605 = tpu.memref_slice %arg8[%dma_start3A_604] : memref<15360xi32, #tpu.memory_space<vmem>> -> memref<384xi32, #tpu.memory_space<vmem>>
        %dma_start3A_606 = arith.constant 0 : i32
        %dma_start3A_607 = tpu.memref_slice %arg11[%dma_start3A_606] : memref<300000xf32, #tpu.memory_space<vmem_shared>> -> memref<300000xf32, #tpu.memory_space<vmem_shared>>
        tpu.enqueue_indirect_dma source(%dma_start3A_607 : memref<300000xf32, #tpu.memory_space<vmem_shared>>) target(%dma_start3A_603 : memref<384xf32, #tpu.memory_space<vmem>>) offsets(%dma_start3A_605 : memref<384xi32, #tpu.memory_space<vmem>>) semaphore(%arg12 : memref<!tpu.dma_semaphore, #tpu.memory_space<semaphore_mem>>)
        %dma_start3A_608 = arith.constant 14336 : i32
        %dma_start3A_609 = tpu.memref_slice %arg10[%dma_start3A_608] : memref<20480xf32, #tpu.memory_space<vmem>> -> memref<384xf32, #tpu.memory_space<vmem>>
        %dma_start3A_610 = arith.constant 10752 : i32
        %dma_start3A_611 = tpu.memref_slice %arg8[%dma_start3A_610] : memref<15360xi32, #tpu.memory_space<vmem>> -> memref<384xi32, #tpu.memory_space<vmem>>
        %dma_start3A_612 = arith.constant 0 : i32
        %dma_start3A_613 = tpu.memref_slice %arg11[%dma_start3A_612] : memref<300000xf32, #tpu.memory_space<vmem_shared>> -> memref<300000xf32, #tpu.memory_space<vmem_shared>>
        tpu.enqueue_indirect_dma source(%dma_start3A_613 : memref<300000xf32, #tpu.memory_space<vmem_shared>>) target(%dma_start3A_609 : memref<384xf32, #tpu.memory_space<vmem>>) offsets(%dma_start3A_611 : memref<384xi32, #tpu.memory_space<vmem>>) semaphore(%arg12 : memref<!tpu.dma_semaphore, #tpu.memory_space<semaphore_mem>>)
        %dma_start3A_614 = arith.constant 14848 : i32
        %dma_start3A_615 = tpu.memref_slice %arg10[%dma_start3A_614] : memref<20480xf32, #tpu.memory_space<vmem>> -> memref<384xf32, #tpu.memory_space<vmem>>
        %dma_start3A_616 = arith.constant 11136 : i32
        %dma_start3A_617 = tpu.memref_slice %arg8[%dma_start3A_616] : memref<15360xi32, #tpu.memory_space<vmem>> -> memref<384xi32, #tpu.memory_space<vmem>>
        %dma_start3A_618 = arith.constant 0 : i32
        %dma_start3A_619 = tpu.memref_slice %arg11[%dma_start3A_618] : memref<300000xf32, #tpu.memory_space<vmem_shared>> -> memref<300000xf32, #tpu.memory_space<vmem_shared>>
        tpu.enqueue_indirect_dma source(%dma_start3A_619 : memref<300000xf32, #tpu.memory_space<vmem_shared>>) target(%dma_start3A_615 : memref<384xf32, #tpu.memory_space<vmem>>) offsets(%dma_start3A_617 : memref<384xi32, #tpu.memory_space<vmem>>) semaphore(%arg12 : memref<!tpu.dma_semaphore, #tpu.memory_space<semaphore_mem>>)
        %dma_start3A_620 = arith.constant 15360 : i32
        %dma_start3A_621 = tpu.memref_slice %arg10[%dma_start3A_620] : memref<20480xf32, #tpu.memory_space<vmem>> -> memref<384xf32, #tpu.memory_space<vmem>>
        %dma_start3A_622 = arith.constant 11520 : i32
        %dma_start3A_623 = tpu.memref_slice %arg8[%dma_start3A_622] : memref<15360xi32, #tpu.memory_space<vmem>> -> memref<384xi32, #tpu.memory_space<vmem>>
        %dma_start3A_624 = arith.constant 0 : i32
        %dma_start3A_625 = tpu.memref_slice %arg11[%dma_start3A_624] : memref<300000xf32, #tpu.memory_space<vmem_shared>> -> memref<300000xf32, #tpu.memory_space<vmem_shared>>
        tpu.enqueue_indirect_dma source(%dma_start3A_625 : memref<300000xf32, #tpu.memory_space<vmem_shared>>) target(%dma_start3A_621 : memref<384xf32, #tpu.memory_space<vmem>>) offsets(%dma_start3A_623 : memref<384xi32, #tpu.memory_space<vmem>>) semaphore(%arg12 : memref<!tpu.dma_semaphore, #tpu.memory_space<semaphore_mem>>)
        %dma_start3A_626 = arith.constant 15872 : i32
        %dma_start3A_627 = tpu.memref_slice %arg10[%dma_start3A_626] : memref<20480xf32, #tpu.memory_space<vmem>> -> memref<384xf32, #tpu.memory_space<vmem>>
        %dma_start3A_628 = arith.constant 11904 : i32
        %dma_start3A_629 = tpu.memref_slice %arg8[%dma_start3A_628] : memref<15360xi32, #tpu.memory_space<vmem>> -> memref<384xi32, #tpu.memory_space<vmem>>
        %dma_start3A_630 = arith.constant 0 : i32
        %dma_start3A_631 = tpu.memref_slice %arg11[%dma_start3A_630] : memref<300000xf32, #tpu.memory_space<vmem_shared>> -> memref<300000xf32, #tpu.memory_space<vmem_shared>>
        tpu.enqueue_indirect_dma source(%dma_start3A_631 : memref<300000xf32, #tpu.memory_space<vmem_shared>>) target(%dma_start3A_627 : memref<384xf32, #tpu.memory_space<vmem>>) offsets(%dma_start3A_629 : memref<384xi32, #tpu.memory_space<vmem>>) semaphore(%arg12 : memref<!tpu.dma_semaphore, #tpu.memory_space<semaphore_mem>>)
        %dma_start3A_632 = arith.constant 16384 : i32
        %dma_start3A_633 = tpu.memref_slice %arg10[%dma_start3A_632] : memref<20480xf32, #tpu.memory_space<vmem>> -> memref<384xf32, #tpu.memory_space<vmem>>
        %dma_start3A_634 = arith.constant 12288 : i32
        %dma_start3A_635 = tpu.memref_slice %arg8[%dma_start3A_634] : memref<15360xi32, #tpu.memory_space<vmem>> -> memref<384xi32, #tpu.memory_space<vmem>>
        %dma_start3A_636 = arith.constant 0 : i32
        %dma_start3A_637 = tpu.memref_slice %arg11[%dma_start3A_636] : memref<300000xf32, #tpu.memory_space<vmem_shared>> -> memref<300000xf32, #tpu.memory_space<vmem_shared>>
        tpu.enqueue_indirect_dma source(%dma_start3A_637 : memref<300000xf32, #tpu.memory_space<vmem_shared>>) target(%dma_start3A_633 : memref<384xf32, #tpu.memory_space<vmem>>) offsets(%dma_start3A_635 : memref<384xi32, #tpu.memory_space<vmem>>) semaphore(%arg12 : memref<!tpu.dma_semaphore, #tpu.memory_space<semaphore_mem>>)
        %dma_start3A_638 = arith.constant 16896 : i32
        %dma_start3A_639 = tpu.memref_slice %arg10[%dma_start3A_638] : memref<20480xf32, #tpu.memory_space<vmem>> -> memref<384xf32, #tpu.memory_space<vmem>>
        %dma_start3A_640 = arith.constant 12672 : i32
        %dma_start3A_641 = tpu.memref_slice %arg8[%dma_start3A_640] : memref<15360xi32, #tpu.memory_space<vmem>> -> memref<384xi32, #tpu.memory_space<vmem>>
        %dma_start3A_642 = arith.constant 0 : i32
        %dma_start3A_643 = tpu.memref_slice %arg11[%dma_start3A_642] : memref<300000xf32, #tpu.memory_space<vmem_shared>> -> memref<300000xf32, #tpu.memory_space<vmem_shared>>
        tpu.enqueue_indirect_dma source(%dma_start3A_643 : memref<300000xf32, #tpu.memory_space<vmem_shared>>) target(%dma_start3A_639 : memref<384xf32, #tpu.memory_space<vmem>>) offsets(%dma_start3A_641 : memref<384xi32, #tpu.memory_space<vmem>>) semaphore(%arg12 : memref<!tpu.dma_semaphore, #tpu.memory_space<semaphore_mem>>)
        %dma_start3A_644 = arith.constant 17408 : i32
        %dma_start3A_645 = tpu.memref_slice %arg10[%dma_start3A_644] : memref<20480xf32, #tpu.memory_space<vmem>> -> memref<384xf32, #tpu.memory_space<vmem>>
        %dma_start3A_646 = arith.constant 13056 : i32
        %dma_start3A_647 = tpu.memref_slice %arg8[%dma_start3A_646] : memref<15360xi32, #tpu.memory_space<vmem>> -> memref<384xi32, #tpu.memory_space<vmem>>
        %dma_start3A_648 = arith.constant 0 : i32
        %dma_start3A_649 = tpu.memref_slice %arg11[%dma_start3A_648] : memref<300000xf32, #tpu.memory_space<vmem_shared>> -> memref<300000xf32, #tpu.memory_space<vmem_shared>>
        tpu.enqueue_indirect_dma source(%dma_start3A_649 : memref<300000xf32, #tpu.memory_space<vmem_shared>>) target(%dma_start3A_645 : memref<384xf32, #tpu.memory_space<vmem>>) offsets(%dma_start3A_647 : memref<384xi32, #tpu.memory_space<vmem>>) semaphore(%arg12 : memref<!tpu.dma_semaphore, #tpu.memory_space<semaphore_mem>>)
        %dma_start3A_650 = arith.constant 17920 : i32
        %dma_start3A_651 = tpu.memref_slice %arg10[%dma_start3A_650] : memref<20480xf32, #tpu.memory_space<vmem>> -> memref<384xf32, #tpu.memory_space<vmem>>
        %dma_start3A_652 = arith.constant 13440 : i32
        %dma_start3A_653 = tpu.memref_slice %arg8[%dma_start3A_652] : memref<15360xi32, #tpu.memory_space<vmem>> -> memref<384xi32, #tpu.memory_space<vmem>>
        %dma_start3A_654 = arith.constant 0 : i32
        %dma_start3A_655 = tpu.memref_slice %arg11[%dma_start3A_654] : memref<300000xf32, #tpu.memory_space<vmem_shared>> -> memref<300000xf32, #tpu.memory_space<vmem_shared>>
        tpu.enqueue_indirect_dma source(%dma_start3A_655 : memref<300000xf32, #tpu.memory_space<vmem_shared>>) target(%dma_start3A_651 : memref<384xf32, #tpu.memory_space<vmem>>) offsets(%dma_start3A_653 : memref<384xi32, #tpu.memory_space<vmem>>) semaphore(%arg12 : memref<!tpu.dma_semaphore, #tpu.memory_space<semaphore_mem>>)
        %dma_start3A_656 = arith.constant 18432 : i32
        %dma_start3A_657 = tpu.memref_slice %arg10[%dma_start3A_656] : memref<20480xf32, #tpu.memory_space<vmem>> -> memref<384xf32, #tpu.memory_space<vmem>>
        %dma_start3A_658 = arith.constant 13824 : i32
        %dma_start3A_659 = tpu.memref_slice %arg8[%dma_start3A_658] : memref<15360xi32, #tpu.memory_space<vmem>> -> memref<384xi32, #tpu.memory_space<vmem>>
        %dma_start3A_660 = arith.constant 0 : i32
        %dma_start3A_661 = tpu.memref_slice %arg11[%dma_start3A_660] : memref<300000xf32, #tpu.memory_space<vmem_shared>> -> memref<300000xf32, #tpu.memory_space<vmem_shared>>
        tpu.enqueue_indirect_dma source(%dma_start3A_661 : memref<300000xf32, #tpu.memory_space<vmem_shared>>) target(%dma_start3A_657 : memref<384xf32, #tpu.memory_space<vmem>>) offsets(%dma_start3A_659 : memref<384xi32, #tpu.memory_space<vmem>>) semaphore(%arg12 : memref<!tpu.dma_semaphore, #tpu.memory_space<semaphore_mem>>)
        %dma_start3A_662 = arith.constant 18944 : i32
        %dma_start3A_663 = tpu.memref_slice %arg10[%dma_start3A_662] : memref<20480xf32, #tpu.memory_space<vmem>> -> memref<384xf32, #tpu.memory_space<vmem>>
        %dma_start3A_664 = arith.constant 14208 : i32
        %dma_start3A_665 = tpu.memref_slice %arg8[%dma_start3A_664] : memref<15360xi32, #tpu.memory_space<vmem>> -> memref<384xi32, #tpu.memory_space<vmem>>
        %dma_start3A_666 = arith.constant 0 : i32
        %dma_start3A_667 = tpu.memref_slice %arg11[%dma_start3A_666] : memref<300000xf32, #tpu.memory_space<vmem_shared>> -> memref<300000xf32, #tpu.memory_space<vmem_shared>>
        tpu.enqueue_indirect_dma source(%dma_start3A_667 : memref<300000xf32, #tpu.memory_space<vmem_shared>>) target(%dma_start3A_663 : memref<384xf32, #tpu.memory_space<vmem>>) offsets(%dma_start3A_665 : memref<384xi32, #tpu.memory_space<vmem>>) semaphore(%arg12 : memref<!tpu.dma_semaphore, #tpu.memory_space<semaphore_mem>>)
        %dma_start3A_668 = arith.constant 19456 : i32
        %dma_start3A_669 = tpu.memref_slice %arg10[%dma_start3A_668] : memref<20480xf32, #tpu.memory_space<vmem>> -> memref<384xf32, #tpu.memory_space<vmem>>
        %dma_start3A_670 = arith.constant 14592 : i32
        %dma_start3A_671 = tpu.memref_slice %arg8[%dma_start3A_670] : memref<15360xi32, #tpu.memory_space<vmem>> -> memref<384xi32, #tpu.memory_space<vmem>>
        %dma_start3A_672 = arith.constant 0 : i32
        %dma_start3A_673 = tpu.memref_slice %arg11[%dma_start3A_672] : memref<300000xf32, #tpu.memory_space<vmem_shared>> -> memref<300000xf32, #tpu.memory_space<vmem_shared>>
        tpu.enqueue_indirect_dma source(%dma_start3A_673 : memref<300000xf32, #tpu.memory_space<vmem_shared>>) target(%dma_start3A_669 : memref<384xf32, #tpu.memory_space<vmem>>) offsets(%dma_start3A_671 : memref<384xi32, #tpu.memory_space<vmem>>) semaphore(%arg12 : memref<!tpu.dma_semaphore, #tpu.memory_space<semaphore_mem>>)
        %dma_start3A_674 = arith.constant 19968 : i32
        %dma_start3A_675 = tpu.memref_slice %arg10[%dma_start3A_674] : memref<20480xf32, #tpu.memory_space<vmem>> -> memref<384xf32, #tpu.memory_space<vmem>>
        %dma_start3A_676 = arith.constant 14976 : i32
        %dma_start3A_677 = tpu.memref_slice %arg8[%dma_start3A_676] : memref<15360xi32, #tpu.memory_space<vmem>> -> memref<384xi32, #tpu.memory_space<vmem>>
        %dma_start3A_678 = arith.constant 0 : i32
        %dma_start3A_679 = tpu.memref_slice %arg11[%dma_start3A_678] : memref<300000xf32, #tpu.memory_space<vmem_shared>> -> memref<300000xf32, #tpu.memory_space<vmem_shared>>
        tpu.enqueue_indirect_dma source(%dma_start3A_679 : memref<300000xf32, #tpu.memory_space<vmem_shared>>) target(%dma_start3A_675 : memref<384xf32, #tpu.memory_space<vmem>>) offsets(%dma_start3A_677 : memref<384xi32, #tpu.memory_space<vmem>>) semaphore(%arg12 : memref<!tpu.dma_semaphore, #tpu.memory_space<semaphore_mem>>)
      } else {
      }
      %jit3A_166 = arith.constant 2 : i32
      %div3A_167 = arith.divsi %add3A_53, %jit3A_166 : i32
      %sign3A_168 = arith.constant 0 : i32
      %sign3A_169 = arith.cmpi sgt, %add3A_53, %sign3A_168 : i32
      %sign3A_170 = arith.extui %sign3A_169 : i1 to i32
      %sign3A_171 = arith.constant 0 : i32
      %sign3A_172 = arith.cmpi slt, %add3A_53, %sign3A_171 : i32
      %sign3A_173 = arith.extui %sign3A_172 : i1 to i32
      %sign3A_174 = arith.subi %sign3A_170, %sign3A_173 : i32
      %sign3A_175 = arith.constant 0 : i32
      %sign3A_176 = arith.cmpi sgt, %jit3A_166, %sign3A_175 : i32
      %sign3A_177 = arith.extui %sign3A_176 : i1 to i32
      %sign3A_178 = arith.constant 0 : i32
      %sign3A_179 = arith.cmpi slt, %jit3A_166, %sign3A_178 : i32
      %sign3A_180 = arith.extui %sign3A_179 : i1 to i32
      %sign3A_181 = arith.subi %sign3A_177, %sign3A_180 : i32
      %ne3A_182 = arith.cmpi ne, %sign3A_174, %sign3A_181 : i32
      %rem3A_183 = arith.remsi %add3A_53, %jit3A_166 : i32
      %ne3A_184 = arith.constant 0 : i32
      %ne3A_185 = arith.cmpi ne, %rem3A_183, %ne3A_184 : i32
      %and3A_186 = arith.andi %ne3A_182, %ne3A_185 : i1
      %sub3A_187 = arith.constant 1 : i32
      %sub3A_188 = arith.subi %div3A_167, %sub3A_187 : i32
      %select_n3A_189 = arith.select %and3A_186, %sub3A_188, %div3A_167 : i32
      %mul3A_190 = arith.constant 32 : i32
      %mul3A_191 = arith.muli %select_n3A_189, %mul3A_190 : i32
      %add3A_192 = arith.addi %mul3A_191, %add3A : i32
      %lt3A_193 = arith.constant 1250 : i32
      %lt3A_194 = arith.cmpi slt, %add3A_192, %lt3A_193 : i32
      %convert_element_type3A_195 = arith.extui %lt3A_194 : i1 to i32
      %cond3A_196 = arith.constant 0 : i32
      %cond3A_197 = arith.cmpi ne, %convert_element_type3A_195, %cond3A_196 : i32
      scf.if %cond3A_197 {
        %dma_wait3A = arith.constant 0 : i32
        %dma_wait3A_441 = tpu.memref_slice %arg9[%dma_wait3A] : memref<20480xf32, #tpu.memory_space<vmem>> -> memref<15360xf32, #tpu.memory_space<vmem>>
        %dma_wait3A_442 = arith.constant 0 : i32
        %dma_wait3A_443 = tpu.memref_slice %arg11[%dma_wait3A_442] : memref<300000xf32, #tpu.memory_space<vmem_shared>> -> memref<300000xf32, #tpu.memory_space<vmem_shared>>
        tpu.wait_indirect_dma semaphore(%arg12 : memref<!tpu.dma_semaphore, #tpu.memory_space<semaphore_mem>>) src(%dma_wait3A_443 : memref<300000xf32, #tpu.memory_space<vmem_shared>>) dst(%dma_wait3A_441 : memref<15360xf32, #tpu.memory_space<vmem>>)
      } else {
      }
      %jit3A_198 = arith.constant 2 : i32
      %div3A_199 = arith.divsi %add3A_53, %jit3A_198 : i32
      %sign3A_200 = arith.constant 0 : i32
      %sign3A_201 = arith.cmpi sgt, %add3A_53, %sign3A_200 : i32
      %sign3A_202 = arith.extui %sign3A_201 : i1 to i32
      %sign3A_203 = arith.constant 0 : i32
      %sign3A_204 = arith.cmpi slt, %add3A_53, %sign3A_203 : i32
      %sign3A_205 = arith.extui %sign3A_204 : i1 to i32
      %sign3A_206 = arith.subi %sign3A_202, %sign3A_205 : i32
      %sign3A_207 = arith.constant 0 : i32
      %sign3A_208 = arith.cmpi sgt, %jit3A_198, %sign3A_207 : i32
      %sign3A_209 = arith.extui %sign3A_208 : i1 to i32
      %sign3A_210 = arith.constant 0 : i32
      %sign3A_211 = arith.cmpi slt, %jit3A_198, %sign3A_210 : i32
      %sign3A_212 = arith.extui %sign3A_211 : i1 to i32
      %sign3A_213 = arith.subi %sign3A_209, %sign3A_212 : i32
      %ne3A_214 = arith.cmpi ne, %sign3A_206, %sign3A_213 : i32
      %rem3A_215 = arith.remsi %add3A_53, %jit3A_198 : i32
      %ne3A_216 = arith.constant 0 : i32
      %ne3A_217 = arith.cmpi ne, %rem3A_215, %ne3A_216 : i32
      %and3A_218 = arith.andi %ne3A_214, %ne3A_217 : i1
      %sub3A_219 = arith.constant 1 : i32
      %sub3A_220 = arith.subi %div3A_199, %sub3A_219 : i32
      %select_n3A_221 = arith.select %and3A_218, %sub3A_220, %div3A_199 : i32
      %mul3A_222 = arith.constant 32 : i32
      %mul3A_223 = arith.muli %select_n3A_221, %mul3A_222 : i32
      %add3A_224 = arith.addi %mul3A_223, %add3A : i32
      %lt3A_225 = arith.constant 1250 : i32
      %lt3A_226 = arith.cmpi slt, %add3A_224, %lt3A_225 : i32
      %convert_element_type3A_227 = arith.extui %lt3A_226 : i1 to i32
      %cond3A_228 = arith.constant 0 : i32
      %cond3A_229 = arith.cmpi ne, %convert_element_type3A_227, %cond3A_228 : i32
      scf.if %cond3A_229 {
        %jit3A_441 = arith.constant 2 : i32
        %div3A_442 = arith.divsi %add3A_53, %jit3A_441 : i32
        %sign3A_443 = arith.constant 0 : i32
        %sign3A_444 = arith.cmpi sgt, %add3A_53, %sign3A_443 : i32
        %sign3A_445 = arith.extui %sign3A_444 : i1 to i32
        %sign3A_446 = arith.constant 0 : i32
        %sign3A_447 = arith.cmpi slt, %add3A_53, %sign3A_446 : i32
        %sign3A_448 = arith.extui %sign3A_447 : i1 to i32
        %sign3A_449 = arith.subi %sign3A_445, %sign3A_448 : i32
        %sign3A_450 = arith.constant 0 : i32
        %sign3A_451 = arith.cmpi sgt, %jit3A_441, %sign3A_450 : i32
        %sign3A_452 = arith.extui %sign3A_451 : i1 to i32
        %sign3A_453 = arith.constant 0 : i32
        %sign3A_454 = arith.cmpi slt, %jit3A_441, %sign3A_453 : i32
        %sign3A_455 = arith.extui %sign3A_454 : i1 to i32
        %sign3A_456 = arith.subi %sign3A_452, %sign3A_455 : i32
        %ne3A_457 = arith.cmpi ne, %sign3A_449, %sign3A_456 : i32
        %rem3A_458 = arith.remsi %add3A_53, %jit3A_441 : i32
        %ne3A_459 = arith.constant 0 : i32
        %ne3A_460 = arith.cmpi ne, %rem3A_458, %ne3A_459 : i32
        %and3A_461 = arith.andi %ne3A_457, %ne3A_460 : i1
        %sub3A_462 = arith.constant 1 : i32
        %sub3A_463 = arith.subi %div3A_442, %sub3A_462 : i32
        %select_n3A_464 = arith.select %and3A_461, %sub3A_463, %div3A_442 : i32
        %mul3A_465 = arith.constant 32 : i32
        %mul3A_466 = arith.muli %select_n3A_464, %mul3A_465 : i32
        %add3A_467 = arith.addi %mul3A_466, %add3A : i32
        %mul3A_468 = arith.constant 4 : i32
        %mul3A_469 = arith.muli %mul3A_468, %add3A_467 : i32
        %mul3A_470 = arith.constant 5120 : i32
        %mul3A_471 = arith.muli %mul3A_469, %mul3A_470 : i32
        %dma_start3A = tpu.memref_slice %arg4[%mul3A_471] : memref<25600000xf32, #tpu.memory_space<hbm>> -> memref<20480xf32, #tpu.memory_space<hbm>>
        %dma_start3A_472 = tpu.memref_slice %arg4[%mul3A_471] : memref<25600000xf32, #tpu.memory_space<hbm>> -> memref<20480xf32, #tpu.memory_space<hbm>>
        tpu.enqueue_dma source(%arg9 : memref<20480xf32, #tpu.memory_space<vmem>>) target(%dma_start3A_472 : memref<20480xf32, #tpu.memory_space<hbm>>) target_semaphore(%arg13 : memref<!tpu.dma_semaphore, #tpu.memory_space<semaphore_mem>>)
      } else {
      }
      %mul3A_230 = arith.constant 2 : i32
      %mul3A_231 = arith.muli %mul3A_230, %scan3A_49 : i32
      %add3A_232 = arith.constant 1 : i32
      %add3A_233 = arith.addi %mul3A_231, %add3A_232 : i32
      %add3A_234 = arith.constant 1 : i32
      %add3A_235 = arith.addi %scan3A_49, %add3A_234 : i32
      %mul3A_236 = arith.constant 32 : i32
      %mul3A_237 = arith.muli %add3A_235, %mul3A_236 : i32
      %add3A_238 = arith.addi %mul3A_237, %add3A : i32
      %lt3A_239 = arith.constant 1250 : i32
      %lt3A_240 = arith.cmpi slt, %add3A_238, %lt3A_239 : i32
      %convert_element_type3A_241 = arith.extui %lt3A_240 : i1 to i32
      %cond3A_242 = arith.constant 0 : i32
      %cond3A_243 = arith.cmpi ne, %convert_element_type3A_241, %cond3A_242 : i32
      scf.if %cond3A_243 {
        %jit3A_441 = arith.constant 2 : i32
        %eq3A_442 = arith.constant 0 : i32
        %eq3A_443 = arith.cmpi eq, %jit3A_441, %eq3A_442 : i32
        %jit3A_444 = arith.constant 1 : i32
        %select_n3A_445 = arith.select %eq3A_443, %jit3A_444, %jit3A_441 : i32
        %rem3A_446 = arith.remsi %add3A_235, %select_n3A_445 : i32
        %ne3A_447 = arith.constant 0 : i32
        %ne3A_448 = arith.cmpi ne, %rem3A_446, %ne3A_447 : i32
        %lt3A_449 = arith.constant 0 : i32
        %lt3A_450 = arith.cmpi slt, %rem3A_446, %lt3A_449 : i32
        %lt3A_451 = arith.constant 0 : i32
        %lt3A_452 = arith.cmpi slt, %select_n3A_445, %lt3A_451 : i32
        %ne3A_453 = arith.xori %lt3A_450, %lt3A_452 : i1
        %and3A_454 = arith.andi %ne3A_453, %ne3A_448 : i1
        %add3A_455 = arith.addi %rem3A_446, %select_n3A_445 : i32
        %select_n3A_456 = arith.select %and3A_454, %add3A_455, %rem3A_446 : i32
        %dma_wait3A = arith.constant 0 : i32
        %dma_wait3A_457 = arith.constant 0 : i32
        %dma_wait3A_458 = tpu.memref_slice %arg6[%select_n3A_456, %dma_wait3A, %dma_wait3A_457] : memref<2x2x5120xi32, #tpu.memory_space<vmem>> -> memref<1x2x5120xi32, #tpu.memory_space<vmem>>
        %dma_wait3A_459 = tpu.memref_squeeze %dma_wait3A_458 : memref<1x2x5120xi32, #tpu.memory_space<vmem>> -> memref<2x5120xi32, #tpu.memory_space<vmem>>
        %dma_wait3A_460 = arith.constant 0 : i32
        %dma_wait3A_461 = arith.constant 0 : i32
        %dma_wait3A_462 = tpu.memref_slice %arg3[%dma_wait3A_460, %dma_wait3A_461] : memref<2x6400000xi32, #tpu.memory_space<hbm>> -> memref<2x5120xi32, #tpu.memory_space<hbm>>
        %dma_wait3A_463 = arith.constant 0 : i32
        %dma_wait3A_464 = arith.constant 0 : i32
        %dma_wait3A_465 = tpu.memref_slice %arg6[%select_n3A_456, %dma_wait3A_463, %dma_wait3A_464] : memref<2x2x5120xi32, #tpu.memory_space<vmem>> -> memref<1x2x5120xi32, #tpu.memory_space<vmem>>
        %dma_wait3A_466 = tpu.memref_squeeze %dma_wait3A_465 : memref<1x2x5120xi32, #tpu.memory_space<vmem>> -> memref<2x5120xi32, #tpu.memory_space<vmem>>
        %dma_wait3A_467 = arith.constant 0 : i32
        %dma_wait3A_468 = arith.constant 0 : i32
        %dma_wait3A_469 = tpu.memref_slice %arg3[%dma_wait3A_467, %dma_wait3A_468] : memref<2x6400000xi32, #tpu.memory_space<hbm>> -> memref<2x5120xi32, #tpu.memory_space<hbm>>
        tpu.wait_dma2 semaphore(%arg14 : memref<!tpu.dma_semaphore, #tpu.memory_space<semaphore_mem>>) src(%dma_wait3A_469 : memref<2x5120xi32, #tpu.memory_space<hbm>>) dst(%dma_wait3A_466 : memref<2x5120xi32, #tpu.memory_space<vmem>>)
      } else {
      }
      %add3A_244 = arith.constant 2 : i32
      %add3A_245 = arith.addi %scan3A_49, %add3A_244 : i32
      %mul3A_246 = arith.constant 32 : i32
      %mul3A_247 = arith.muli %add3A_245, %mul3A_246 : i32
      %add3A_248 = arith.addi %mul3A_247, %add3A : i32
      %lt3A_249 = arith.constant 1250 : i32
      %lt3A_250 = arith.cmpi slt, %add3A_248, %lt3A_249 : i32
      %convert_element_type3A_251 = arith.extui %lt3A_250 : i1 to i32
      %cond3A_252 = arith.constant 0 : i32
      %cond3A_253 = arith.cmpi ne, %convert_element_type3A_251, %cond3A_252 : i32
      scf.if %cond3A_253 {
        %mul3A_441 = arith.constant 32 : i32
        %mul3A_442 = arith.muli %add3A_245, %mul3A_441 : i32
        %add3A_443 = arith.addi %mul3A_442, %add3A : i32
        %mul3A_444 = arith.constant 5120 : i32
        %mul3A_445 = arith.muli %add3A_443, %mul3A_444 : i32
        %jit3A_446 = arith.constant 2 : i32
        %eq3A_447 = arith.constant 0 : i32
        %eq3A_448 = arith.cmpi eq, %jit3A_446, %eq3A_447 : i32
        %jit3A_449 = arith.constant 1 : i32
        %select_n3A_450 = arith.select %eq3A_448, %jit3A_449, %jit3A_446 : i32
        %rem3A_451 = arith.remsi %add3A_245, %select_n3A_450 : i32
        %ne3A_452 = arith.constant 0 : i32
        %ne3A_453 = arith.cmpi ne, %rem3A_451, %ne3A_452 : i32
        %lt3A_454 = arith.constant 0 : i32
        %lt3A_455 = arith.cmpi slt, %rem3A_451, %lt3A_454 : i32
        %lt3A_456 = arith.constant 0 : i32
        %lt3A_457 = arith.cmpi slt, %select_n3A_450, %lt3A_456 : i32
        %ne3A_458 = arith.xori %lt3A_455, %lt3A_457 : i1
        %and3A_459 = arith.andi %ne3A_458, %ne3A_453 : i1
        %add3A_460 = arith.addi %rem3A_451, %select_n3A_450 : i32
        %select_n3A_461 = arith.select %and3A_459, %add3A_460, %rem3A_451 : i32
        %dma_start3A = arith.constant 0 : i32
        %dma_start3A_462 = arith.constant 0 : i32
        %dma_start3A_463 = tpu.memref_slice %arg6[%select_n3A_461, %dma_start3A, %dma_start3A_462] : memref<2x2x5120xi32, #tpu.memory_space<vmem>> -> memref<1x2x5120xi32, #tpu.memory_space<vmem>>
        %dma_start3A_464 = tpu.memref_squeeze %dma_start3A_463 : memref<1x2x5120xi32, #tpu.memory_space<vmem>> -> memref<2x5120xi32, #tpu.memory_space<vmem>>
        %dma_start3A_465 = arith.constant 0 : i32
        %dma_start3A_466 = tpu.memref_slice %arg3[%dma_start3A_465, %mul3A_445] : memref<2x6400000xi32, #tpu.memory_space<hbm>> -> memref<2x5120xi32, #tpu.memory_space<hbm>>
        %dma_start3A_467 = arith.constant 0 : i32
        %dma_start3A_468 = arith.constant 0 : i32
        %dma_start3A_469 = tpu.memref_slice %arg6[%select_n3A_461, %dma_start3A_467, %dma_start3A_468] : memref<2x2x5120xi32, #tpu.memory_space<vmem>> -> memref<1x2x5120xi32, #tpu.memory_space<vmem>>
        %dma_start3A_470 = tpu.memref_squeeze %dma_start3A_469 : memref<1x2x5120xi32, #tpu.memory_space<vmem>> -> memref<2x5120xi32, #tpu.memory_space<vmem>>
        %dma_start3A_471 = arith.constant 0 : i32
        %dma_start3A_472 = tpu.memref_slice %arg3[%dma_start3A_471, %mul3A_445] : memref<2x6400000xi32, #tpu.memory_space<hbm>> -> memref<2x5120xi32, #tpu.memory_space<hbm>>
        tpu.enqueue_dma source(%dma_start3A_472 : memref<2x5120xi32, #tpu.memory_space<hbm>>) target(%dma_start3A_470 : memref<2x5120xi32, #tpu.memory_space<vmem>>) target_semaphore(%arg14 : memref<!tpu.dma_semaphore, #tpu.memory_space<semaphore_mem>>)
      } else {
      }
      %add3A_254 = arith.constant 1 : i32
      %add3A_255 = arith.addi %scan3A_49, %add3A_254 : i32
      %jit3A_256 = arith.constant 2 : i32
      %eq3A_257 = arith.constant 0 : i32
      %eq3A_258 = arith.cmpi eq, %jit3A_256, %eq3A_257 : i32
      %jit3A_259 = arith.constant 1 : i32
      %select_n3A_260 = arith.select %eq3A_258, %jit3A_259, %jit3A_256 : i32
      %rem3A_261 = arith.remsi %add3A_255, %select_n3A_260 : i32
      %ne3A_262 = arith.constant 0 : i32
      %ne3A_263 = arith.cmpi ne, %rem3A_261, %ne3A_262 : i32
      %lt3A_264 = arith.constant 0 : i32
      %lt3A_265 = arith.cmpi slt, %rem3A_261, %lt3A_264 : i32
      %lt3A_266 = arith.constant 0 : i32
      %lt3A_267 = arith.cmpi slt, %select_n3A_260, %lt3A_266 : i32
      %ne3A_268 = arith.xori %lt3A_265, %lt3A_267 : i1
      %and3A_269 = arith.andi %ne3A_268, %ne3A_263 : i1
      %add3A_270 = arith.addi %rem3A_261, %select_n3A_260 : i32
      %select_n3A_271 = arith.select %and3A_269, %add3A_270, %rem3A_261 : i32
      %add3A_272 = arith.constant 1 : i32
      %add3A_273 = arith.addi %add3A_233, %add3A_272 : i32
      %jit3A_274 = arith.constant 2 : i32
      %div3A_275 = arith.divsi %add3A_273, %jit3A_274 : i32
      %sign3A_276 = arith.constant 0 : i32
      %sign3A_277 = arith.cmpi sgt, %add3A_273, %sign3A_276 : i32
      %sign3A_278 = arith.extui %sign3A_277 : i1 to i32
      %sign3A_279 = arith.constant 0 : i32
      %sign3A_280 = arith.cmpi slt, %add3A_273, %sign3A_279 : i32
      %sign3A_281 = arith.extui %sign3A_280 : i1 to i32
      %sign3A_282 = arith.subi %sign3A_278, %sign3A_281 : i32
      %sign3A_283 = arith.constant 0 : i32
      %sign3A_284 = arith.cmpi sgt, %jit3A_274, %sign3A_283 : i32
      %sign3A_285 = arith.extui %sign3A_284 : i1 to i32
      %sign3A_286 = arith.constant 0 : i32
      %sign3A_287 = arith.cmpi slt, %jit3A_274, %sign3A_286 : i32
      %sign3A_288 = arith.extui %sign3A_287 : i1 to i32
      %sign3A_289 = arith.subi %sign3A_285, %sign3A_288 : i32
      %ne3A_290 = arith.cmpi ne, %sign3A_282, %sign3A_289 : i32
      %rem3A_291 = arith.remsi %add3A_273, %jit3A_274 : i32
      %ne3A_292 = arith.constant 0 : i32
      %ne3A_293 = arith.cmpi ne, %rem3A_291, %ne3A_292 : i32
      %and3A_294 = arith.andi %ne3A_290, %ne3A_293 : i1
      %sub3A_295 = arith.constant 1 : i32
      %sub3A_296 = arith.subi %div3A_275, %sub3A_295 : i32
      %select_n3A_297 = arith.select %and3A_294, %sub3A_296, %div3A_275 : i32
      %mul3A_298 = arith.constant 32 : i32
      %mul3A_299 = arith.muli %select_n3A_297, %mul3A_298 : i32
      %add3A_300 = arith.addi %mul3A_299, %add3A : i32
      %lt3A_301 = arith.constant 1250 : i32
      %lt3A_302 = arith.cmpi slt, %add3A_300, %lt3A_301 : i32
      %convert_element_type3A_303 = arith.extui %lt3A_302 : i1 to i32
      %cond3A_304 = arith.constant 0 : i32
      %cond3A_305 = arith.cmpi ne, %convert_element_type3A_303, %cond3A_304 : i32
      scf.if %cond3A_305 {
        %scan3A_441 = arith.constant 0 : i32
        %scan3A_442 = arith.constant 0 : i32
        %scan3A_443 = arith.constant 40 : i32
        %scan3A_444 = arith.addi %scan3A_442, %scan3A_443 : i32
        %scan3A_445 = arith.constant 1 : i32
        scf.for %scan3A_447 = %scan3A_442 to %scan3A_444 step %scan3A_445  : i32 {
          %mul3A_448 = arith.constant 128 : i32
          %mul3A_449 = arith.muli %mul3A_448, %scan3A_447 : i32
          %add3A_450 = arith.constant 0 : i32
          %add3A_451 = arith.addi %mul3A_449, %add3A_450 : i32
          %get3A = arith.constant 0 : i32
          %get3A_452 = arith.index_cast %select_n3A_271 : i32 to index
          %get3A_453 = arith.index_cast %get3A : i32 to index
          %get3A_454 = arith.index_cast %add3A_451 : i32 to index
          %get3A_455 = tpu.vector_load %arg6[%get3A_452, %get3A_453, %get3A_454] {strides = array<i32>} : memref<2x2x5120xi32, #tpu.memory_space<vmem>>, vector<1x1x16xi32>,
          %get3A_456 = vector.shape_cast %get3A_455 : vector<1x1x16xi32> to vector<16xi32>
          %mul3A_457 = arith.constant 3 : i32
          %mul3A_458 = vector.broadcast %mul3A_457 : i32 to vector<16xi32>
          %mul3A_459 = arith.muli %get3A_456, %mul3A_458 : vector<16xi32>
          %mul3A_460 = arith.constant 384 : i32
          %mul3A_461 = arith.muli %mul3A_460, %scan3A_447 : i32
          %add3A_462 = arith.constant 0 : i32
          %add3A_463 = arith.addi %mul3A_461, %add3A_462 : i32
          %swap3A = arith.index_cast %add3A_463 : i32 to index
          %swap3A_464 = tpu.vector_load %arg7[%swap3A] {strides = array<i32>} : memref<15360xi32, #tpu.memory_space<vmem>>, vector<16xi32>,
          %swap3A_465 = vector.shape_cast %swap3A_464 : vector<16xi32> to vector<16xi32>
          %swap3A_466 = vector.shape_cast %mul3A_459 : vector<16xi32> to vector<16xi32>
          tpu.vector_store %arg7[%swap3A], %swap3A_466 {strides = array<i32>} : memref<15360xi32, #tpu.memory_space<vmem>>, vector<16xi32>,
          %add3A_467 = arith.constant 1 : i32
          %add3A_468 = vector.broadcast %add3A_467 : i32 to vector<16xi32>
          %add3A_469 = arith.addi %mul3A_459, %add3A_468 : vector<16xi32>
          %add3A_470 = arith.constant 128 : i32
          %add3A_471 = arith.addi %add3A_463, %add3A_470 : i32
          %swap3A_472 = arith.index_cast %add3A_471 : i32 to index
          %swap3A_473 = tpu.vector_load %arg7[%swap3A_472] {strides = array<i32>} : memref<15360xi32, #tpu.memory_space<vmem>>, vector<16xi32>,
          %swap3A_474 = vector.shape_cast %swap3A_473 : vector<16xi32> to vector<16xi32>
          %swap3A_475 = vector.shape_cast %add3A_469 : vector<16xi32> to vector<16xi32>
          tpu.vector_store %arg7[%swap3A_472], %swap3A_475 {strides = array<i32>} : memref<15360xi32, #tpu.memory_space<vmem>>, vector<16xi32>,
          %add3A_476 = arith.constant 2 : i32
          %add3A_477 = vector.broadcast %add3A_476 : i32 to vector<16xi32>
          %add3A_478 = arith.addi %mul3A_459, %add3A_477 : vector<16xi32>
          %add3A_479 = arith.constant 256 : i32
          %add3A_480 = arith.addi %add3A_463, %add3A_479 : i32
          %swap3A_481 = arith.index_cast %add3A_480 : i32 to index
          %swap3A_482 = tpu.vector_load %arg7[%swap3A_481] {strides = array<i32>} : memref<15360xi32, #tpu.memory_space<vmem>>, vector<16xi32>,
          %swap3A_483 = vector.shape_cast %swap3A_482 : vector<16xi32> to vector<16xi32>
          %swap3A_484 = vector.shape_cast %add3A_478 : vector<16xi32> to vector<16xi32>
          tpu.vector_store %arg7[%swap3A_481], %swap3A_484 {strides = array<i32>} : memref<15360xi32, #tpu.memory_space<vmem>>, vector<16xi32>,
          %mul3A_485 = arith.constant 128 : i32
          %mul3A_486 = arith.muli %mul3A_485, %scan3A_447 : i32
          %add3A_487 = arith.constant 16 : i32
          %add3A_488 = arith.addi %mul3A_486, %add3A_487 : i32
          %get3A_489 = arith.constant 0 : i32
          %get3A_490 = arith.index_cast %select_n3A_271 : i32 to index
          %get3A_491 = arith.index_cast %get3A_489 : i32 to index
          %get3A_492 = arith.index_cast %add3A_488 : i32 to index
          %get3A_493 = tpu.vector_load %arg6[%get3A_490, %get3A_491, %get3A_492] {strides = array<i32>} : memref<2x2x5120xi32, #tpu.memory_space<vmem>>, vector<1x1x16xi32>,
          %get3A_494 = vector.shape_cast %get3A_493 : vector<1x1x16xi32> to vector<16xi32>
          %mul3A_495 = arith.constant 3 : i32
          %mul3A_496 = vector.broadcast %mul3A_495 : i32 to vector<16xi32>
          %mul3A_497 = arith.muli %get3A_494, %mul3A_496 : vector<16xi32>
          %mul3A_498 = arith.constant 384 : i32
          %mul3A_499 = arith.muli %mul3A_498, %scan3A_447 : i32
          %add3A_500 = arith.constant 16 : i32
          %add3A_501 = arith.addi %mul3A_499, %add3A_500 : i32
          %swap3A_502 = arith.index_cast %add3A_501 : i32 to index
          %swap3A_503 = tpu.vector_load %arg7[%swap3A_502] {strides = array<i32>} : memref<15360xi32, #tpu.memory_space<vmem>>, vector<16xi32>,
          %swap3A_504 = vector.shape_cast %swap3A_503 : vector<16xi32> to vector<16xi32>
          %swap3A_505 = vector.shape_cast %mul3A_497 : vector<16xi32> to vector<16xi32>
          tpu.vector_store %arg7[%swap3A_502], %swap3A_505 {strides = array<i32>} : memref<15360xi32, #tpu.memory_space<vmem>>, vector<16xi32>,
          %add3A_506 = arith.constant 1 : i32
          %add3A_507 = vector.broadcast %add3A_506 : i32 to vector<16xi32>
          %add3A_508 = arith.addi %mul3A_497, %add3A_507 : vector<16xi32>
          %add3A_509 = arith.constant 128 : i32
          %add3A_510 = arith.addi %add3A_501, %add3A_509 : i32
          %swap3A_511 = arith.index_cast %add3A_510 : i32 to index
          %swap3A_512 = tpu.vector_load %arg7[%swap3A_511] {strides = array<i32>} : memref<15360xi32, #tpu.memory_space<vmem>>, vector<16xi32>,
          %swap3A_513 = vector.shape_cast %swap3A_512 : vector<16xi32> to vector<16xi32>
          %swap3A_514 = vector.shape_cast %add3A_508 : vector<16xi32> to vector<16xi32>
          tpu.vector_store %arg7[%swap3A_511], %swap3A_514 {strides = array<i32>} : memref<15360xi32, #tpu.memory_space<vmem>>, vector<16xi32>,
          %add3A_515 = arith.constant 2 : i32
          %add3A_516 = vector.broadcast %add3A_515 : i32 to vector<16xi32>
          %add3A_517 = arith.addi %mul3A_497, %add3A_516 : vector<16xi32>
          %add3A_518 = arith.constant 256 : i32
          %add3A_519 = arith.addi %add3A_501, %add3A_518 : i32
          %swap3A_520 = arith.index_cast %add3A_519 : i32 to index
          %swap3A_521 = tpu.vector_load %arg7[%swap3A_520] {strides = array<i32>} : memref<15360xi32, #tpu.memory_space<vmem>>, vector<16xi32>,
          %swap3A_522 = vector.shape_cast %swap3A_521 : vector<16xi32> to vector<16xi32>
          %swap3A_523 = vector.shape_cast %add3A_517 : vector<16xi32> to vector<16xi32>
          tpu.vector_store %arg7[%swap3A_520], %swap3A_523 {strides = array<i32>} : memref<15360xi32, #tpu.memory_space<vmem>>, vector<16xi32>,
          %mul3A_524 = arith.constant 128 : i32
          %mul3A_525 = arith.muli %mul3A_524, %scan3A_447 : i32
          %add3A_526 = arith.constant 32 : i32
          %add3A_527 = arith.addi %mul3A_525, %add3A_526 : i32
          %get3A_528 = arith.constant 0 : i32
          %get3A_529 = arith.index_cast %select_n3A_271 : i32 to index
          %get3A_530 = arith.index_cast %get3A_528 : i32 to index
          %get3A_531 = arith.index_cast %add3A_527 : i32 to index
          %get3A_532 = tpu.vector_load %arg6[%get3A_529, %get3A_530, %get3A_531] {strides = array<i32>} : memref<2x2x5120xi32, #tpu.memory_space<vmem>>, vector<1x1x16xi32>,
          %get3A_533 = vector.shape_cast %get3A_532 : vector<1x1x16xi32> to vector<16xi32>
          %mul3A_534 = arith.constant 3 : i32
          %mul3A_535 = vector.broadcast %mul3A_534 : i32 to vector<16xi32>
          %mul3A_536 = arith.muli %get3A_533, %mul3A_535 : vector<16xi32>
          %mul3A_537 = arith.constant 384 : i32
          %mul3A_538 = arith.muli %mul3A_537, %scan3A_447 : i32
          %add3A_539 = arith.constant 32 : i32
          %add3A_540 = arith.addi %mul3A_538, %add3A_539 : i32
          %swap3A_541 = arith.index_cast %add3A_540 : i32 to index
          %swap3A_542 = tpu.vector_load %arg7[%swap3A_541] {strides = array<i32>} : memref<15360xi32, #tpu.memory_space<vmem>>, vector<16xi32>,
          %swap3A_543 = vector.shape_cast %swap3A_542 : vector<16xi32> to vector<16xi32>
          %swap3A_544 = vector.shape_cast %mul3A_536 : vector<16xi32> to vector<16xi32>
          tpu.vector_store %arg7[%swap3A_541], %swap3A_544 {strides = array<i32>} : memref<15360xi32, #tpu.memory_space<vmem>>, vector<16xi32>,
          %add3A_545 = arith.constant 1 : i32
          %add3A_546 = vector.broadcast %add3A_545 : i32 to vector<16xi32>
          %add3A_547 = arith.addi %mul3A_536, %add3A_546 : vector<16xi32>
          %add3A_548 = arith.constant 128 : i32
          %add3A_549 = arith.addi %add3A_540, %add3A_548 : i32
          %swap3A_550 = arith.index_cast %add3A_549 : i32 to index
          %swap3A_551 = tpu.vector_load %arg7[%swap3A_550] {strides = array<i32>} : memref<15360xi32, #tpu.memory_space<vmem>>, vector<16xi32>,
          %swap3A_552 = vector.shape_cast %swap3A_551 : vector<16xi32> to vector<16xi32>
          %swap3A_553 = vector.shape_cast %add3A_547 : vector<16xi32> to vector<16xi32>
          tpu.vector_store %arg7[%swap3A_550], %swap3A_553 {strides = array<i32>} : memref<15360xi32, #tpu.memory_space<vmem>>, vector<16xi32>,
          %add3A_554 = arith.constant 2 : i32
          %add3A_555 = vector.broadcast %add3A_554 : i32 to vector<16xi32>
          %add3A_556 = arith.addi %mul3A_536, %add3A_555 : vector<16xi32>
          %add3A_557 = arith.constant 256 : i32
          %add3A_558 = arith.addi %add3A_540, %add3A_557 : i32
          %swap3A_559 = arith.index_cast %add3A_558 : i32 to index
          %swap3A_560 = tpu.vector_load %arg7[%swap3A_559] {strides = array<i32>} : memref<15360xi32, #tpu.memory_space<vmem>>, vector<16xi32>,
          %swap3A_561 = vector.shape_cast %swap3A_560 : vector<16xi32> to vector<16xi32>
          %swap3A_562 = vector.shape_cast %add3A_556 : vector<16xi32> to vector<16xi32>
          tpu.vector_store %arg7[%swap3A_559], %swap3A_562 {strides = array<i32>} : memref<15360xi32, #tpu.memory_space<vmem>>, vector<16xi32>,
          %mul3A_563 = arith.constant 128 : i32
          %mul3A_564 = arith.muli %mul3A_563, %scan3A_447 : i32
          %add3A_565 = arith.constant 48 : i32
          %add3A_566 = arith.addi %mul3A_564, %add3A_565 : i32
          %get3A_567 = arith.constant 0 : i32
          %get3A_568 = arith.index_cast %select_n3A_271 : i32 to index
          %get3A_569 = arith.index_cast %get3A_567 : i32 to index
          %get3A_570 = arith.index_cast %add3A_566 : i32 to index
          %get3A_571 = tpu.vector_load %arg6[%get3A_568, %get3A_569, %get3A_570] {strides = array<i32>} : memref<2x2x5120xi32, #tpu.memory_space<vmem>>, vector<1x1x16xi32>,
          %get3A_572 = vector.shape_cast %get3A_571 : vector<1x1x16xi32> to vector<16xi32>
          %mul3A_573 = arith.constant 3 : i32
          %mul3A_574 = vector.broadcast %mul3A_573 : i32 to vector<16xi32>
          %mul3A_575 = arith.muli %get3A_572, %mul3A_574 : vector<16xi32>
          %mul3A_576 = arith.constant 384 : i32
          %mul3A_577 = arith.muli %mul3A_576, %scan3A_447 : i32
          %add3A_578 = arith.constant 48 : i32
          %add3A_579 = arith.addi %mul3A_577, %add3A_578 : i32
          %swap3A_580 = arith.index_cast %add3A_579 : i32 to index
          %swap3A_581 = tpu.vector_load %arg7[%swap3A_580] {strides = array<i32>} : memref<15360xi32, #tpu.memory_space<vmem>>, vector<16xi32>,
          %swap3A_582 = vector.shape_cast %swap3A_581 : vector<16xi32> to vector<16xi32>
          %swap3A_583 = vector.shape_cast %mul3A_575 : vector<16xi32> to vector<16xi32>
          tpu.vector_store %arg7[%swap3A_580], %swap3A_583 {strides = array<i32>} : memref<15360xi32, #tpu.memory_space<vmem>>, vector<16xi32>,
          %add3A_584 = arith.constant 1 : i32
          %add3A_585 = vector.broadcast %add3A_584 : i32 to vector<16xi32>
          %add3A_586 = arith.addi %mul3A_575, %add3A_585 : vector<16xi32>
          %add3A_587 = arith.constant 128 : i32
          %add3A_588 = arith.addi %add3A_579, %add3A_587 : i32
          %swap3A_589 = arith.index_cast %add3A_588 : i32 to index
          %swap3A_590 = tpu.vector_load %arg7[%swap3A_589] {strides = array<i32>} : memref<15360xi32, #tpu.memory_space<vmem>>, vector<16xi32>,
          %swap3A_591 = vector.shape_cast %swap3A_590 : vector<16xi32> to vector<16xi32>
          %swap3A_592 = vector.shape_cast %add3A_586 : vector<16xi32> to vector<16xi32>
          tpu.vector_store %arg7[%swap3A_589], %swap3A_592 {strides = array<i32>} : memref<15360xi32, #tpu.memory_space<vmem>>, vector<16xi32>,
          %add3A_593 = arith.constant 2 : i32
          %add3A_594 = vector.broadcast %add3A_593 : i32 to vector<16xi32>
          %add3A_595 = arith.addi %mul3A_575, %add3A_594 : vector<16xi32>
          %add3A_596 = arith.constant 256 : i32
          %add3A_597 = arith.addi %add3A_579, %add3A_596 : i32
          %swap3A_598 = arith.index_cast %add3A_597 : i32 to index
          %swap3A_599 = tpu.vector_load %arg7[%swap3A_598] {strides = array<i32>} : memref<15360xi32, #tpu.memory_space<vmem>>, vector<16xi32>,
          %swap3A_600 = vector.shape_cast %swap3A_599 : vector<16xi32> to vector<16xi32>
          %swap3A_601 = vector.shape_cast %add3A_595 : vector<16xi32> to vector<16xi32>
          tpu.vector_store %arg7[%swap3A_598], %swap3A_601 {strides = array<i32>} : memref<15360xi32, #tpu.memory_space<vmem>>, vector<16xi32>,
          %mul3A_602 = arith.constant 128 : i32
          %mul3A_603 = arith.muli %mul3A_602, %scan3A_447 : i32
          %add3A_604 = arith.constant 64 : i32
          %add3A_605 = arith.addi %mul3A_603, %add3A_604 : i32
          %get3A_606 = arith.constant 0 : i32
          %get3A_607 = arith.index_cast %select_n3A_271 : i32 to index
          %get3A_608 = arith.index_cast %get3A_606 : i32 to index
          %get3A_609 = arith.index_cast %add3A_605 : i32 to index
          %get3A_610 = tpu.vector_load %arg6[%get3A_607, %get3A_608, %get3A_609] {strides = array<i32>} : memref<2x2x5120xi32, #tpu.memory_space<vmem>>, vector<1x1x16xi32>,
          %get3A_611 = vector.shape_cast %get3A_610 : vector<1x1x16xi32> to vector<16xi32>
          %mul3A_612 = arith.constant 3 : i32
          %mul3A_613 = vector.broadcast %mul3A_612 : i32 to vector<16xi32>
          %mul3A_614 = arith.muli %get3A_611, %mul3A_613 : vector<16xi32>
          %mul3A_615 = arith.constant 384 : i32
          %mul3A_616 = arith.muli %mul3A_615, %scan3A_447 : i32
          %add3A_617 = arith.constant 64 : i32
          %add3A_618 = arith.addi %mul3A_616, %add3A_617 : i32
          %swap3A_619 = arith.index_cast %add3A_618 : i32 to index
          %swap3A_620 = tpu.vector_load %arg7[%swap3A_619] {strides = array<i32>} : memref<15360xi32, #tpu.memory_space<vmem>>, vector<16xi32>,
          %swap3A_621 = vector.shape_cast %swap3A_620 : vector<16xi32> to vector<16xi32>
          %swap3A_622 = vector.shape_cast %mul3A_614 : vector<16xi32> to vector<16xi32>
          tpu.vector_store %arg7[%swap3A_619], %swap3A_622 {strides = array<i32>} : memref<15360xi32, #tpu.memory_space<vmem>>, vector<16xi32>,
          %add3A_623 = arith.constant 1 : i32
          %add3A_624 = vector.broadcast %add3A_623 : i32 to vector<16xi32>
          %add3A_625 = arith.addi %mul3A_614, %add3A_624 : vector<16xi32>
          %add3A_626 = arith.constant 128 : i32
          %add3A_627 = arith.addi %add3A_618, %add3A_626 : i32
          %swap3A_628 = arith.index_cast %add3A_627 : i32 to index
          %swap3A_629 = tpu.vector_load %arg7[%swap3A_628] {strides = array<i32>} : memref<15360xi32, #tpu.memory_space<vmem>>, vector<16xi32>,
          %swap3A_630 = vector.shape_cast %swap3A_629 : vector<16xi32> to vector<16xi32>
          %swap3A_631 = vector.shape_cast %add3A_625 : vector<16xi32> to vector<16xi32>
          tpu.vector_store %arg7[%swap3A_628], %swap3A_631 {strides = array<i32>} : memref<15360xi32, #tpu.memory_space<vmem>>, vector<16xi32>,
          %add3A_632 = arith.constant 2 : i32
          %add3A_633 = vector.broadcast %add3A_632 : i32 to vector<16xi32>
          %add3A_634 = arith.addi %mul3A_614, %add3A_633 : vector<16xi32>
          %add3A_635 = arith.constant 256 : i32
          %add3A_636 = arith.addi %add3A_618, %add3A_635 : i32
          %swap3A_637 = arith.index_cast %add3A_636 : i32 to index
          %swap3A_638 = tpu.vector_load %arg7[%swap3A_637] {strides = array<i32>} : memref<15360xi32, #tpu.memory_space<vmem>>, vector<16xi32>,
          %swap3A_639 = vector.shape_cast %swap3A_638 : vector<16xi32> to vector<16xi32>
          %swap3A_640 = vector.shape_cast %add3A_634 : vector<16xi32> to vector<16xi32>
          tpu.vector_store %arg7[%swap3A_637], %swap3A_640 {strides = array<i32>} : memref<15360xi32, #tpu.memory_space<vmem>>, vector<16xi32>,
          %mul3A_641 = arith.constant 128 : i32
          %mul3A_642 = arith.muli %mul3A_641, %scan3A_447 : i32
          %add3A_643 = arith.constant 80 : i32
          %add3A_644 = arith.addi %mul3A_642, %add3A_643 : i32
          %get3A_645 = arith.constant 0 : i32
          %get3A_646 = arith.index_cast %select_n3A_271 : i32 to index
          %get3A_647 = arith.index_cast %get3A_645 : i32 to index
          %get3A_648 = arith.index_cast %add3A_644 : i32 to index
          %get3A_649 = tpu.vector_load %arg6[%get3A_646, %get3A_647, %get3A_648] {strides = array<i32>} : memref<2x2x5120xi32, #tpu.memory_space<vmem>>, vector<1x1x16xi32>,
          %get3A_650 = vector.shape_cast %get3A_649 : vector<1x1x16xi32> to vector<16xi32>
          %mul3A_651 = arith.constant 3 : i32
          %mul3A_652 = vector.broadcast %mul3A_651 : i32 to vector<16xi32>
          %mul3A_653 = arith.muli %get3A_650, %mul3A_652 : vector<16xi32>
          %mul3A_654 = arith.constant 384 : i32
          %mul3A_655 = arith.muli %mul3A_654, %scan3A_447 : i32
          %add3A_656 = arith.constant 80 : i32
          %add3A_657 = arith.addi %mul3A_655, %add3A_656 : i32
          %swap3A_658 = arith.index_cast %add3A_657 : i32 to index
          %swap3A_659 = tpu.vector_load %arg7[%swap3A_658] {strides = array<i32>} : memref<15360xi32, #tpu.memory_space<vmem>>, vector<16xi32>,
          %swap3A_660 = vector.shape_cast %swap3A_659 : vector<16xi32> to vector<16xi32>
          %swap3A_661 = vector.shape_cast %mul3A_653 : vector<16xi32> to vector<16xi32>
          tpu.vector_store %arg7[%swap3A_658], %swap3A_661 {strides = array<i32>} : memref<15360xi32, #tpu.memory_space<vmem>>, vector<16xi32>,
          %add3A_662 = arith.constant 1 : i32
          %add3A_663 = vector.broadcast %add3A_662 : i32 to vector<16xi32>
          %add3A_664 = arith.addi %mul3A_653, %add3A_663 : vector<16xi32>
          %add3A_665 = arith.constant 128 : i32
          %add3A_666 = arith.addi %add3A_657, %add3A_665 : i32
          %swap3A_667 = arith.index_cast %add3A_666 : i32 to index
          %swap3A_668 = tpu.vector_load %arg7[%swap3A_667] {strides = array<i32>} : memref<15360xi32, #tpu.memory_space<vmem>>, vector<16xi32>,
          %swap3A_669 = vector.shape_cast %swap3A_668 : vector<16xi32> to vector<16xi32>
          %swap3A_670 = vector.shape_cast %add3A_664 : vector<16xi32> to vector<16xi32>
          tpu.vector_store %arg7[%swap3A_667], %swap3A_670 {strides = array<i32>} : memref<15360xi32, #tpu.memory_space<vmem>>, vector<16xi32>,
          %add3A_671 = arith.constant 2 : i32
          %add3A_672 = vector.broadcast %add3A_671 : i32 to vector<16xi32>
          %add3A_673 = arith.addi %mul3A_653, %add3A_672 : vector<16xi32>
          %add3A_674 = arith.constant 256 : i32
          %add3A_675 = arith.addi %add3A_657, %add3A_674 : i32
          %swap3A_676 = arith.index_cast %add3A_675 : i32 to index
          %swap3A_677 = tpu.vector_load %arg7[%swap3A_676] {strides = array<i32>} : memref<15360xi32, #tpu.memory_space<vmem>>, vector<16xi32>,
          %swap3A_678 = vector.shape_cast %swap3A_677 : vector<16xi32> to vector<16xi32>
          %swap3A_679 = vector.shape_cast %add3A_673 : vector<16xi32> to vector<16xi32>
          tpu.vector_store %arg7[%swap3A_676], %swap3A_679 {strides = array<i32>} : memref<15360xi32, #tpu.memory_space<vmem>>, vector<16xi32>,
          %mul3A_680 = arith.constant 128 : i32
          %mul3A_681 = arith.muli %mul3A_680, %scan3A_447 : i32
          %add3A_682 = arith.constant 96 : i32
          %add3A_683 = arith.addi %mul3A_681, %add3A_682 : i32
          %get3A_684 = arith.constant 0 : i32
          %get3A_685 = arith.index_cast %select_n3A_271 : i32 to index
          %get3A_686 = arith.index_cast %get3A_684 : i32 to index
          %get3A_687 = arith.index_cast %add3A_683 : i32 to index
          %get3A_688 = tpu.vector_load %arg6[%get3A_685, %get3A_686, %get3A_687] {strides = array<i32>} : memref<2x2x5120xi32, #tpu.memory_space<vmem>>, vector<1x1x16xi32>,
          %get3A_689 = vector.shape_cast %get3A_688 : vector<1x1x16xi32> to vector<16xi32>
          %mul3A_690 = arith.constant 3 : i32
          %mul3A_691 = vector.broadcast %mul3A_690 : i32 to vector<16xi32>
          %mul3A_692 = arith.muli %get3A_689, %mul3A_691 : vector<16xi32>
          %mul3A_693 = arith.constant 384 : i32
          %mul3A_694 = arith.muli %mul3A_693, %scan3A_447 : i32
          %add3A_695 = arith.constant 96 : i32
          %add3A_696 = arith.addi %mul3A_694, %add3A_695 : i32
          %swap3A_697 = arith.index_cast %add3A_696 : i32 to index
          %swap3A_698 = tpu.vector_load %arg7[%swap3A_697] {strides = array<i32>} : memref<15360xi32, #tpu.memory_space<vmem>>, vector<16xi32>,
          %swap3A_699 = vector.shape_cast %swap3A_698 : vector<16xi32> to vector<16xi32>
          %swap3A_700 = vector.shape_cast %mul3A_692 : vector<16xi32> to vector<16xi32>
          tpu.vector_store %arg7[%swap3A_697], %swap3A_700 {strides = array<i32>} : memref<15360xi32, #tpu.memory_space<vmem>>, vector<16xi32>,
          %add3A_701 = arith.constant 1 : i32
          %add3A_702 = vector.broadcast %add3A_701 : i32 to vector<16xi32>
          %add3A_703 = arith.addi %mul3A_692, %add3A_702 : vector<16xi32>
          %add3A_704 = arith.constant 128 : i32
          %add3A_705 = arith.addi %add3A_696, %add3A_704 : i32
          %swap3A_706 = arith.index_cast %add3A_705 : i32 to index
          %swap3A_707 = tpu.vector_load %arg7[%swap3A_706] {strides = array<i32>} : memref<15360xi32, #tpu.memory_space<vmem>>, vector<16xi32>,
          %swap3A_708 = vector.shape_cast %swap3A_707 : vector<16xi32> to vector<16xi32>
          %swap3A_709 = vector.shape_cast %add3A_703 : vector<16xi32> to vector<16xi32>
          tpu.vector_store %arg7[%swap3A_706], %swap3A_709 {strides = array<i32>} : memref<15360xi32, #tpu.memory_space<vmem>>, vector<16xi32>,
          %add3A_710 = arith.constant 2 : i32
          %add3A_711 = vector.broadcast %add3A_710 : i32 to vector<16xi32>
          %add3A_712 = arith.addi %mul3A_692, %add3A_711 : vector<16xi32>
          %add3A_713 = arith.constant 256 : i32
          %add3A_714 = arith.addi %add3A_696, %add3A_713 : i32
          %swap3A_715 = arith.index_cast %add3A_714 : i32 to index
          %swap3A_716 = tpu.vector_load %arg7[%swap3A_715] {strides = array<i32>} : memref<15360xi32, #tpu.memory_space<vmem>>, vector<16xi32>,
          %swap3A_717 = vector.shape_cast %swap3A_716 : vector<16xi32> to vector<16xi32>
          %swap3A_718 = vector.shape_cast %add3A_712 : vector<16xi32> to vector<16xi32>
          tpu.vector_store %arg7[%swap3A_715], %swap3A_718 {strides = array<i32>} : memref<15360xi32, #tpu.memory_space<vmem>>, vector<16xi32>,
          %mul3A_719 = arith.constant 128 : i32
          %mul3A_720 = arith.muli %mul3A_719, %scan3A_447 : i32
          %add3A_721 = arith.constant 112 : i32
          %add3A_722 = arith.addi %mul3A_720, %add3A_721 : i32
          %get3A_723 = arith.constant 0 : i32
          %get3A_724 = arith.index_cast %select_n3A_271 : i32 to index
          %get3A_725 = arith.index_cast %get3A_723 : i32 to index
          %get3A_726 = arith.index_cast %add3A_722 : i32 to index
          %get3A_727 = tpu.vector_load %arg6[%get3A_724, %get3A_725, %get3A_726] {strides = array<i32>} : memref<2x2x5120xi32, #tpu.memory_space<vmem>>, vector<1x1x16xi32>,
          %get3A_728 = vector.shape_cast %get3A_727 : vector<1x1x16xi32> to vector<16xi32>
          %mul3A_729 = arith.constant 3 : i32
          %mul3A_730 = vector.broadcast %mul3A_729 : i32 to vector<16xi32>
          %mul3A_731 = arith.muli %get3A_728, %mul3A_730 : vector<16xi32>
          %mul3A_732 = arith.constant 384 : i32
          %mul3A_733 = arith.muli %mul3A_732, %scan3A_447 : i32
          %add3A_734 = arith.constant 112 : i32
          %add3A_735 = arith.addi %mul3A_733, %add3A_734 : i32
          %swap3A_736 = arith.index_cast %add3A_735 : i32 to index
          %swap3A_737 = tpu.vector_load %arg7[%swap3A_736] {strides = array<i32>} : memref<15360xi32, #tpu.memory_space<vmem>>, vector<16xi32>,
          %swap3A_738 = vector.shape_cast %swap3A_737 : vector<16xi32> to vector<16xi32>
          %swap3A_739 = vector.shape_cast %mul3A_731 : vector<16xi32> to vector<16xi32>
          tpu.vector_store %arg7[%swap3A_736], %swap3A_739 {strides = array<i32>} : memref<15360xi32, #tpu.memory_space<vmem>>, vector<16xi32>,
          %add3A_740 = arith.constant 1 : i32
          %add3A_741 = vector.broadcast %add3A_740 : i32 to vector<16xi32>
          %add3A_742 = arith.addi %mul3A_731, %add3A_741 : vector<16xi32>
          %add3A_743 = arith.constant 128 : i32
          %add3A_744 = arith.addi %add3A_735, %add3A_743 : i32
          %swap3A_745 = arith.index_cast %add3A_744 : i32 to index
          %swap3A_746 = tpu.vector_load %arg7[%swap3A_745] {strides = array<i32>} : memref<15360xi32, #tpu.memory_space<vmem>>, vector<16xi32>,
          %swap3A_747 = vector.shape_cast %swap3A_746 : vector<16xi32> to vector<16xi32>
          %swap3A_748 = vector.shape_cast %add3A_742 : vector<16xi32> to vector<16xi32>
          tpu.vector_store %arg7[%swap3A_745], %swap3A_748 {strides = array<i32>} : memref<15360xi32, #tpu.memory_space<vmem>>, vector<16xi32>,
          %add3A_749 = arith.constant 2 : i32
          %add3A_750 = vector.broadcast %add3A_749 : i32 to vector<16xi32>
          %add3A_751 = arith.addi %mul3A_731, %add3A_750 : vector<16xi32>
          %add3A_752 = arith.constant 256 : i32
          %add3A_753 = arith.addi %add3A_735, %add3A_752 : i32
          %swap3A_754 = arith.index_cast %add3A_753 : i32 to index
          %swap3A_755 = tpu.vector_load %arg7[%swap3A_754] {strides = array<i32>} : memref<15360xi32, #tpu.memory_space<vmem>>, vector<16xi32>,
          %swap3A_756 = vector.shape_cast %swap3A_755 : vector<16xi32> to vector<16xi32>
          %swap3A_757 = vector.shape_cast %add3A_751 : vector<16xi32> to vector<16xi32>
          tpu.vector_store %arg7[%swap3A_754], %swap3A_757 {strides = array<i32>} : memref<15360xi32, #tpu.memory_space<vmem>>, vector<16xi32>,
        }
        %scan3A_446 = arith.constant 40 : i32
      } else {
      }
      %sub3A_306 = arith.constant 1 : i32
      %sub3A_307 = arith.subi %add3A_233, %sub3A_306 : i32
      %ge3A_308 = arith.constant 1 : i32
      %ge3A_309 = arith.cmpi sge, %add3A_233, %ge3A_308 : i32
      %jit3A_310 = arith.constant 2 : i32
      %div3A_311 = arith.divsi %sub3A_307, %jit3A_310 : i32
      %sign3A_312 = arith.constant 0 : i32
      %sign3A_313 = arith.cmpi sgt, %sub3A_307, %sign3A_312 : i32
      %sign3A_314 = arith.extui %sign3A_313 : i1 to i32
      %sign3A_315 = arith.constant 0 : i32
      %sign3A_316 = arith.cmpi slt, %sub3A_307, %sign3A_315 : i32
      %sign3A_317 = arith.extui %sign3A_316 : i1 to i32
      %sign3A_318 = arith.subi %sign3A_314, %sign3A_317 : i32
      %sign3A_319 = arith.constant 0 : i32
      %sign3A_320 = arith.cmpi sgt, %jit3A_310, %sign3A_319 : i32
      %sign3A_321 = arith.extui %sign3A_320 : i1 to i32
      %sign3A_322 = arith.constant 0 : i32
      %sign3A_323 = arith.cmpi slt, %jit3A_310, %sign3A_322 : i32
      %sign3A_324 = arith.extui %sign3A_323 : i1 to i32
      %sign3A_325 = arith.subi %sign3A_321, %sign3A_324 : i32
      %ne3A_326 = arith.cmpi ne, %sign3A_318, %sign3A_325 : i32
      %rem3A_327 = arith.remsi %sub3A_307, %jit3A_310 : i32
      %ne3A_328 = arith.constant 0 : i32
      %ne3A_329 = arith.cmpi ne, %rem3A_327, %ne3A_328 : i32
      %and3A_330 = arith.andi %ne3A_326, %ne3A_329 : i1
      %sub3A_331 = arith.constant 1 : i32
      %sub3A_332 = arith.subi %div3A_311, %sub3A_331 : i32
      %select_n3A_333 = arith.select %and3A_330, %sub3A_332, %div3A_311 : i32
      %mul3A_334 = arith.constant 32 : i32
      %mul3A_335 = arith.muli %select_n3A_333, %mul3A_334 : i32
      %add3A_336 = arith.addi %mul3A_335, %add3A : i32
      %lt3A_337 = arith.constant 1250 : i32
      %lt3A_338 = arith.cmpi slt, %add3A_336, %lt3A_337 : i32
      %and3A_339 = arith.andi %lt3A_338, %ge3A_309 : i1
      %convert_element_type3A_340 = arith.extui %and3A_339 : i1 to i32
      %cond3A_341 = arith.constant 0 : i32
      %cond3A_342 = arith.cmpi ne, %convert_element_type3A_340, %cond3A_341 : i32
      scf.if %cond3A_342 {
        %dma_wait3A = arith.constant 0 : i32
        %dma_wait3A_441 = tpu.memref_slice %arg4[%dma_wait3A] : memref<25600000xf32, #tpu.memory_space<hbm>> -> memref<20480xf32, #tpu.memory_space<hbm>>
        %dma_wait3A_442 = arith.constant 0 : i32
        %dma_wait3A_443 = tpu.memref_slice %arg4[%dma_wait3A_442] : memref<25600000xf32, #tpu.memory_space<hbm>> -> memref<20480xf32, #tpu.memory_space<hbm>>
        tpu.wait_dma2 semaphore(%arg13 : memref<!tpu.dma_semaphore, #tpu.memory_space<semaphore_mem>>) src(%arg9 : memref<20480xf32, #tpu.memory_space<vmem>>) dst(%dma_wait3A_443 : memref<20480xf32, #tpu.memory_space<hbm>>)
      } else {
      }
      %add3A_343 = arith.constant 1 : i32
      %add3A_344 = arith.addi %add3A_233, %add3A_343 : i32
      %jit3A_345 = arith.constant 2 : i32
      %div3A_346 = arith.divsi %add3A_344, %jit3A_345 : i32
      %sign3A_347 = arith.constant 0 : i32
      %sign3A_348 = arith.cmpi sgt, %add3A_344, %sign3A_347 : i32
      %sign3A_349 = arith.extui %sign3A_348 : i1 to i32
      %sign3A_350 = arith.constant 0 : i32
      %sign3A_351 = arith.cmpi slt, %add3A_344, %sign3A_350 : i32
      %sign3A_352 = arith.extui %sign3A_351 : i1 to i32
      %sign3A_353 = arith.subi %sign3A_349, %sign3A_352 : i32
      %sign3A_354 = arith.constant 0 : i32
      %sign3A_355 = arith.cmpi sgt, %jit3A_345, %sign3A_354 : i32
      %sign3A_356 = arith.extui %sign3A_355 : i1 to i32
      %sign3A_357 = arith.constant 0 : i32
      %sign3A_358 = arith.cmpi slt, %jit3A_345, %sign3A_357 : i32
      %sign3A_359 = arith.extui %sign3A_358 : i1 to i32
      %sign3A_360 = arith.subi %sign3A_356, %sign3A_359 : i32
      %ne3A_361 = arith.cmpi ne, %sign3A_353, %sign3A_360 : i32
      %rem3A_362 = arith.remsi %add3A_344, %jit3A_345 : i32
      %ne3A_363 = arith.constant 0 : i32
      %ne3A_364 = arith.cmpi ne, %rem3A_362, %ne3A_363 : i32
      %and3A_365 = arith.andi %ne3A_361, %ne3A_364 : i1
      %sub3A_366 = arith.constant 1 : i32
      %sub3A_367 = arith.subi %div3A_346, %sub3A_366 : i32
      %select_n3A_368 = arith.select %and3A_365, %sub3A_367, %div3A_346 : i32
      %mul3A_369 = arith.constant 32 : i32
      %mul3A_370 = arith.muli %select_n3A_368, %mul3A_369 : i32
      %add3A_371 = arith.addi %mul3A_370, %add3A : i32
      %lt3A_372 = arith.constant 1250 : i32
      %lt3A_373 = arith.cmpi slt, %add3A_371, %lt3A_372 : i32
      %convert_element_type3A_374 = arith.extui %lt3A_373 : i1 to i32
      %cond3A_375 = arith.constant 0 : i32
      %cond3A_376 = arith.cmpi ne, %convert_element_type3A_374, %cond3A_375 : i32
      scf.if %cond3A_376 {
        %dma_start3A = arith.constant 0 : i32
        %dma_start3A_441 = tpu.memref_slice %arg9[%dma_start3A] : memref<20480xf32, #tpu.memory_space<vmem>> -> memref<384xf32, #tpu.memory_space<vmem>>
        %dma_start3A_442 = arith.constant 0 : i32
        %dma_start3A_443 = tpu.memref_slice %arg7[%dma_start3A_442] : memref<15360xi32, #tpu.memory_space<vmem>> -> memref<384xi32, #tpu.memory_space<vmem>>
        %dma_start3A_444 = arith.constant 0 : i32
        %dma_start3A_445 = tpu.memref_slice %arg11[%dma_start3A_444] : memref<300000xf32, #tpu.memory_space<vmem_shared>> -> memref<300000xf32, #tpu.memory_space<vmem_shared>>
        tpu.enqueue_indirect_dma source(%dma_start3A_445 : memref<300000xf32, #tpu.memory_space<vmem_shared>>) target(%dma_start3A_441 : memref<384xf32, #tpu.memory_space<vmem>>) offsets(%dma_start3A_443 : memref<384xi32, #tpu.memory_space<vmem>>) semaphore(%arg12 : memref<!tpu.dma_semaphore, #tpu.memory_space<semaphore_mem>>)
        %dma_start3A_446 = arith.constant 512 : i32
        %dma_start3A_447 = tpu.memref_slice %arg9[%dma_start3A_446] : memref<20480xf32, #tpu.memory_space<vmem>> -> memref<384xf32, #tpu.memory_space<vmem>>
        %dma_start3A_448 = arith.constant 384 : i32
        %dma_start3A_449 = tpu.memref_slice %arg7[%dma_start3A_448] : memref<15360xi32, #tpu.memory_space<vmem>> -> memref<384xi32, #tpu.memory_space<vmem>>
        %dma_start3A_450 = arith.constant 0 : i32
        %dma_start3A_451 = tpu.memref_slice %arg11[%dma_start3A_450] : memref<300000xf32, #tpu.memory_space<vmem_shared>> -> memref<300000xf32, #tpu.memory_space<vmem_shared>>
        tpu.enqueue_indirect_dma source(%dma_start3A_451 : memref<300000xf32, #tpu.memory_space<vmem_shared>>) target(%dma_start3A_447 : memref<384xf32, #tpu.memory_space<vmem>>) offsets(%dma_start3A_449 : memref<384xi32, #tpu.memory_space<vmem>>) semaphore(%arg12 : memref<!tpu.dma_semaphore, #tpu.memory_space<semaphore_mem>>)
        %dma_start3A_452 = arith.constant 1024 : i32
        %dma_start3A_453 = tpu.memref_slice %arg9[%dma_start3A_452] : memref<20480xf32, #tpu.memory_space<vmem>> -> memref<384xf32, #tpu.memory_space<vmem>>
        %dma_start3A_454 = arith.constant 768 : i32
        %dma_start3A_455 = tpu.memref_slice %arg7[%dma_start3A_454] : memref<15360xi32, #tpu.memory_space<vmem>> -> memref<384xi32, #tpu.memory_space<vmem>>
        %dma_start3A_456 = arith.constant 0 : i32
        %dma_start3A_457 = tpu.memref_slice %arg11[%dma_start3A_456] : memref<300000xf32, #tpu.memory_space<vmem_shared>> -> memref<300000xf32, #tpu.memory_space<vmem_shared>>
        tpu.enqueue_indirect_dma source(%dma_start3A_457 : memref<300000xf32, #tpu.memory_space<vmem_shared>>) target(%dma_start3A_453 : memref<384xf32, #tpu.memory_space<vmem>>) offsets(%dma_start3A_455 : memref<384xi32, #tpu.memory_space<vmem>>) semaphore(%arg12 : memref<!tpu.dma_semaphore, #tpu.memory_space<semaphore_mem>>)
        %dma_start3A_458 = arith.constant 1536 : i32
        %dma_start3A_459 = tpu.memref_slice %arg9[%dma_start3A_458] : memref<20480xf32, #tpu.memory_space<vmem>> -> memref<384xf32, #tpu.memory_space<vmem>>
        %dma_start3A_460 = arith.constant 1152 : i32
        %dma_start3A_461 = tpu.memref_slice %arg7[%dma_start3A_460] : memref<15360xi32, #tpu.memory_space<vmem>> -> memref<384xi32, #tpu.memory_space<vmem>>
        %dma_start3A_462 = arith.constant 0 : i32
        %dma_start3A_463 = tpu.memref_slice %arg11[%dma_start3A_462] : memref<300000xf32, #tpu.memory_space<vmem_shared>> -> memref<300000xf32, #tpu.memory_space<vmem_shared>>
        tpu.enqueue_indirect_dma source(%dma_start3A_463 : memref<300000xf32, #tpu.memory_space<vmem_shared>>) target(%dma_start3A_459 : memref<384xf32, #tpu.memory_space<vmem>>) offsets(%dma_start3A_461 : memref<384xi32, #tpu.memory_space<vmem>>) semaphore(%arg12 : memref<!tpu.dma_semaphore, #tpu.memory_space<semaphore_mem>>)
        %dma_start3A_464 = arith.constant 2048 : i32
        %dma_start3A_465 = tpu.memref_slice %arg9[%dma_start3A_464] : memref<20480xf32, #tpu.memory_space<vmem>> -> memref<384xf32, #tpu.memory_space<vmem>>
        %dma_start3A_466 = arith.constant 1536 : i32
        %dma_start3A_467 = tpu.memref_slice %arg7[%dma_start3A_466] : memref<15360xi32, #tpu.memory_space<vmem>> -> memref<384xi32, #tpu.memory_space<vmem>>
        %dma_start3A_468 = arith.constant 0 : i32
        %dma_start3A_469 = tpu.memref_slice %arg11[%dma_start3A_468] : memref<300000xf32, #tpu.memory_space<vmem_shared>> -> memref<300000xf32, #tpu.memory_space<vmem_shared>>
        tpu.enqueue_indirect_dma source(%dma_start3A_469 : memref<300000xf32, #tpu.memory_space<vmem_shared>>) target(%dma_start3A_465 : memref<384xf32, #tpu.memory_space<vmem>>) offsets(%dma_start3A_467 : memref<384xi32, #tpu.memory_space<vmem>>) semaphore(%arg12 : memref<!tpu.dma_semaphore, #tpu.memory_space<semaphore_mem>>)
        %dma_start3A_470 = arith.constant 2560 : i32
        %dma_start3A_471 = tpu.memref_slice %arg9[%dma_start3A_470] : memref<20480xf32, #tpu.memory_space<vmem>> -> memref<384xf32, #tpu.memory_space<vmem>>
        %dma_start3A_472 = arith.constant 1920 : i32
        %dma_start3A_473 = tpu.memref_slice %arg7[%dma_start3A_472] : memref<15360xi32, #tpu.memory_space<vmem>> -> memref<384xi32, #tpu.memory_space<vmem>>
        %dma_start3A_474 = arith.constant 0 : i32
        %dma_start3A_475 = tpu.memref_slice %arg11[%dma_start3A_474] : memref<300000xf32, #tpu.memory_space<vmem_shared>> -> memref<300000xf32, #tpu.memory_space<vmem_shared>>
        tpu.enqueue_indirect_dma source(%dma_start3A_475 : memref<300000xf32, #tpu.memory_space<vmem_shared>>) target(%dma_start3A_471 : memref<384xf32, #tpu.memory_space<vmem>>) offsets(%dma_start3A_473 : memref<384xi32, #tpu.memory_space<vmem>>) semaphore(%arg12 : memref<!tpu.dma_semaphore, #tpu.memory_space<semaphore_mem>>)
        %dma_start3A_476 = arith.constant 3072 : i32
        %dma_start3A_477 = tpu.memref_slice %arg9[%dma_start3A_476] : memref<20480xf32, #tpu.memory_space<vmem>> -> memref<384xf32, #tpu.memory_space<vmem>>
        %dma_start3A_478 = arith.constant 2304 : i32
        %dma_start3A_479 = tpu.memref_slice %arg7[%dma_start3A_478] : memref<15360xi32, #tpu.memory_space<vmem>> -> memref<384xi32, #tpu.memory_space<vmem>>
        %dma_start3A_480 = arith.constant 0 : i32
        %dma_start3A_481 = tpu.memref_slice %arg11[%dma_start3A_480] : memref<300000xf32, #tpu.memory_space<vmem_shared>> -> memref<300000xf32, #tpu.memory_space<vmem_shared>>
        tpu.enqueue_indirect_dma source(%dma_start3A_481 : memref<300000xf32, #tpu.memory_space<vmem_shared>>) target(%dma_start3A_477 : memref<384xf32, #tpu.memory_space<vmem>>) offsets(%dma_start3A_479 : memref<384xi32, #tpu.memory_space<vmem>>) semaphore(%arg12 : memref<!tpu.dma_semaphore, #tpu.memory_space<semaphore_mem>>)
        %dma_start3A_482 = arith.constant 3584 : i32
        %dma_start3A_483 = tpu.memref_slice %arg9[%dma_start3A_482] : memref<20480xf32, #tpu.memory_space<vmem>> -> memref<384xf32, #tpu.memory_space<vmem>>
        %dma_start3A_484 = arith.constant 2688 : i32
        %dma_start3A_485 = tpu.memref_slice %arg7[%dma_start3A_484] : memref<15360xi32, #tpu.memory_space<vmem>> -> memref<384xi32, #tpu.memory_space<vmem>>
        %dma_start3A_486 = arith.constant 0 : i32
        %dma_start3A_487 = tpu.memref_slice %arg11[%dma_start3A_486] : memref<300000xf32, #tpu.memory_space<vmem_shared>> -> memref<300000xf32, #tpu.memory_space<vmem_shared>>
        tpu.enqueue_indirect_dma source(%dma_start3A_487 : memref<300000xf32, #tpu.memory_space<vmem_shared>>) target(%dma_start3A_483 : memref<384xf32, #tpu.memory_space<vmem>>) offsets(%dma_start3A_485 : memref<384xi32, #tpu.memory_space<vmem>>) semaphore(%arg12 : memref<!tpu.dma_semaphore, #tpu.memory_space<semaphore_mem>>)
        %dma_start3A_488 = arith.constant 4096 : i32
        %dma_start3A_489 = tpu.memref_slice %arg9[%dma_start3A_488] : memref<20480xf32, #tpu.memory_space<vmem>> -> memref<384xf32, #tpu.memory_space<vmem>>
        %dma_start3A_490 = arith.constant 3072 : i32
        %dma_start3A_491 = tpu.memref_slice %arg7[%dma_start3A_490] : memref<15360xi32, #tpu.memory_space<vmem>> -> memref<384xi32, #tpu.memory_space<vmem>>
        %dma_start3A_492 = arith.constant 0 : i32
        %dma_start3A_493 = tpu.memref_slice %arg11[%dma_start3A_492] : memref<300000xf32, #tpu.memory_space<vmem_shared>> -> memref<300000xf32, #tpu.memory_space<vmem_shared>>
        tpu.enqueue_indirect_dma source(%dma_start3A_493 : memref<300000xf32, #tpu.memory_space<vmem_shared>>) target(%dma_start3A_489 : memref<384xf32, #tpu.memory_space<vmem>>) offsets(%dma_start3A_491 : memref<384xi32, #tpu.memory_space<vmem>>) semaphore(%arg12 : memref<!tpu.dma_semaphore, #tpu.memory_space<semaphore_mem>>)
        %dma_start3A_494 = arith.constant 4608 : i32
        %dma_start3A_495 = tpu.memref_slice %arg9[%dma_start3A_494] : memref<20480xf32, #tpu.memory_space<vmem>> -> memref<384xf32, #tpu.memory_space<vmem>>
        %dma_start3A_496 = arith.constant 3456 : i32
        %dma_start3A_497 = tpu.memref_slice %arg7[%dma_start3A_496] : memref<15360xi32, #tpu.memory_space<vmem>> -> memref<384xi32, #tpu.memory_space<vmem>>
        %dma_start3A_498 = arith.constant 0 : i32
        %dma_start3A_499 = tpu.memref_slice %arg11[%dma_start3A_498] : memref<300000xf32, #tpu.memory_space<vmem_shared>> -> memref<300000xf32, #tpu.memory_space<vmem_shared>>
        tpu.enqueue_indirect_dma source(%dma_start3A_499 : memref<300000xf32, #tpu.memory_space<vmem_shared>>) target(%dma_start3A_495 : memref<384xf32, #tpu.memory_space<vmem>>) offsets(%dma_start3A_497 : memref<384xi32, #tpu.memory_space<vmem>>) semaphore(%arg12 : memref<!tpu.dma_semaphore, #tpu.memory_space<semaphore_mem>>)
        %dma_start3A_500 = arith.constant 5120 : i32
        %dma_start3A_501 = tpu.memref_slice %arg9[%dma_start3A_500] : memref<20480xf32, #tpu.memory_space<vmem>> -> memref<384xf32, #tpu.memory_space<vmem>>
        %dma_start3A_502 = arith.constant 3840 : i32
        %dma_start3A_503 = tpu.memref_slice %arg7[%dma_start3A_502] : memref<15360xi32, #tpu.memory_space<vmem>> -> memref<384xi32, #tpu.memory_space<vmem>>
        %dma_start3A_504 = arith.constant 0 : i32
        %dma_start3A_505 = tpu.memref_slice %arg11[%dma_start3A_504] : memref<300000xf32, #tpu.memory_space<vmem_shared>> -> memref<300000xf32, #tpu.memory_space<vmem_shared>>
        tpu.enqueue_indirect_dma source(%dma_start3A_505 : memref<300000xf32, #tpu.memory_space<vmem_shared>>) target(%dma_start3A_501 : memref<384xf32, #tpu.memory_space<vmem>>) offsets(%dma_start3A_503 : memref<384xi32, #tpu.memory_space<vmem>>) semaphore(%arg12 : memref<!tpu.dma_semaphore, #tpu.memory_space<semaphore_mem>>)
        %dma_start3A_506 = arith.constant 5632 : i32
        %dma_start3A_507 = tpu.memref_slice %arg9[%dma_start3A_506] : memref<20480xf32, #tpu.memory_space<vmem>> -> memref<384xf32, #tpu.memory_space<vmem>>
        %dma_start3A_508 = arith.constant 4224 : i32
        %dma_start3A_509 = tpu.memref_slice %arg7[%dma_start3A_508] : memref<15360xi32, #tpu.memory_space<vmem>> -> memref<384xi32, #tpu.memory_space<vmem>>
        %dma_start3A_510 = arith.constant 0 : i32
        %dma_start3A_511 = tpu.memref_slice %arg11[%dma_start3A_510] : memref<300000xf32, #tpu.memory_space<vmem_shared>> -> memref<300000xf32, #tpu.memory_space<vmem_shared>>
        tpu.enqueue_indirect_dma source(%dma_start3A_511 : memref<300000xf32, #tpu.memory_space<vmem_shared>>) target(%dma_start3A_507 : memref<384xf32, #tpu.memory_space<vmem>>) offsets(%dma_start3A_509 : memref<384xi32, #tpu.memory_space<vmem>>) semaphore(%arg12 : memref<!tpu.dma_semaphore, #tpu.memory_space<semaphore_mem>>)
        %dma_start3A_512 = arith.constant 6144 : i32
        %dma_start3A_513 = tpu.memref_slice %arg9[%dma_start3A_512] : memref<20480xf32, #tpu.memory_space<vmem>> -> memref<384xf32, #tpu.memory_space<vmem>>
        %dma_start3A_514 = arith.constant 4608 : i32
        %dma_start3A_515 = tpu.memref_slice %arg7[%dma_start3A_514] : memref<15360xi32, #tpu.memory_space<vmem>> -> memref<384xi32, #tpu.memory_space<vmem>>
        %dma_start3A_516 = arith.constant 0 : i32
        %dma_start3A_517 = tpu.memref_slice %arg11[%dma_start3A_516] : memref<300000xf32, #tpu.memory_space<vmem_shared>> -> memref<300000xf32, #tpu.memory_space<vmem_shared>>
        tpu.enqueue_indirect_dma source(%dma_start3A_517 : memref<300000xf32, #tpu.memory_space<vmem_shared>>) target(%dma_start3A_513 : memref<384xf32, #tpu.memory_space<vmem>>) offsets(%dma_start3A_515 : memref<384xi32, #tpu.memory_space<vmem>>) semaphore(%arg12 : memref<!tpu.dma_semaphore, #tpu.memory_space<semaphore_mem>>)
        %dma_start3A_518 = arith.constant 6656 : i32
        %dma_start3A_519 = tpu.memref_slice %arg9[%dma_start3A_518] : memref<20480xf32, #tpu.memory_space<vmem>> -> memref<384xf32, #tpu.memory_space<vmem>>
        %dma_start3A_520 = arith.constant 4992 : i32
        %dma_start3A_521 = tpu.memref_slice %arg7[%dma_start3A_520] : memref<15360xi32, #tpu.memory_space<vmem>> -> memref<384xi32, #tpu.memory_space<vmem>>
        %dma_start3A_522 = arith.constant 0 : i32
        %dma_start3A_523 = tpu.memref_slice %arg11[%dma_start3A_522] : memref<300000xf32, #tpu.memory_space<vmem_shared>> -> memref<300000xf32, #tpu.memory_space<vmem_shared>>
        tpu.enqueue_indirect_dma source(%dma_start3A_523 : memref<300000xf32, #tpu.memory_space<vmem_shared>>) target(%dma_start3A_519 : memref<384xf32, #tpu.memory_space<vmem>>) offsets(%dma_start3A_521 : memref<384xi32, #tpu.memory_space<vmem>>) semaphore(%arg12 : memref<!tpu.dma_semaphore, #tpu.memory_space<semaphore_mem>>)
        %dma_start3A_524 = arith.constant 7168 : i32
        %dma_start3A_525 = tpu.memref_slice %arg9[%dma_start3A_524] : memref<20480xf32, #tpu.memory_space<vmem>> -> memref<384xf32, #tpu.memory_space<vmem>>
        %dma_start3A_526 = arith.constant 5376 : i32
        %dma_start3A_527 = tpu.memref_slice %arg7[%dma_start3A_526] : memref<15360xi32, #tpu.memory_space<vmem>> -> memref<384xi32, #tpu.memory_space<vmem>>
        %dma_start3A_528 = arith.constant 0 : i32
        %dma_start3A_529 = tpu.memref_slice %arg11[%dma_start3A_528] : memref<300000xf32, #tpu.memory_space<vmem_shared>> -> memref<300000xf32, #tpu.memory_space<vmem_shared>>
        tpu.enqueue_indirect_dma source(%dma_start3A_529 : memref<300000xf32, #tpu.memory_space<vmem_shared>>) target(%dma_start3A_525 : memref<384xf32, #tpu.memory_space<vmem>>) offsets(%dma_start3A_527 : memref<384xi32, #tpu.memory_space<vmem>>) semaphore(%arg12 : memref<!tpu.dma_semaphore, #tpu.memory_space<semaphore_mem>>)
        %dma_start3A_530 = arith.constant 7680 : i32
        %dma_start3A_531 = tpu.memref_slice %arg9[%dma_start3A_530] : memref<20480xf32, #tpu.memory_space<vmem>> -> memref<384xf32, #tpu.memory_space<vmem>>
        %dma_start3A_532 = arith.constant 5760 : i32
        %dma_start3A_533 = tpu.memref_slice %arg7[%dma_start3A_532] : memref<15360xi32, #tpu.memory_space<vmem>> -> memref<384xi32, #tpu.memory_space<vmem>>
        %dma_start3A_534 = arith.constant 0 : i32
        %dma_start3A_535 = tpu.memref_slice %arg11[%dma_start3A_534] : memref<300000xf32, #tpu.memory_space<vmem_shared>> -> memref<300000xf32, #tpu.memory_space<vmem_shared>>
        tpu.enqueue_indirect_dma source(%dma_start3A_535 : memref<300000xf32, #tpu.memory_space<vmem_shared>>) target(%dma_start3A_531 : memref<384xf32, #tpu.memory_space<vmem>>) offsets(%dma_start3A_533 : memref<384xi32, #tpu.memory_space<vmem>>) semaphore(%arg12 : memref<!tpu.dma_semaphore, #tpu.memory_space<semaphore_mem>>)
        %dma_start3A_536 = arith.constant 8192 : i32
        %dma_start3A_537 = tpu.memref_slice %arg9[%dma_start3A_536] : memref<20480xf32, #tpu.memory_space<vmem>> -> memref<384xf32, #tpu.memory_space<vmem>>
        %dma_start3A_538 = arith.constant 6144 : i32
        %dma_start3A_539 = tpu.memref_slice %arg7[%dma_start3A_538] : memref<15360xi32, #tpu.memory_space<vmem>> -> memref<384xi32, #tpu.memory_space<vmem>>
        %dma_start3A_540 = arith.constant 0 : i32
        %dma_start3A_541 = tpu.memref_slice %arg11[%dma_start3A_540] : memref<300000xf32, #tpu.memory_space<vmem_shared>> -> memref<300000xf32, #tpu.memory_space<vmem_shared>>
        tpu.enqueue_indirect_dma source(%dma_start3A_541 : memref<300000xf32, #tpu.memory_space<vmem_shared>>) target(%dma_start3A_537 : memref<384xf32, #tpu.memory_space<vmem>>) offsets(%dma_start3A_539 : memref<384xi32, #tpu.memory_space<vmem>>) semaphore(%arg12 : memref<!tpu.dma_semaphore, #tpu.memory_space<semaphore_mem>>)
        %dma_start3A_542 = arith.constant 8704 : i32
        %dma_start3A_543 = tpu.memref_slice %arg9[%dma_start3A_542] : memref<20480xf32, #tpu.memory_space<vmem>> -> memref<384xf32, #tpu.memory_space<vmem>>
        %dma_start3A_544 = arith.constant 6528 : i32
        %dma_start3A_545 = tpu.memref_slice %arg7[%dma_start3A_544] : memref<15360xi32, #tpu.memory_space<vmem>> -> memref<384xi32, #tpu.memory_space<vmem>>
        %dma_start3A_546 = arith.constant 0 : i32
        %dma_start3A_547 = tpu.memref_slice %arg11[%dma_start3A_546] : memref<300000xf32, #tpu.memory_space<vmem_shared>> -> memref<300000xf32, #tpu.memory_space<vmem_shared>>
        tpu.enqueue_indirect_dma source(%dma_start3A_547 : memref<300000xf32, #tpu.memory_space<vmem_shared>>) target(%dma_start3A_543 : memref<384xf32, #tpu.memory_space<vmem>>) offsets(%dma_start3A_545 : memref<384xi32, #tpu.memory_space<vmem>>) semaphore(%arg12 : memref<!tpu.dma_semaphore, #tpu.memory_space<semaphore_mem>>)
        %dma_start3A_548 = arith.constant 9216 : i32
        %dma_start3A_549 = tpu.memref_slice %arg9[%dma_start3A_548] : memref<20480xf32, #tpu.memory_space<vmem>> -> memref<384xf32, #tpu.memory_space<vmem>>
        %dma_start3A_550 = arith.constant 6912 : i32
        %dma_start3A_551 = tpu.memref_slice %arg7[%dma_start3A_550] : memref<15360xi32, #tpu.memory_space<vmem>> -> memref<384xi32, #tpu.memory_space<vmem>>
        %dma_start3A_552 = arith.constant 0 : i32
        %dma_start3A_553 = tpu.memref_slice %arg11[%dma_start3A_552] : memref<300000xf32, #tpu.memory_space<vmem_shared>> -> memref<300000xf32, #tpu.memory_space<vmem_shared>>
        tpu.enqueue_indirect_dma source(%dma_start3A_553 : memref<300000xf32, #tpu.memory_space<vmem_shared>>) target(%dma_start3A_549 : memref<384xf32, #tpu.memory_space<vmem>>) offsets(%dma_start3A_551 : memref<384xi32, #tpu.memory_space<vmem>>) semaphore(%arg12 : memref<!tpu.dma_semaphore, #tpu.memory_space<semaphore_mem>>)
        %dma_start3A_554 = arith.constant 9728 : i32
        %dma_start3A_555 = tpu.memref_slice %arg9[%dma_start3A_554] : memref<20480xf32, #tpu.memory_space<vmem>> -> memref<384xf32, #tpu.memory_space<vmem>>
        %dma_start3A_556 = arith.constant 7296 : i32
        %dma_start3A_557 = tpu.memref_slice %arg7[%dma_start3A_556] : memref<15360xi32, #tpu.memory_space<vmem>> -> memref<384xi32, #tpu.memory_space<vmem>>
        %dma_start3A_558 = arith.constant 0 : i32
        %dma_start3A_559 = tpu.memref_slice %arg11[%dma_start3A_558] : memref<300000xf32, #tpu.memory_space<vmem_shared>> -> memref<300000xf32, #tpu.memory_space<vmem_shared>>
        tpu.enqueue_indirect_dma source(%dma_start3A_559 : memref<300000xf32, #tpu.memory_space<vmem_shared>>) target(%dma_start3A_555 : memref<384xf32, #tpu.memory_space<vmem>>) offsets(%dma_start3A_557 : memref<384xi32, #tpu.memory_space<vmem>>) semaphore(%arg12 : memref<!tpu.dma_semaphore, #tpu.memory_space<semaphore_mem>>)
        %dma_start3A_560 = arith.constant 10240 : i32
        %dma_start3A_561 = tpu.memref_slice %arg9[%dma_start3A_560] : memref<20480xf32, #tpu.memory_space<vmem>> -> memref<384xf32, #tpu.memory_space<vmem>>
        %dma_start3A_562 = arith.constant 7680 : i32
        %dma_start3A_563 = tpu.memref_slice %arg7[%dma_start3A_562] : memref<15360xi32, #tpu.memory_space<vmem>> -> memref<384xi32, #tpu.memory_space<vmem>>
        %dma_start3A_564 = arith.constant 0 : i32
        %dma_start3A_565 = tpu.memref_slice %arg11[%dma_start3A_564] : memref<300000xf32, #tpu.memory_space<vmem_shared>> -> memref<300000xf32, #tpu.memory_space<vmem_shared>>
        tpu.enqueue_indirect_dma source(%dma_start3A_565 : memref<300000xf32, #tpu.memory_space<vmem_shared>>) target(%dma_start3A_561 : memref<384xf32, #tpu.memory_space<vmem>>) offsets(%dma_start3A_563 : memref<384xi32, #tpu.memory_space<vmem>>) semaphore(%arg12 : memref<!tpu.dma_semaphore, #tpu.memory_space<semaphore_mem>>)
        %dma_start3A_566 = arith.constant 10752 : i32
        %dma_start3A_567 = tpu.memref_slice %arg9[%dma_start3A_566] : memref<20480xf32, #tpu.memory_space<vmem>> -> memref<384xf32, #tpu.memory_space<vmem>>
        %dma_start3A_568 = arith.constant 8064 : i32
        %dma_start3A_569 = tpu.memref_slice %arg7[%dma_start3A_568] : memref<15360xi32, #tpu.memory_space<vmem>> -> memref<384xi32, #tpu.memory_space<vmem>>
        %dma_start3A_570 = arith.constant 0 : i32
        %dma_start3A_571 = tpu.memref_slice %arg11[%dma_start3A_570] : memref<300000xf32, #tpu.memory_space<vmem_shared>> -> memref<300000xf32, #tpu.memory_space<vmem_shared>>
        tpu.enqueue_indirect_dma source(%dma_start3A_571 : memref<300000xf32, #tpu.memory_space<vmem_shared>>) target(%dma_start3A_567 : memref<384xf32, #tpu.memory_space<vmem>>) offsets(%dma_start3A_569 : memref<384xi32, #tpu.memory_space<vmem>>) semaphore(%arg12 : memref<!tpu.dma_semaphore, #tpu.memory_space<semaphore_mem>>)
        %dma_start3A_572 = arith.constant 11264 : i32
        %dma_start3A_573 = tpu.memref_slice %arg9[%dma_start3A_572] : memref<20480xf32, #tpu.memory_space<vmem>> -> memref<384xf32, #tpu.memory_space<vmem>>
        %dma_start3A_574 = arith.constant 8448 : i32
        %dma_start3A_575 = tpu.memref_slice %arg7[%dma_start3A_574] : memref<15360xi32, #tpu.memory_space<vmem>> -> memref<384xi32, #tpu.memory_space<vmem>>
        %dma_start3A_576 = arith.constant 0 : i32
        %dma_start3A_577 = tpu.memref_slice %arg11[%dma_start3A_576] : memref<300000xf32, #tpu.memory_space<vmem_shared>> -> memref<300000xf32, #tpu.memory_space<vmem_shared>>
        tpu.enqueue_indirect_dma source(%dma_start3A_577 : memref<300000xf32, #tpu.memory_space<vmem_shared>>) target(%dma_start3A_573 : memref<384xf32, #tpu.memory_space<vmem>>) offsets(%dma_start3A_575 : memref<384xi32, #tpu.memory_space<vmem>>) semaphore(%arg12 : memref<!tpu.dma_semaphore, #tpu.memory_space<semaphore_mem>>)
        %dma_start3A_578 = arith.constant 11776 : i32
        %dma_start3A_579 = tpu.memref_slice %arg9[%dma_start3A_578] : memref<20480xf32, #tpu.memory_space<vmem>> -> memref<384xf32, #tpu.memory_space<vmem>>
        %dma_start3A_580 = arith.constant 8832 : i32
        %dma_start3A_581 = tpu.memref_slice %arg7[%dma_start3A_580] : memref<15360xi32, #tpu.memory_space<vmem>> -> memref<384xi32, #tpu.memory_space<vmem>>
        %dma_start3A_582 = arith.constant 0 : i32
        %dma_start3A_583 = tpu.memref_slice %arg11[%dma_start3A_582] : memref<300000xf32, #tpu.memory_space<vmem_shared>> -> memref<300000xf32, #tpu.memory_space<vmem_shared>>
        tpu.enqueue_indirect_dma source(%dma_start3A_583 : memref<300000xf32, #tpu.memory_space<vmem_shared>>) target(%dma_start3A_579 : memref<384xf32, #tpu.memory_space<vmem>>) offsets(%dma_start3A_581 : memref<384xi32, #tpu.memory_space<vmem>>) semaphore(%arg12 : memref<!tpu.dma_semaphore, #tpu.memory_space<semaphore_mem>>)
        %dma_start3A_584 = arith.constant 12288 : i32
        %dma_start3A_585 = tpu.memref_slice %arg9[%dma_start3A_584] : memref<20480xf32, #tpu.memory_space<vmem>> -> memref<384xf32, #tpu.memory_space<vmem>>
        %dma_start3A_586 = arith.constant 9216 : i32
        %dma_start3A_587 = tpu.memref_slice %arg7[%dma_start3A_586] : memref<15360xi32, #tpu.memory_space<vmem>> -> memref<384xi32, #tpu.memory_space<vmem>>
        %dma_start3A_588 = arith.constant 0 : i32
        %dma_start3A_589 = tpu.memref_slice %arg11[%dma_start3A_588] : memref<300000xf32, #tpu.memory_space<vmem_shared>> -> memref<300000xf32, #tpu.memory_space<vmem_shared>>
        tpu.enqueue_indirect_dma source(%dma_start3A_589 : memref<300000xf32, #tpu.memory_space<vmem_shared>>) target(%dma_start3A_585 : memref<384xf32, #tpu.memory_space<vmem>>) offsets(%dma_start3A_587 : memref<384xi32, #tpu.memory_space<vmem>>) semaphore(%arg12 : memref<!tpu.dma_semaphore, #tpu.memory_space<semaphore_mem>>)
        %dma_start3A_590 = arith.constant 12800 : i32
        %dma_start3A_591 = tpu.memref_slice %arg9[%dma_start3A_590] : memref<20480xf32, #tpu.memory_space<vmem>> -> memref<384xf32, #tpu.memory_space<vmem>>
        %dma_start3A_592 = arith.constant 9600 : i32
        %dma_start3A_593 = tpu.memref_slice %arg7[%dma_start3A_592] : memref<15360xi32, #tpu.memory_space<vmem>> -> memref<384xi32, #tpu.memory_space<vmem>>
        %dma_start3A_594 = arith.constant 0 : i32
        %dma_start3A_595 = tpu.memref_slice %arg11[%dma_start3A_594] : memref<300000xf32, #tpu.memory_space<vmem_shared>> -> memref<300000xf32, #tpu.memory_space<vmem_shared>>
        tpu.enqueue_indirect_dma source(%dma_start3A_595 : memref<300000xf32, #tpu.memory_space<vmem_shared>>) target(%dma_start3A_591 : memref<384xf32, #tpu.memory_space<vmem>>) offsets(%dma_start3A_593 : memref<384xi32, #tpu.memory_space<vmem>>) semaphore(%arg12 : memref<!tpu.dma_semaphore, #tpu.memory_space<semaphore_mem>>)
        %dma_start3A_596 = arith.constant 13312 : i32
        %dma_start3A_597 = tpu.memref_slice %arg9[%dma_start3A_596] : memref<20480xf32, #tpu.memory_space<vmem>> -> memref<384xf32, #tpu.memory_space<vmem>>
        %dma_start3A_598 = arith.constant 9984 : i32
        %dma_start3A_599 = tpu.memref_slice %arg7[%dma_start3A_598] : memref<15360xi32, #tpu.memory_space<vmem>> -> memref<384xi32, #tpu.memory_space<vmem>>
        %dma_start3A_600 = arith.constant 0 : i32
        %dma_start3A_601 = tpu.memref_slice %arg11[%dma_start3A_600] : memref<300000xf32, #tpu.memory_space<vmem_shared>> -> memref<300000xf32, #tpu.memory_space<vmem_shared>>
        tpu.enqueue_indirect_dma source(%dma_start3A_601 : memref<300000xf32, #tpu.memory_space<vmem_shared>>) target(%dma_start3A_597 : memref<384xf32, #tpu.memory_space<vmem>>) offsets(%dma_start3A_599 : memref<384xi32, #tpu.memory_space<vmem>>) semaphore(%arg12 : memref<!tpu.dma_semaphore, #tpu.memory_space<semaphore_mem>>)
        %dma_start3A_602 = arith.constant 13824 : i32
        %dma_start3A_603 = tpu.memref_slice %arg9[%dma_start3A_602] : memref<20480xf32, #tpu.memory_space<vmem>> -> memref<384xf32, #tpu.memory_space<vmem>>
        %dma_start3A_604 = arith.constant 10368 : i32
        %dma_start3A_605 = tpu.memref_slice %arg7[%dma_start3A_604] : memref<15360xi32, #tpu.memory_space<vmem>> -> memref<384xi32, #tpu.memory_space<vmem>>
        %dma_start3A_606 = arith.constant 0 : i32
        %dma_start3A_607 = tpu.memref_slice %arg11[%dma_start3A_606] : memref<300000xf32, #tpu.memory_space<vmem_shared>> -> memref<300000xf32, #tpu.memory_space<vmem_shared>>
        tpu.enqueue_indirect_dma source(%dma_start3A_607 : memref<300000xf32, #tpu.memory_space<vmem_shared>>) target(%dma_start3A_603 : memref<384xf32, #tpu.memory_space<vmem>>) offsets(%dma_start3A_605 : memref<384xi32, #tpu.memory_space<vmem>>) semaphore(%arg12 : memref<!tpu.dma_semaphore, #tpu.memory_space<semaphore_mem>>)
        %dma_start3A_608 = arith.constant 14336 : i32
        %dma_start3A_609 = tpu.memref_slice %arg9[%dma_start3A_608] : memref<20480xf32, #tpu.memory_space<vmem>> -> memref<384xf32, #tpu.memory_space<vmem>>
        %dma_start3A_610 = arith.constant 10752 : i32
        %dma_start3A_611 = tpu.memref_slice %arg7[%dma_start3A_610] : memref<15360xi32, #tpu.memory_space<vmem>> -> memref<384xi32, #tpu.memory_space<vmem>>
        %dma_start3A_612 = arith.constant 0 : i32
        %dma_start3A_613 = tpu.memref_slice %arg11[%dma_start3A_612] : memref<300000xf32, #tpu.memory_space<vmem_shared>> -> memref<300000xf32, #tpu.memory_space<vmem_shared>>
        tpu.enqueue_indirect_dma source(%dma_start3A_613 : memref<300000xf32, #tpu.memory_space<vmem_shared>>) target(%dma_start3A_609 : memref<384xf32, #tpu.memory_space<vmem>>) offsets(%dma_start3A_611 : memref<384xi32, #tpu.memory_space<vmem>>) semaphore(%arg12 : memref<!tpu.dma_semaphore, #tpu.memory_space<semaphore_mem>>)
        %dma_start3A_614 = arith.constant 14848 : i32
        %dma_start3A_615 = tpu.memref_slice %arg9[%dma_start3A_614] : memref<20480xf32, #tpu.memory_space<vmem>> -> memref<384xf32, #tpu.memory_space<vmem>>
        %dma_start3A_616 = arith.constant 11136 : i32
        %dma_start3A_617 = tpu.memref_slice %arg7[%dma_start3A_616] : memref<15360xi32, #tpu.memory_space<vmem>> -> memref<384xi32, #tpu.memory_space<vmem>>
        %dma_start3A_618 = arith.constant 0 : i32
        %dma_start3A_619 = tpu.memref_slice %arg11[%dma_start3A_618] : memref<300000xf32, #tpu.memory_space<vmem_shared>> -> memref<300000xf32, #tpu.memory_space<vmem_shared>>
        tpu.enqueue_indirect_dma source(%dma_start3A_619 : memref<300000xf32, #tpu.memory_space<vmem_shared>>) target(%dma_start3A_615 : memref<384xf32, #tpu.memory_space<vmem>>) offsets(%dma_start3A_617 : memref<384xi32, #tpu.memory_space<vmem>>) semaphore(%arg12 : memref<!tpu.dma_semaphore, #tpu.memory_space<semaphore_mem>>)
        %dma_start3A_620 = arith.constant 15360 : i32
        %dma_start3A_621 = tpu.memref_slice %arg9[%dma_start3A_620] : memref<20480xf32, #tpu.memory_space<vmem>> -> memref<384xf32, #tpu.memory_space<vmem>>
        %dma_start3A_622 = arith.constant 11520 : i32
        %dma_start3A_623 = tpu.memref_slice %arg7[%dma_start3A_622] : memref<15360xi32, #tpu.memory_space<vmem>> -> memref<384xi32, #tpu.memory_space<vmem>>
        %dma_start3A_624 = arith.constant 0 : i32
        %dma_start3A_625 = tpu.memref_slice %arg11[%dma_start3A_624] : memref<300000xf32, #tpu.memory_space<vmem_shared>> -> memref<300000xf32, #tpu.memory_space<vmem_shared>>
        tpu.enqueue_indirect_dma source(%dma_start3A_625 : memref<300000xf32, #tpu.memory_space<vmem_shared>>) target(%dma_start3A_621 : memref<384xf32, #tpu.memory_space<vmem>>) offsets(%dma_start3A_623 : memref<384xi32, #tpu.memory_space<vmem>>) semaphore(%arg12 : memref<!tpu.dma_semaphore, #tpu.memory_space<semaphore_mem>>)
        %dma_start3A_626 = arith.constant 15872 : i32
        %dma_start3A_627 = tpu.memref_slice %arg9[%dma_start3A_626] : memref<20480xf32, #tpu.memory_space<vmem>> -> memref<384xf32, #tpu.memory_space<vmem>>
        %dma_start3A_628 = arith.constant 11904 : i32
        %dma_start3A_629 = tpu.memref_slice %arg7[%dma_start3A_628] : memref<15360xi32, #tpu.memory_space<vmem>> -> memref<384xi32, #tpu.memory_space<vmem>>
        %dma_start3A_630 = arith.constant 0 : i32
        %dma_start3A_631 = tpu.memref_slice %arg11[%dma_start3A_630] : memref<300000xf32, #tpu.memory_space<vmem_shared>> -> memref<300000xf32, #tpu.memory_space<vmem_shared>>
        tpu.enqueue_indirect_dma source(%dma_start3A_631 : memref<300000xf32, #tpu.memory_space<vmem_shared>>) target(%dma_start3A_627 : memref<384xf32, #tpu.memory_space<vmem>>) offsets(%dma_start3A_629 : memref<384xi32, #tpu.memory_space<vmem>>) semaphore(%arg12 : memref<!tpu.dma_semaphore, #tpu.memory_space<semaphore_mem>>)
        %dma_start3A_632 = arith.constant 16384 : i32
        %dma_start3A_633 = tpu.memref_slice %arg9[%dma_start3A_632] : memref<20480xf32, #tpu.memory_space<vmem>> -> memref<384xf32, #tpu.memory_space<vmem>>
        %dma_start3A_634 = arith.constant 12288 : i32
        %dma_start3A_635 = tpu.memref_slice %arg7[%dma_start3A_634] : memref<15360xi32, #tpu.memory_space<vmem>> -> memref<384xi32, #tpu.memory_space<vmem>>
        %dma_start3A_636 = arith.constant 0 : i32
        %dma_start3A_637 = tpu.memref_slice %arg11[%dma_start3A_636] : memref<300000xf32, #tpu.memory_space<vmem_shared>> -> memref<300000xf32, #tpu.memory_space<vmem_shared>>
        tpu.enqueue_indirect_dma source(%dma_start3A_637 : memref<300000xf32, #tpu.memory_space<vmem_shared>>) target(%dma_start3A_633 : memref<384xf32, #tpu.memory_space<vmem>>) offsets(%dma_start3A_635 : memref<384xi32, #tpu.memory_space<vmem>>) semaphore(%arg12 : memref<!tpu.dma_semaphore, #tpu.memory_space<semaphore_mem>>)
        %dma_start3A_638 = arith.constant 16896 : i32
        %dma_start3A_639 = tpu.memref_slice %arg9[%dma_start3A_638] : memref<20480xf32, #tpu.memory_space<vmem>> -> memref<384xf32, #tpu.memory_space<vmem>>
        %dma_start3A_640 = arith.constant 12672 : i32
        %dma_start3A_641 = tpu.memref_slice %arg7[%dma_start3A_640] : memref<15360xi32, #tpu.memory_space<vmem>> -> memref<384xi32, #tpu.memory_space<vmem>>
        %dma_start3A_642 = arith.constant 0 : i32
        %dma_start3A_643 = tpu.memref_slice %arg11[%dma_start3A_642] : memref<300000xf32, #tpu.memory_space<vmem_shared>> -> memref<300000xf32, #tpu.memory_space<vmem_shared>>
        tpu.enqueue_indirect_dma source(%dma_start3A_643 : memref<300000xf32, #tpu.memory_space<vmem_shared>>) target(%dma_start3A_639 : memref<384xf32, #tpu.memory_space<vmem>>) offsets(%dma_start3A_641 : memref<384xi32, #tpu.memory_space<vmem>>) semaphore(%arg12 : memref<!tpu.dma_semaphore, #tpu.memory_space<semaphore_mem>>)
        %dma_start3A_644 = arith.constant 17408 : i32
        %dma_start3A_645 = tpu.memref_slice %arg9[%dma_start3A_644] : memref<20480xf32, #tpu.memory_space<vmem>> -> memref<384xf32, #tpu.memory_space<vmem>>
        %dma_start3A_646 = arith.constant 13056 : i32
        %dma_start3A_647 = tpu.memref_slice %arg7[%dma_start3A_646] : memref<15360xi32, #tpu.memory_space<vmem>> -> memref<384xi32, #tpu.memory_space<vmem>>
        %dma_start3A_648 = arith.constant 0 : i32
        %dma_start3A_649 = tpu.memref_slice %arg11[%dma_start3A_648] : memref<300000xf32, #tpu.memory_space<vmem_shared>> -> memref<300000xf32, #tpu.memory_space<vmem_shared>>
        tpu.enqueue_indirect_dma source(%dma_start3A_649 : memref<300000xf32, #tpu.memory_space<vmem_shared>>) target(%dma_start3A_645 : memref<384xf32, #tpu.memory_space<vmem>>) offsets(%dma_start3A_647 : memref<384xi32, #tpu.memory_space<vmem>>) semaphore(%arg12 : memref<!tpu.dma_semaphore, #tpu.memory_space<semaphore_mem>>)
        %dma_start3A_650 = arith.constant 17920 : i32
        %dma_start3A_651 = tpu.memref_slice %arg9[%dma_start3A_650] : memref<20480xf32, #tpu.memory_space<vmem>> -> memref<384xf32, #tpu.memory_space<vmem>>
        %dma_start3A_652 = arith.constant 13440 : i32
        %dma_start3A_653 = tpu.memref_slice %arg7[%dma_start3A_652] : memref<15360xi32, #tpu.memory_space<vmem>> -> memref<384xi32, #tpu.memory_space<vmem>>
        %dma_start3A_654 = arith.constant 0 : i32
        %dma_start3A_655 = tpu.memref_slice %arg11[%dma_start3A_654] : memref<300000xf32, #tpu.memory_space<vmem_shared>> -> memref<300000xf32, #tpu.memory_space<vmem_shared>>
        tpu.enqueue_indirect_dma source(%dma_start3A_655 : memref<300000xf32, #tpu.memory_space<vmem_shared>>) target(%dma_start3A_651 : memref<384xf32, #tpu.memory_space<vmem>>) offsets(%dma_start3A_653 : memref<384xi32, #tpu.memory_space<vmem>>) semaphore(%arg12 : memref<!tpu.dma_semaphore, #tpu.memory_space<semaphore_mem>>)
        %dma_start3A_656 = arith.constant 18432 : i32
        %dma_start3A_657 = tpu.memref_slice %arg9[%dma_start3A_656] : memref<20480xf32, #tpu.memory_space<vmem>> -> memref<384xf32, #tpu.memory_space<vmem>>
        %dma_start3A_658 = arith.constant 13824 : i32
        %dma_start3A_659 = tpu.memref_slice %arg7[%dma_start3A_658] : memref<15360xi32, #tpu.memory_space<vmem>> -> memref<384xi32, #tpu.memory_space<vmem>>
        %dma_start3A_660 = arith.constant 0 : i32
        %dma_start3A_661 = tpu.memref_slice %arg11[%dma_start3A_660] : memref<300000xf32, #tpu.memory_space<vmem_shared>> -> memref<300000xf32, #tpu.memory_space<vmem_shared>>
        tpu.enqueue_indirect_dma source(%dma_start3A_661 : memref<300000xf32, #tpu.memory_space<vmem_shared>>) target(%dma_start3A_657 : memref<384xf32, #tpu.memory_space<vmem>>) offsets(%dma_start3A_659 : memref<384xi32, #tpu.memory_space<vmem>>) semaphore(%arg12 : memref<!tpu.dma_semaphore, #tpu.memory_space<semaphore_mem>>)
        %dma_start3A_662 = arith.constant 18944 : i32
        %dma_start3A_663 = tpu.memref_slice %arg9[%dma_start3A_662] : memref<20480xf32, #tpu.memory_space<vmem>> -> memref<384xf32, #tpu.memory_space<vmem>>
        %dma_start3A_664 = arith.constant 14208 : i32
        %dma_start3A_665 = tpu.memref_slice %arg7[%dma_start3A_664] : memref<15360xi32, #tpu.memory_space<vmem>> -> memref<384xi32, #tpu.memory_space<vmem>>
        %dma_start3A_666 = arith.constant 0 : i32
        %dma_start3A_667 = tpu.memref_slice %arg11[%dma_start3A_666] : memref<300000xf32, #tpu.memory_space<vmem_shared>> -> memref<300000xf32, #tpu.memory_space<vmem_shared>>
        tpu.enqueue_indirect_dma source(%dma_start3A_667 : memref<300000xf32, #tpu.memory_space<vmem_shared>>) target(%dma_start3A_663 : memref<384xf32, #tpu.memory_space<vmem>>) offsets(%dma_start3A_665 : memref<384xi32, #tpu.memory_space<vmem>>) semaphore(%arg12 : memref<!tpu.dma_semaphore, #tpu.memory_space<semaphore_mem>>)
        %dma_start3A_668 = arith.constant 19456 : i32
        %dma_start3A_669 = tpu.memref_slice %arg9[%dma_start3A_668] : memref<20480xf32, #tpu.memory_space<vmem>> -> memref<384xf32, #tpu.memory_space<vmem>>
        %dma_start3A_670 = arith.constant 14592 : i32
        %dma_start3A_671 = tpu.memref_slice %arg7[%dma_start3A_670] : memref<15360xi32, #tpu.memory_space<vmem>> -> memref<384xi32, #tpu.memory_space<vmem>>
        %dma_start3A_672 = arith.constant 0 : i32
        %dma_start3A_673 = tpu.memref_slice %arg11[%dma_start3A_672] : memref<300000xf32, #tpu.memory_space<vmem_shared>> -> memref<300000xf32, #tpu.memory_space<vmem_shared>>
        tpu.enqueue_indirect_dma source(%dma_start3A_673 : memref<300000xf32, #tpu.memory_space<vmem_shared>>) target(%dma_start3A_669 : memref<384xf32, #tpu.memory_space<vmem>>) offsets(%dma_start3A_671 : memref<384xi32, #tpu.memory_space<vmem>>) semaphore(%arg12 : memref<!tpu.dma_semaphore, #tpu.memory_space<semaphore_mem>>)
        %dma_start3A_674 = arith.constant 19968 : i32
        %dma_start3A_675 = tpu.memref_slice %arg9[%dma_start3A_674] : memref<20480xf32, #tpu.memory_space<vmem>> -> memref<384xf32, #tpu.memory_space<vmem>>
        %dma_start3A_676 = arith.constant 14976 : i32
        %dma_start3A_677 = tpu.memref_slice %arg7[%dma_start3A_676] : memref<15360xi32, #tpu.memory_space<vmem>> -> memref<384xi32, #tpu.memory_space<vmem>>
        %dma_start3A_678 = arith.constant 0 : i32
        %dma_start3A_679 = tpu.memref_slice %arg11[%dma_start3A_678] : memref<300000xf32, #tpu.memory_space<vmem_shared>> -> memref<300000xf32, #tpu.memory_space<vmem_shared>>
        tpu.enqueue_indirect_dma source(%dma_start3A_679 : memref<300000xf32, #tpu.memory_space<vmem_shared>>) target(%dma_start3A_675 : memref<384xf32, #tpu.memory_space<vmem>>) offsets(%dma_start3A_677 : memref<384xi32, #tpu.memory_space<vmem>>) semaphore(%arg12 : memref<!tpu.dma_semaphore, #tpu.memory_space<semaphore_mem>>)
      } else {
      }
      %jit3A_377 = arith.constant 2 : i32
      %div3A_378 = arith.divsi %add3A_233, %jit3A_377 : i32
      %sign3A_379 = arith.constant 0 : i32
      %sign3A_380 = arith.cmpi sgt, %add3A_233, %sign3A_379 : i32
      %sign3A_381 = arith.extui %sign3A_380 : i1 to i32
      %sign3A_382 = arith.constant 0 : i32
      %sign3A_383 = arith.cmpi slt, %add3A_233, %sign3A_382 : i32
      %sign3A_384 = arith.extui %sign3A_383 : i1 to i32
      %sign3A_385 = arith.subi %sign3A_381, %sign3A_384 : i32
      %sign3A_386 = arith.constant 0 : i32
      %sign3A_387 = arith.cmpi sgt, %jit3A_377, %sign3A_386 : i32
      %sign3A_388 = arith.extui %sign3A_387 : i1 to i32
      %sign3A_389 = arith.constant 0 : i32
      %sign3A_390 = arith.cmpi slt, %jit3A_377, %sign3A_389 : i32
      %sign3A_391 = arith.extui %sign3A_390 : i1 to i32
      %sign3A_392 = arith.subi %sign3A_388, %sign3A_391 : i32
      %ne3A_393 = arith.cmpi ne, %sign3A_385, %sign3A_392 : i32
      %rem3A_394 = arith.remsi %add3A_233, %jit3A_377 : i32
      %ne3A_395 = arith.constant 0 : i32
      %ne3A_396 = arith.cmpi ne, %rem3A_394, %ne3A_395 : i32
      %and3A_397 = arith.andi %ne3A_393, %ne3A_396 : i1
      %sub3A_398 = arith.constant 1 : i32
      %sub3A_399 = arith.subi %div3A_378, %sub3A_398 : i32
      %select_n3A_400 = arith.select %and3A_397, %sub3A_399, %div3A_378 : i32
      %mul3A_401 = arith.constant 32 : i32
      %mul3A_402 = arith.muli %select_n3A_400, %mul3A_401 : i32
      %add3A_403 = arith.addi %mul3A_402, %add3A : i32
      %lt3A_404 = arith.constant 1250 : i32
      %lt3A_405 = arith.cmpi slt, %add3A_403, %lt3A_404 : i32
      %convert_element_type3A_406 = arith.extui %lt3A_405 : i1 to i32
      %cond3A_407 = arith.constant 0 : i32
      %cond3A_408 = arith.cmpi ne, %convert_element_type3A_406, %cond3A_407 : i32
      scf.if %cond3A_408 {
        %dma_wait3A = arith.constant 0 : i32
        %dma_wait3A_441 = tpu.memref_slice %arg10[%dma_wait3A] : memref<20480xf32, #tpu.memory_space<vmem>> -> memref<15360xf32, #tpu.memory_space<vmem>>
        %dma_wait3A_442 = arith.constant 0 : i32
        %dma_wait3A_443 = tpu.memref_slice %arg11[%dma_wait3A_442] : memref<300000xf32, #tpu.memory_space<vmem_shared>> -> memref<300000xf32, #tpu.memory_space<vmem_shared>>
        tpu.wait_indirect_dma semaphore(%arg12 : memref<!tpu.dma_semaphore, #tpu.memory_space<semaphore_mem>>) src(%dma_wait3A_443 : memref<300000xf32, #tpu.memory_space<vmem_shared>>) dst(%dma_wait3A_441 : memref<15360xf32, #tpu.memory_space<vmem>>)
      } else {
      }
      %jit3A_409 = arith.constant 2 : i32
      %div3A_410 = arith.divsi %add3A_233, %jit3A_409 : i32
      %sign3A_411 = arith.constant 0 : i32
      %sign3A_412 = arith.cmpi sgt, %add3A_233, %sign3A_411 : i32
      %sign3A_413 = arith.extui %sign3A_412 : i1 to i32
      %sign3A_414 = arith.constant 0 : i32
      %sign3A_415 = arith.cmpi slt, %add3A_233, %sign3A_414 : i32
      %sign3A_416 = arith.extui %sign3A_415 : i1 to i32
      %sign3A_417 = arith.subi %sign3A_413, %sign3A_416 : i32
      %sign3A_418 = arith.constant 0 : i32
      %sign3A_419 = arith.cmpi sgt, %jit3A_409, %sign3A_418 : i32
      %sign3A_420 = arith.extui %sign3A_419 : i1 to i32
      %sign3A_421 = arith.constant 0 : i32
      %sign3A_422 = arith.cmpi slt, %jit3A_409, %sign3A_421 : i32
      %sign3A_423 = arith.extui %sign3A_422 : i1 to i32
      %sign3A_424 = arith.subi %sign3A_420, %sign3A_423 : i32
      %ne3A_425 = arith.cmpi ne, %sign3A_417, %sign3A_424 : i32
      %rem3A_426 = arith.remsi %add3A_233, %jit3A_409 : i32
      %ne3A_427 = arith.constant 0 : i32
      %ne3A_428 = arith.cmpi ne, %rem3A_426, %ne3A_427 : i32
      %and3A_429 = arith.andi %ne3A_425, %ne3A_428 : i1
      %sub3A_430 = arith.constant 1 : i32
      %sub3A_431 = arith.subi %div3A_410, %sub3A_430 : i32
      %select_n3A_432 = arith.select %and3A_429, %sub3A_431, %div3A_410 : i32
      %mul3A_433 = arith.constant 32 : i32
      %mul3A_434 = arith.muli %select_n3A_432, %mul3A_433 : i32
      %add3A_435 = arith.addi %mul3A_434, %add3A : i32
      %lt3A_436 = arith.constant 1250 : i32
      %lt3A_437 = arith.cmpi slt, %add3A_435, %lt3A_436 : i32
      %convert_element_type3A_438 = arith.extui %lt3A_437 : i1 to i32
      %cond3A_439 = arith.constant 0 : i32
      %cond3A_440 = arith.cmpi ne, %convert_element_type3A_438, %cond3A_439 : i32
      scf.if %cond3A_440 {
        %jit3A_441 = arith.constant 2 : i32
        %div3A_442 = arith.divsi %add3A_233, %jit3A_441 : i32
        %sign3A_443 = arith.constant 0 : i32
        %sign3A_444 = arith.cmpi sgt, %add3A_233, %sign3A_443 : i32
        %sign3A_445 = arith.extui %sign3A_444 : i1 to i32
        %sign3A_446 = arith.constant 0 : i32
        %sign3A_447 = arith.cmpi slt, %add3A_233, %sign3A_446 : i32
        %sign3A_448 = arith.extui %sign3A_447 : i1 to i32
        %sign3A_449 = arith.subi %sign3A_445, %sign3A_448 : i32
        %sign3A_450 = arith.constant 0 : i32
        %sign3A_451 = arith.cmpi sgt, %jit3A_441, %sign3A_450 : i32
        %sign3A_452 = arith.extui %sign3A_451 : i1 to i32
        %sign3A_453 = arith.constant 0 : i32
        %sign3A_454 = arith.cmpi slt, %jit3A_441, %sign3A_453 : i32
        %sign3A_455 = arith.extui %sign3A_454 : i1 to i32
        %sign3A_456 = arith.subi %sign3A_452, %sign3A_455 : i32
        %ne3A_457 = arith.cmpi ne, %sign3A_449, %sign3A_456 : i32
        %rem3A_458 = arith.remsi %add3A_233, %jit3A_441 : i32
        %ne3A_459 = arith.constant 0 : i32
        %ne3A_460 = arith.cmpi ne, %rem3A_458, %ne3A_459 : i32
        %and3A_461 = arith.andi %ne3A_457, %ne3A_460 : i1
        %sub3A_462 = arith.constant 1 : i32
        %sub3A_463 = arith.subi %div3A_442, %sub3A_462 : i32
        %select_n3A_464 = arith.select %and3A_461, %sub3A_463, %div3A_442 : i32
        %mul3A_465 = arith.constant 32 : i32
        %mul3A_466 = arith.muli %select_n3A_464, %mul3A_465 : i32
        %add3A_467 = arith.addi %mul3A_466, %add3A : i32
        %mul3A_468 = arith.constant 4 : i32
        %mul3A_469 = arith.muli %mul3A_468, %add3A_467 : i32
        %mul3A_470 = arith.constant 5120 : i32
        %mul3A_471 = arith.muli %mul3A_469, %mul3A_470 : i32
        %dma_start3A = tpu.memref_slice %arg5[%mul3A_471] : memref<25600000xf32, #tpu.memory_space<hbm>> -> memref<20480xf32, #tpu.memory_space<hbm>>
        %dma_start3A_472 = tpu.memref_slice %arg5[%mul3A_471] : memref<25600000xf32, #tpu.memory_space<hbm>> -> memref<20480xf32, #tpu.memory_space<hbm>>
        tpu.enqueue_dma source(%arg10 : memref<20480xf32, #tpu.memory_space<vmem>>) target(%dma_start3A_472 : memref<20480xf32, #tpu.memory_space<hbm>>) target_semaphore(%arg13 : memref<!tpu.dma_semaphore, #tpu.memory_space<semaphore_mem>>)
      } else {
      }
    }
    %scan3A_41 = arith.constant 40 : i32
    %add3A_42 = arith.constant 1248 : i32
    %add3A_43 = arith.addi %add3A_42, %add3A : i32
    %lt3A_44 = arith.constant 1250 : i32
    %lt3A_45 = arith.cmpi slt, %add3A_43, %lt3A_44 : i32
    %convert_element_type3A_46 = arith.extui %lt3A_45 : i1 to i32
    %cond3A_47 = arith.constant 0 : i32
    %cond3A_48 = arith.cmpi ne, %convert_element_type3A_46, %cond3A_47 : i32
    scf.if %cond3A_48 {
      %dma_wait3A = arith.constant 0 : i32
      %dma_wait3A_49 = tpu.memref_slice %arg4[%dma_wait3A] : memref<25600000xf32, #tpu.memory_space<hbm>> -> memref<20480xf32, #tpu.memory_space<hbm>>
      %dma_wait3A_50 = arith.constant 0 : i32
      %dma_wait3A_51 = tpu.memref_slice %arg4[%dma_wait3A_50] : memref<25600000xf32, #tpu.memory_space<hbm>> -> memref<20480xf32, #tpu.memory_space<hbm>>
      tpu.wait_dma2 semaphore(%arg13 : memref<!tpu.dma_semaphore, #tpu.memory_space<semaphore_mem>>) src(%arg9 : memref<20480xf32, #tpu.memory_space<vmem>>) dst(%dma_wait3A_51 : memref<20480xf32, #tpu.memory_space<hbm>>)
    } else {
    }
    return
  }
}

</mosaic_0001>

<sc_bundles>
// kernel: kernel.3.cloned.1.call-start
scs
__scs_entry_jumppad:
0x0: {  	(pc) =	sbr.rel $0x88, $3  }
0x1: {  	(tag) =	ssettag $0x0;
	lr =	simm.s32 $0x1  }
0x2: {  	[smem:$0x3F9F] =	sst lr;
	_ =	strace $0xD0000000  }
0x3: {  	_ = 	snop  }
0x4: {  	_ = 	snop  }
0x5: {  	_ = 	snop  }
0x6: {  	_ = 	snop  }
0x7: {  	_ = 	snop  }
__scs_overlays_trampoline_lowered:
0x8: {  	[smem:$0x3FAE] =	sst s0  }
0x9: {  	[smem:$0x3FAF] =	sst s1  }
0xa: {  	[smem:$0x3FB0] =	sst s2  }
0xb: {  	[smem:$0x3FB1] =	sst s3  }
0xc: {  	[smem:$0x3FB2] =	sst s4  }
0xd: {  	[smem:$0x3FB3] =	sst s5  }
0xe: {  	[smem:$0x3FB4] =	sst s6  }
0xf: {  	[smem:$0x3FB5] =	sst s7  }
0x10: {  	[smem:$0x3FB6] =	sst s8  }
0x11: {  	[smem:$0x3FB7] =	sst s9;
	s0 =	simm.s32 @!p0 $0x0  }
0x12: {  	s1 =	sld [smem:$0x3F9D];
	s0 =	simm.s32 @p0 $0x1  }
0x13: {  	[smem:$0x3FB8] =	sst s0;
	s0 =	simm.s32 @!p1 $0x0  }
0x14: {  	s2 =	sld [smem:$0x3F9C];
	s0 =	simm.s32 @p1 $0x1  }
0x15: {  	[smem:$0x3FB9] =	sst s0;
	s0 =	simm.s32 @!p2 $0x0  }
0x16: {  	s3 =	sld [smem:$0x3FDB];
	s0 =	simm.s32 @p2 $0x1  }
0x17: {  	s4 =	simm.s32 $0x1BF5;
	[smem:$0x3FBB] =	sst s0  }
0x18: {  	s0 =	sld [smem:$0x3F9E];
	_ =	swait.ge [sflag:s4], $0x0  }
0x19: {  	s7 =	sld [smem:$0x3F9F]  }
0x1a: {  	s8 =	sadd.s32 $0xFFFFE003, lr  }
0x1b: {  	s9 =	sadd.s32 $0xFFFFFEF7, lr;
	s5 =	simm.s32 $0xFFFFFFFF;
	p2 =	slt.u32 s8, $0xFFFFF086  }
0x1c: {  	p1 =	slt.u32 s9, $0xF7A;
	s5 =	simm.s32 @!p2 $0x0  }
0x1d: {  	s5 =	simm.s32 @p1 $0x1;
	p0 =	seq.s32 s7, s2  }
0x1e: {  	s7 =	smul.u32 @!p0 $0xF7A, s2;
	p2 =	seq.s32 @!p0 s5, $0x0  }
0x1f: {  	s9 =	smul.u32 $0xF7A, s1;
	s8 =	simm.s32 @!p0 $0x1BF5;
	p2 =	por !p2, p0  }
0x20: {  	[sflag:s8] =	ssyncset.s32 @!p0 $0xFFFFF086;
	s6 =	sadd.s32 @!p0 s3, s7;
	s7 =	simm.s32 @!p0 $0x108  }
0x21: {  	s3 =	sadd.s32 s3, s9;
	s6 =	sadd.s32 @!p0 $0x88, s6;
	s7 =	simm.s32 @p2 $0x1082  }
0x22: {  	[simem:s7], [sflag:s8] =	dma.local @!p0 [hbm:s6], $0xF7A  }
0x23: {  	s9 =	sor.u32 $0xD0000000, s2;
	s6 =	simm.s32 $0x108;
	_ =	swait.ge @!p0 [sflag:s8], $0x0  }
0x24: {  	s3 =	sadd.s32 $0x88, s3;
	s6 =	simm.s32 @!p1 $0x1082;
	[sflag:s4] =	ssyncset.s32 $0xFFFFF086  }
0x25: {  	[simem:s6], [sflag:s4] =	dma.local [hbm:s3], $0xF7A  }
0x26: {  	[smem:$0x3F9F] =	sst s1;
	(tag) =	ssettag s2;
	_ =	strace s9  }
0x27: {  	s1 =	sld [smem:$0x3FAF]  }
0x28: {  	s2 =	sld [smem:$0x3FB0]  }
0x29: {  	s4 =	sld [smem:$0x3FB2]  }
0x2a: {  	p0 =	seq.s32 s5, $0x0;
	s5 =	sld [smem:$0x3FB3]  }
0x2b: {  	s6 =	sld [smem:$0x3FB4]  }
0x2c: {  	s7 =	sld [smem:$0x3FB5]  }
0x2d: {  	s3 =	simm.s32 $0x108;
	s8 =	sld [smem:$0x3FB6]  }
0x2e: {  	s3 =	simm.s32 @!p0 $0x1082;
	s9 =	sld [smem:$0x3FB7]  }
0x2f: {  	lr =	sadd.s32 s0, s3;
	s0 =	sld [smem:$0x3FAE]  }
0x30: {  	s3 =	sld [smem:$0x3FB1]  }
0x31: {  	[smem:$0x3FBA] =	sst s10  }
0x32: {  	s10 =	sld [smem:$0x3FB8];
	_ =	sdelay $0x3  }
0x33: {  	p0 =	seq.s32 s10, $0x1;
	s10 =	sld [smem:$0x3FBA];
	_ =	sdelay $0x3  }
0x34: {  	[smem:$0x3FBA] =	sst s10  }
0x35: {  	s10 =	sld [smem:$0x3FB9];
	_ =	sdelay $0x3  }
0x36: {  	p1 =	seq.s32 s10, $0x1;
	s10 =	sld [smem:$0x3FBA];
	_ =	sdelay $0x3  }
0x37: {  	[smem:$0x3FBA] =	sst s10  }
0x38: {  	s10 =	sld [smem:$0x3FBB]  }
0x39: {  	_ = 	snop;
	(pc) =	sbr.ind lr, $3  }
0x3a: {  	_ = 	snop  }
0x3b: {  	_ = 	snop  }
0x3c: {  	p2 =	seq.s32 s10, $0x1;
	s10 =	sld [smem:$0x3FBA]  }
0x3d: {  	_ =	shalt  }
0x3e: {  	_ =	shalt  }
0x3f: {  	_ =	shalt  }
0x40: {  	_ =	shalt  }
0x41: {  	_ =	shalt  }
0x42: {  	_ =	shalt  }
0x43: {  	_ =	shalt  }
0x44: {  	_ =	shalt  }
0x45: {  	_ =	shalt  }
0x46: {  	_ =	shalt  }
0x47: {  	_ =	shalt  }
0x48: {  	_ =	shalt  }
0x49: {  	_ =	shalt  }
0x4a: {  	_ =	shalt  }
0x4b: {  	_ =	shalt  }
0x4c: {  	_ =	shalt  }
0x4d: {  	_ =	shalt  }
0x4e: {  	_ =	shalt  }
0x4f: {  	_ =	shalt  }
0x50: {  	_ =	shalt  }
0x51: {  	_ =	shalt  }
0x52: {  	_ =	shalt  }
0x53: {  	_ =	shalt  }
0x54: {  	_ =	shalt  }
0x55: {  	_ =	shalt  }
0x56: {  	_ =	shalt  }
0x57: {  	_ =	shalt  }
0x58: {  	_ =	shalt  }
0x59: {  	_ =	shalt  }
0x5a: {  	_ =	shalt  }
0x5b: {  	_ =	shalt  }
0x5c: {  	_ =	shalt  }
0x5d: {  	_ =	shalt  }
0x5e: {  	_ =	shalt  }
0x5f: {  	_ =	shalt  }
0x60: {  	_ =	shalt  }
0x61: {  	_ =	shalt  }
0x62: {  	_ =	shalt  }
0x63: {  	_ =	shalt  }
0x64: {  	_ =	shalt  }
0x65: {  	_ =	shalt  }
0x66: {  	_ =	shalt  }
0x67: {  	_ =	shalt  }
0x68: {  	_ =	shalt  }
0x69: {  	_ =	shalt  }
0x6a: {  	_ =	shalt  }
0x6b: {  	_ =	shalt  }
0x6c: {  	_ =	shalt  }
0x6d: {  	_ =	shalt  }
0x6e: {  	_ =	shalt  }
0x6f: {  	_ =	shalt  }
0x70: {  	_ =	shalt  }
0x71: {  	_ =	shalt  }
0x72: {  	_ =	shalt  }
0x73: {  	_ =	shalt  }
0x74: {  	_ =	shalt  }
0x75: {  	_ =	shalt  }
0x76: {  	_ =	shalt  }
0x77: {  	_ =	shalt  }
0x78: {  	_ =	shalt  }
0x79: {  	_ =	shalt  }
0x7a: {  	_ =	shalt  }
0x7b: {  	_ =	shalt  }
0x7c: {  	_ =	shalt  }
0x7d: {  	_ =	shalt  }
0x7e: {  	_ =	shalt  }
0x7f: {  	_ =	shalt  }
0x80: {  	_ =	shalt  }
0x81: {  	_ =	shalt  }
0x82: {  	_ =	shalt  }
0x83: {  	_ =	shalt  }
0x84: {  	_ =	shalt  }
0x85: {  	_ =	shalt  }
0x86: {  	_ =	shalt  }
0x87: {  	_ =	shalt  }
.Lfunc_end0:
.L_simem_size_0:
called_computation_lowered:
.L_overlay_start_0:
0x88: {  	s2 =	sld [smem:$0x3FD9]  }
0x89: {  	s3 =	sld [smem:$0x3FFE];
	_ =	sdelay $0x1  }
0x8a: {  	s1 =	srdreg.scid  }
0x8b: {  	s0 =	sand.u32 $0x1, s1  }
0x8c: {  	s14 =	sshll.u32 s0, $0xA;
	s2 =	sadd.s32 s3, s2  }
0x8d: {  	s2 =	sadd.s32 s2, s14  }
0x8e: {  	[smem:$0x3FC6] =	sst s2  }
0x8f: {  	_ = 	snop  }
0x90: {  	s2 =	sld [smem:$0x3FD0];
	_ =	sdelay $0x2  }
0x91: {  	s4 =	simm.s32 $0xA;
	s5 =	simm.s32 $0x10;
	s15 =	sld [smem:$0x3FC8]  }
0x92: {  	[smem:s5], [sflag:s4] =	dma.local [hbm:s2], $0x1  }
0x93: {  	_ =	swait.eq [sflag:s4], $0x1  }
0x94: {  	[sflag:s4] =	ssyncset.done $0x0  }
0x95: {  	s16 =	sld [smem:$0x10];
	[sflag:s4] =	ssyncadd.s32 $0xFFFFFFFF  }
0x96: {  	s17 =	sld [smem:$0x11];
	(tm) =	ssettm $0x1  }
0x97: {  	s18 =	sld [smem:$0x3FFB];
	_ =	sdelay $0x3  }
0x98: {  	_ =	strace s18  }
0x99: {  	s5 =	sld [smem:$0x3FFC];
	_ =	sdelay $0x3  }
0x9a: {  	_ =	strace s5  }
0x9b: {  	s5 =	sld [smem:$0x3FFD];
	_ =	sdelay $0x3  }
0x9c: {  	_ =	strace s5  }
0x9d: {  	_ =	strace $0x8FFFFFFF  }
0x9e: {  	s19 =	sld [smem:$0x3FDB];
	_ =	sdelay $0x1  }
0x9f: {  	s6 =	simm.s32 $_scs_section_size  }
0xa0: {  	s7 =	simm.s32 $_size__tile_overlayer_lowered;
	s8 =	simm.s32 $_tile_overlayer_lowered  }
0xa1: {  	s22 =	simm.s32 $0x1BFF;
	s21 =	sshll.u32 s8, $0x1;
	s5 =	sadd.s32 s6, s19  }
0xa2: {  	s9 =	simm.s32 $0x0;
	s20 =	sshll.u32 s7, $0x1;
	s7 =	sadd.s32 s21, s5  }
0xa3: {  	[timem:s9], [sflag:s22] =	dma.local [hbm:s7], s20  }
0xa4: {  	_ =	swait.ge [sflag:s22], s20  }
0xa5: {  	s6 =	ssub.s32 $0x0, s20;
	[sflag:s22] =	ssyncset.done $0x0  }
0xa6: {  	[sflag:s22] =	ssyncadd.s32 s6;
	_ =	sdelay $0x1  }
0xa7: {  	s23 =	simm.s32 $0x1B8B  }
0xa8: {  	_ =	swait.ge [sflag:s23], $0x1  }
0xa9: {  	[sflag:s23] =	ssyncset.done $0x0  }
0xaa: {  	s25 =	simm.s32 $0x1B8E;
	s24 =	sld [smem:$0x3FFE];
	[sflag:s23] =	ssyncadd.s32 $0xFFFFFFFF  }
0xab: {  	s26 =	simm.s32 $execute0_lowered;
	[smem:$0x3FD2] =	sst s25  }
0xac: {  	s7 =	sshll.u32 s26, $0x1;
	_ =	strace $0x80000046;
	[dreg:$0x1] =	wrdreg $0xFFFFFFFF  }
0xad: {  	s28 =	simm.s32 $_size_execute0_lowered;
	s5 =	sadd.s32 s5, s7;
	[dreg:$0x0] =	wrdreg $0x0  }
0xae: {  	s7 =	sshll.u32 s28, $0x1;
	[dreg:$0x2] =	wrdreg s5  }
0xaf: {  	[dreg:$0x3] =	wrdreg s7  }
0xb0: {  	[dreg:$0x4] =	wrdreg $0xC0  }
0xb1: {  	_ =	task [dreg:s9], $0x5FFFF  }
0xb2: {  	[dreg:$0x1] =	wrdreg $0xFFFFFFFF  }
0xb3: {  	[dreg:$0x0] =	wrdreg $0x60  }
0xb4: {  	[dreg:$0x2] =	wrdreg s24  }
0xb5: {  	[dreg:$0x3] =	wrdreg s15  }
0xb6: {  	[dreg:$0x4] =	wrdreg s16  }
0xb7: {  	[dreg:$0x5] =	wrdreg s17  }
0xb8: {  	[dreg:$0x6] =	wrdreg $0x168000  }
0xb9: {  	[dreg:$0x7] =	wrdreg $0x9  }
0xba: {  	_ =	task.clear_ibuf [dreg:s9], $0x8FFFF;
	_ =	strace $0x90000046  }
0xbb: {  	s29 =	simm.s32 $0x9;
	_ =	strace $0x80000048  }
0xbc: {  	_ =	swait.ge [sflag:s29], $0x1  }
0xbd: {  	[sflag:s29] =	ssyncadd.s32 $0xFFFFFFFF  }
0xbe: {  	_ =	strace $0x90000048  }
0xbf: {  	_ =	sfence  }
0xc0: {  	s30 =	sld [smem:$0x0];
	_ =	sdelay $0x2  }
0xc1: {  	s31 =	sshll.u32 s1, $0xD;
	s1 =	sshrl.u32 s1, $0x2  }
0xc2: {  	s3 =	sand.u32 $0x4000, s31;
	s1 =	sadd.s32 s1, s30  }
0xc3: {  	s0 =	sor.u32 s3, s0;
	s1 =	sshll.u32 s1, $0x11  }
0xc4: {  	s0 =	sor.u32 s1, s0  }
0xc5: {  	s0 =	sadd.s32 $0x8F2B, s0  }
0xc6: {  	[sflag:s0] =	ssyncadd.remote.s32 $0x1  }
0xc7: {  	_ =	sfence.sel $0xFFFF  }
0xc8: {  	[dreg:$0x0] =	wrdreg $0xFFFFFFFF;
	(pc) =	sbr.abs _section_cstart, $3  }
0xc9: {  	[dreg:$0x1] =	wrdreg $0xFFFFFFFF  }
0xca: {  	_ =	task.clear_ibuf [dreg:s9], $0x2FFFF;
	_ =	strace $0x9FFFFFFF  }
0xcb: {  	(tm) =	ssettm $0x7FFFFFFF  }
tec
execute0_lowered:
.L_overlay_start_1:
0x0: {  	(tag) =	ssettag $0x1  }
0x1: {  	s1 =	rddreg [dreg:$0x0]  }
0x2: {  	s0 =	rddreg [dreg:$0x1]  }
0x3: {  	s2 =	rddreg [dreg:$0x3];
	s3 =	srdreg.scid  }
0x4: {  	s5 =	stileid.u32;
	s4 =	rddreg [dreg:$0x4];
	s8 =	simm.s32 $0x0  }
0x5: {  	s18 =	simm.s32 $0x180;
	s20 =	simm.s32 $0xC800;
	s19 =	simm.s32 $0xBF00  }
0x6: {  	s15 =	simm.s32 $0xC200;
	s14 =	simm.s32 $0x16200;
	s21 =	simm.s32 $0xC500  }
0x7: {  	s28 =	simm.s32 $0xC680;
	s22 =	simm.s32 $0x16600;
	s29 =	simm.s32 $0x1  }
0x8: {  	s16 =	simm.s32 $0x0;
	s17 =	simm.s32 $0x0;
	s3 =	sand.u32 $0x1, s3  }
0x9: {  	s7 =	sshll.u32 s5, $0x1;
	[smem:$0x7FF] =	sst s8;
	s1 =	sadd.s32 $0x800, s1  }
0xa: {  	p0 =	sne.s32 s5, $0x0;
	s5 =	simm.s32 $0x16400;
	s6 =	sor.u32 s3, s7  }
0xb: {  	_ =	strace $0x80000047;
	s3 =	ssub.s32 $0x2, s3;
	[dreg:$0x6] =	wrdreg s1  }
0xc: {  	s11 =	ssub.s32 $0x4E2, s7;
	s13 =	ssub.s32 $0x4C2, s7;
	s25 =	smul.u32 $0x2800, s6  }
0xd: {  	s7 =	simm.s32 $0x15C00;
	s9 =	sshrl.u32 s3, $0x1;
	s10 =	smul.u32 $0x500, s6  }
0xe: {  	s12 =	sor.u32 $0x40, s6;
	s26 =	ssub.s32 s3, s9;
	s9 =	simm.s32 $0x16000  }
.Ltmp0:
0xf: {  	s8 =	sshrl.u32 s25, $0x3;
	s31 =	sadd.s32 s0, s10;
	(pc) =	sbr.rel .LBB2_1-.Ltmp0, $4  }
0x10: {  	s10 =	ssub.s32 $0x4E2, s6;
	s1 =	smax.u32 s26, $0x1;
	[dreg:$0x7] =	wrdreg s31  }
0x11: {  	s30 =	sadd.s32 s0, s8;
	[dreg:$0x9] =	wrdreg s1;
	s1 =	sshrl.u32 @!p0 s4, $0x3  }
0x12: {  	s25 =	simm.s32 $0xC080;
	s3 =	sadd.s32 $0xA000, s30;
	[dreg:$0xa] =	wrdreg s1  }
0x13: {  	s26 =	simm.s32 $0xC380;
	s8 =	simm.s32 $0x15E00;
	[dreg:$0x8] =	wrdreg s3  }
.LBB2_17:
0x14: {  	s1 =	simm.s32 @!p0 $0x2  }
0x15: {  	_ =	swait.ge @!p0 [sflag:s1], $0x5000  }
0x16: {  	s16 =	rddreg [dreg:$0xb]  }
0x17: {  	s3 =	rddreg [dreg:$0x9];
	s16 =	sadd.s32 $0x1, s16  }
0x18: {  	p1 =	sne.s32 s16, s3  }
.Ltmp1:
0x19: {  	_ = 	snop;
	(pc) =	sbr.rel @!p1 .LBB2_18-.Ltmp1, $3  }
0x1a: {  	_ =	sdelay $0x1  }
0x1b: {  	[sflag:s1] =	ssyncset.done @!p0 $0x0  }
0x1c: {  	[sflag:s1] =	ssyncadd.s32 @!p0 $0xFFFFB000  }
.LBB2_1:
0x1d: {  	[dreg:$0xb] =	wrdreg s16  }
0x1e: {  	s3 =	rddreg [dreg:$0x6]  }
0x1f: {  	s1 =	simm.s32 @!p0 $0x1C04;
	s16 =	rddreg [dreg:$0xa]  }
0x20: {  	[spmem:s16], [sflag:s1] =	dma.local @!p0 [hbm:s3], $0x9280  }
0x21: {  	s1 =	simm.s32 @!p0 $0x4  }
0x22: {  	_ =	swait.ge @!p0 [sflag:s1], $0x9280  }
0x23: {  	[sflag:s1] =	ssyncset.done @!p0 $0x0  }
0x24: {  	[sflag:s1] =	ssyncadd.s32 @!p0 $0xFFFF6D80  }
0x25: {  	[bflag:$0x0] =	sbarrier.arrive $0xFFFF  }
0x26: {  	s31 =	simm.s32 $0x0;
	s23 =	simm.s32 $0x3;
	s16 =	rddreg [dreg:$0x7]  }
0x27: {  	[tilespmem:s31], [sflag:$0x3] =	stream.linear.gather [hbm4b:s16+s31], $0x2800, $0x38;
	[tilespmem:$0x1B140] =	vst v63  }
0x28: {  	_ =	swait.ge [sflag:s23], $0x2800  }
0x29: {  	[sflag:s23] =	ssyncset.done $0x0  }
0x2a: {  	s30 =	simm.s32 $0x2800;
	s24 =	rddreg [dreg:$0x8];
	[sflag:s23] =	ssyncadd.s32 $0xFFFFD800  }
0x2b: {  	[tilespmem:s30], [sflag:$0x3] =	stream.linear.gather [hbm4b:s24+s31], $0x2800, $0x38;
	[tilespmem:$0x1B140] =	vst v63  }
0x2c: {  	s31 =	simm.s32 $0x0  }
0x2d: {  	v0 =	vld [tilespmem:s31+$0x0];
	_ =	sdelay $0x4  }
0x2e: {  	v0 =	vmul.u32 $0x3, v0  }
0x2f: {  	s1 =	simm.s32 $0x50C0  }
0x30: {  	[tilespmem:s1+$0xFFFFFF40] =	vst v0;
	v1 =	vadd.s32 $0x1, v0  }
0x31: {  	v0 =	vadd.s32 $0x2, v0;
	[tilespmem:s1+$0xFFFFFFC0] =	vst v1  }
0x32: {  	[tilespmem:s1+$0x40] =	vst v0  }
0x33: {  	v0 =	vld [tilespmem:s31+$0x10];
	_ =	sdelay $0x4  }
0x34: {  	v0 =	vmul.u32 $0x3, v0;
	_ =	sdelay $0x1  }
0x35: {  	[tilespmem:s1+$0xFFFFFF50] =	vst v0;
	v1 =	vadd.s32 $0x1, v0  }
0x36: {  	v0 =	vadd.s32 $0x2, v0;
	[tilespmem:s1+$0xFFFFFFD0] =	vst v1  }
0x37: {  	[tilespmem:s1+$0x50] =	vst v0  }
0x38: {  	v0 =	vld [tilespmem:s31+$0x20];
	_ =	sdelay $0x4  }
0x39: {  	v0 =	vmul.u32 $0x3, v0;
	_ =	sdelay $0x1  }
0x3a: {  	[tilespmem:s1+$0xFFFFFF60] =	vst v0;
	v1 =	vadd.s32 $0x1, v0  }
0x3b: {  	v0 =	vadd.s32 $0x2, v0;
	[tilespmem:s1+$0xFFFFFFE0] =	vst v1  }
0x3c: {  	[tilespmem:s1+$0x60] =	vst v0  }
0x3d: {  	v0 =	vld [tilespmem:s31+$0x30];
	_ =	sdelay $0x4  }
0x3e: {  	v0 =	vmul.u32 $0x3, v0;
	_ =	sdelay $0x1  }
0x3f: {  	[tilespmem:s1+$0xFFFFFF70] =	vst v0;
	v1 =	vadd.s32 $0x1, v0  }
0x40: {  	v0 =	vadd.s32 $0x2, v0;
	[tilespmem:s1+$0xFFFFFFF0] =	vst v1  }
0x41: {  	[tilespmem:s1+$0x70] =	vst v0  }
0x42: {  	v0 =	vld [tilespmem:s31+$0x40];
	_ =	sdelay $0x4  }
0x43: {  	v0 =	vmul.u32 $0x3, v0;
	_ =	sdelay $0x1  }
0x44: {  	[tilespmem:s1+$0xFFFFFF80] =	vst v0;
	v1 =	vadd.s32 $0x1, v0  }
0x45: {  	v0 =	vadd.s32 $0x2, v0;
	[tilespmem:s1+$0x0] =	vst v1  }
0x46: {  	[tilespmem:s1+$0x80] =	vst v0  }
0x47: {  	v0 =	vld [tilespmem:s31+$0x50];
	_ =	sdelay $0x4  }
0x48: {  	v0 =	vmul.u32 $0x3, v0;
	_ =	sdelay $0x1  }
0x49: {  	[tilespmem:s1+$0xFFFFFF90] =	vst v0;
	v1 =	vadd.s32 $0x1, v0  }
0x4a: {  	v0 =	vadd.s32 $0x2, v0;
	[tilespmem:s1+$0x10] =	vst v1  }
0x4b: {  	[tilespmem:s1+$0x90] =	vst v0  }
0x4c: {  	v0 =	vld [tilespmem:s31+$0x60];
	_ =	sdelay $0x4  }
0x4d: {  	v0 =	vmul.u32 $0x3, v0;
	_ =	sdelay $0x1  }
0x4e: {  	[tilespmem:s1+$0xFFFFFFA0] =	vst v0;
	v1 =	vadd.s32 $0x1, v0  }
0x4f: {  	v0 =	vadd.s32 $0x2, v0;
	[tilespmem:s1+$0x20] =	vst v1  }
0x50: {  	[tilespmem:s1+$0xA0] =	vst v0  }
0x51: {  	s3 =	simm.s32 $0x50C0;
	s16 =	simm.s32 $0x400;
	v0 =	vld [tilespmem:s31+$0x70]  }
.LBB2_2:
0x52: {  	p1 =	sne.s32 s16, $0x9C00  }
0x53: {  	s1 =	sadd.s32 $0x180, s1;
	s23 =	smov.u32 s16;
	s16 =	sadd.s32 $0x400, s16  }
0x54: {  	_ =	sdelay $0x2  }
0x55: {  	v0 =	vmul.u32 $0x3, v0;
	_ =	sdelay $0x1  }
0x56: {  	[tilespmem:s3+$0xFFFFFFB0] =	vst v0;
	v1 =	vadd.s32 $0x1, v0;
	v0 =	vadd.s32 $0x2, v0  }
0x57: {  	[tilespmem:s3+$0x30] =	vst v1  }
0x58: {  	s23 =	sshra.s32 s23, $0x2;
	[tilespmem:s3+$0xB0] =	vst v0;
	s3 =	smov.u32 s1  }
0x59: {  	v0 =	vld [tilespmem:s23+$0x0];
	_ =	sdelay $0x4  }
0x5a: {  	v0 =	vmul.u32 $0x3, v0;
	_ =	sdelay $0x1  }
0x5b: {  	[tilespmem:s1+$0xFFFFFF40] =	vst v0;
	v1 =	vadd.s32 $0x1, v0;
	v0 =	vadd.s32 $0x2, v0  }
0x5c: {  	[tilespmem:s1+$0xFFFFFFC0] =	vst v1  }
0x5d: {  	[tilespmem:s1+$0x40] =	vst v0  }
0x5e: {  	v0 =	vld [tilespmem:s23+$0x10];
	_ =	sdelay $0x4  }
0x5f: {  	v0 =	vmul.u32 $0x3, v0;
	_ =	sdelay $0x1  }
0x60: {  	[tilespmem:s1+$0xFFFFFF50] =	vst v0;
	v1 =	vadd.s32 $0x1, v0;
	v0 =	vadd.s32 $0x2, v0  }
0x61: {  	[tilespmem:s1+$0xFFFFFFD0] =	vst v1  }
0x62: {  	[tilespmem:s1+$0x50] =	vst v0  }
0x63: {  	v0 =	vld [tilespmem:s23+$0x20];
	_ =	sdelay $0x4  }
0x64: {  	v0 =	vmul.u32 $0x3, v0;
	_ =	sdelay $0x1  }
0x65: {  	[tilespmem:s1+$0xFFFFFF60] =	vst v0;
	v1 =	vadd.s32 $0x1, v0;
	v0 =	vadd.s32 $0x2, v0  }
0x66: {  	[tilespmem:s1+$0xFFFFFFE0] =	vst v1  }
0x67: {  	[tilespmem:s1+$0x60] =	vst v0  }
0x68: {  	v0 =	vld [tilespmem:s23+$0x30];
	_ =	sdelay $0x4  }
0x69: {  	v0 =	vmul.u32 $0x3, v0;
	_ =	sdelay $0x1  }
0x6a: {  	[tilespmem:s1+$0xFFFFFF70] =	vst v0;
	v1 =	vadd.s32 $0x1, v0;
	v0 =	vadd.s32 $0x2, v0  }
0x6b: {  	[tilespmem:s1+$0xFFFFFFF0] =	vst v1  }
0x6c: {  	[tilespmem:s1+$0x70] =	vst v0  }
0x6d: {  	v0 =	vld [tilespmem:s23+$0x40];
	_ =	sdelay $0x4  }
0x6e: {  	v0 =	vmul.u32 $0x3, v0;
	_ =	sdelay $0x1  }
0x6f: {  	[tilespmem:s1+$0xFFFFFF80] =	vst v0;
	v1 =	vadd.s32 $0x1, v0;
	v0 =	vadd.s32 $0x2, v0  }
0x70: {  	[tilespmem:s1+$0x0] =	vst v1  }
0x71: {  	[tilespmem:s1+$0x80] =	vst v0  }
0x72: {  	v0 =	vld [tilespmem:s23+$0x50];
	_ =	sdelay $0x4  }
0x73: {  	v0 =	vmul.u32 $0x3, v0;
	_ =	sdelay $0x1  }
0x74: {  	[tilespmem:s1+$0xFFFFFF90] =	vst v0;
	v1 =	vadd.s32 $0x1, v0;
	v0 =	vadd.s32 $0x2, v0  }
0x75: {  	[tilespmem:s1+$0x10] =	vst v1  }
0x76: {  	[tilespmem:s1+$0x90] =	vst v0  }
0x77: {  	v0 =	vld [tilespmem:s23+$0x60];
	_ =	sdelay $0x4  }
0x78: {  	v0 =	vmul.u32 $0x3, v0  }
.Ltmp2:
0x79: {  	(pc) =	sbr.rel @p1 .LBB2_2-.Ltmp2, $4  }
0x7a: {  	[tilespmem:s1+$0xFFFFFFA0] =	vst v0;
	v1 =	vadd.s32 $0x1, v0;
	v0 =	vadd.s32 $0x2, v0  }
0x7b: {  	[tilespmem:s1+$0x20] =	vst v1  }
0x7c: {  	[tilespmem:s1+$0xA0] =	vst v0  }
0x7d: {  	v0 =	vld [tilespmem:s23+$0x70]  }
0x7e: {  	_ =	sdelay $0x3  }
0x7f: {  	v0 =	vmul.u32 $0x3, v0;
	_ =	sdelay $0x1  }
0x80: {  	[tilespmem:s3+$0xFFFFFFB0] =	vst v0;
	v1 =	vadd.s32 $0x1, v0  }
0x81: {  	v0 =	vadd.s32 $0x2, v0;
	[tilespmem:s3+$0x30] =	vst v1  }
0x82: {  	s1 =	simm.s32 $0x5000;
	[tilespmem:s3+$0xB0] =	vst v0  }
0x83: {  	[tilespmem:s20], [sflag:$0x1] =	stream.indirect.gather [spmem:s4], $0x1, s1, s18, $0xb8;
	[tilespmem:$0x1B140] =	vst v63  }
0x84: {  	s16 =	simm.s32 $0xCA00;
	s3 =	simm.s32 $0x5180  }
0x85: {  	[tilespmem:s16], [sflag:$0x1] =	stream.indirect.gather [spmem:s4], $0x1, s3, s18, $0xb8;
	[tilespmem:$0x1B140] =	vst v63  }
0x86: {  	s23 =	simm.s32 $0x5300;
	s24 =	simm.s32 $0xCC00  }
0x87: {  	[tilespmem:s24], [sflag:$0x1] =	stream.indirect.gather [spmem:s4], $0x1, s23, s18, $0xb8;
	[tilespmem:$0x1B140] =	vst v63  }
0x88: {  	s30 =	simm.s32 $0x5480;
	s31 =	simm.s32 $0xCE00  }
0x89: {  	[tilespmem:s31], [sflag:$0x1] =	stream.indirect.gather [spmem:s4], $0x1, s30, s18, $0xb8;
	[tilespmem:$0x1B140] =	vst v63  }
0x8a: {  	s3 =	simm.s32 $0x5600;
	s16 =	simm.s32 $0xD000  }
0x8b: {  	[tilespmem:s16], [sflag:$0x1] =	stream.indirect.gather [spmem:s4], $0x1, s3, s18, $0xb8;
	[tilespmem:$0x1B140] =	vst v63  }
0x8c: {  	s23 =	simm.s32 $0x5780;
	s24 =	simm.s32 $0xD200  }
0x8d: {  	[tilespmem:s24], [sflag:$0x1] =	stream.indirect.gather [spmem:s4], $0x1, s23, s18, $0xb8;
	[tilespmem:$0x1B140] =	vst v63  }
0x8e: {  	s30 =	simm.s32 $0x5900;
	s31 =	simm.s32 $0xD400  }
0x8f: {  	[tilespmem:s31], [sflag:$0x1] =	stream.indirect.gather [spmem:s4], $0x1, s30, s18, $0xb8;
	[tilespmem:$0x1B140] =	vst v63  }
0x90: {  	s3 =	simm.s32 $0x5A80;
	s16 =	simm.s32 $0xD600  }
0x91: {  	[tilespmem:s16], [sflag:$0x1] =	stream.indirect.gather [spmem:s4], $0x1, s3, s18, $0xb8;
	[tilespmem:$0x1B140] =	vst v63  }
0x92: {  	s23 =	simm.s32 $0x5C00;
	s24 =	simm.s32 $0xD800  }
0x93: {  	[tilespmem:s24], [sflag:$0x1] =	stream.indirect.gather [spmem:s4], $0x1, s23, s18, $0xb8;
	[tilespmem:$0x1B140] =	vst v63  }
0x94: {  	s30 =	simm.s32 $0x5D80;
	s31 =	simm.s32 $0xDA00  }
0x95: {  	[tilespmem:s31], [sflag:$0x1] =	stream.indirect.gather [spmem:s4], $0x1, s30, s18, $0xb8;
	[tilespmem:$0x1B140] =	vst v63  }
0x96: {  	s3 =	simm.s32 $0x5F00;
	s16 =	simm.s32 $0xDC00  }
0x97: {  	[tilespmem:s16], [sflag:$0x1] =	stream.indirect.gather [spmem:s4], $0x1, s3, s18, $0xb8;
	[tilespmem:$0x1B140] =	vst v63  }
0x98: {  	s23 =	simm.s32 $0x6080;
	s24 =	simm.s32 $0xDE00  }
0x99: {  	[tilespmem:s24], [sflag:$0x1] =	stream.indirect.gather [spmem:s4], $0x1, s23, s18, $0xb8;
	[tilespmem:$0x1B140] =	vst v63  }
0x9a: {  	s30 =	simm.s32 $0x6200;
	s31 =	simm.s32 $0xE000  }
0x9b: {  	[tilespmem:s31], [sflag:$0x1] =	stream.indirect.gather [spmem:s4], $0x1, s30, s18, $0xb8;
	[tilespmem:$0x1B140] =	vst v63  }
0x9c: {  	s3 =	simm.s32 $0x6380;
	s16 =	simm.s32 $0xE200  }
0x9d: {  	[tilespmem:s16], [sflag:$0x1] =	stream.indirect.gather [spmem:s4], $0x1, s3, s18, $0xb8;
	[tilespmem:$0x1B140] =	vst v63  }
0x9e: {  	s23 =	simm.s32 $0x6500;
	s24 =	simm.s32 $0xE400  }
0x9f: {  	[tilespmem:s24], [sflag:$0x1] =	stream.indirect.gather [spmem:s4], $0x1, s23, s18, $0xb8;
	[tilespmem:$0x1B140] =	vst v63  }
0xa0: {  	s30 =	simm.s32 $0x6680;
	s31 =	simm.s32 $0xE600  }
0xa1: {  	[tilespmem:s31], [sflag:$0x1] =	stream.indirect.gather [spmem:s4], $0x1, s30, s18, $0xb8;
	[tilespmem:$0x1B140] =	vst v63  }
0xa2: {  	s3 =	simm.s32 $0x6800;
	s16 =	simm.s32 $0xE800  }
0xa3: {  	[tilespmem:s16], [sflag:$0x1] =	stream.indirect.gather [spmem:s4], $0x1, s3, s18, $0xb8;
	[tilespmem:$0x1B140] =	vst v63  }
0xa4: {  	s23 =	simm.s32 $0x6980;
	s24 =	simm.s32 $0xEA00  }
0xa5: {  	[tilespmem:s24], [sflag:$0x1] =	stream.indirect.gather [spmem:s4], $0x1, s23, s18, $0xb8;
	[tilespmem:$0x1B140] =	vst v63  }
0xa6: {  	s30 =	simm.s32 $0x6B00;
	s31 =	simm.s32 $0xEC00  }
0xa7: {  	[tilespmem:s31], [sflag:$0x1] =	stream.indirect.gather [spmem:s4], $0x1, s30, s18, $0xb8;
	[tilespmem:$0x1B140] =	vst v63  }
0xa8: {  	s3 =	simm.s32 $0x6C80;
	s16 =	simm.s32 $0xEE00  }
0xa9: {  	[tilespmem:s16], [sflag:$0x1] =	stream.indirect.gather [spmem:s4], $0x1, s3, s18, $0xb8;
	[tilespmem:$0x1B140] =	vst v63  }
0xaa: {  	s23 =	simm.s32 $0x6E00;
	s24 =	simm.s32 $0xF000  }
0xab: {  	[tilespmem:s24], [sflag:$0x1] =	stream.indirect.gather [spmem:s4], $0x1, s23, s18, $0xb8;
	[tilespmem:$0x1B140] =	vst v63  }
0xac: {  	s30 =	simm.s32 $0x6F80;
	s31 =	simm.s32 $0xF200  }
0xad: {  	[tilespmem:s31], [sflag:$0x1] =	stream.indirect.gather [spmem:s4], $0x1, s30, s18, $0xb8;
	[tilespmem:$0x1B140] =	vst v63  }
0xae: {  	s3 =	simm.s32 $0x7100;
	s16 =	simm.s32 $0xF400  }
0xaf: {  	[tilespmem:s16], [sflag:$0x1] =	stream.indirect.gather [spmem:s4], $0x1, s3, s18, $0xb8;
	[tilespmem:$0x1B140] =	vst v63  }
0xb0: {  	s23 =	simm.s32 $0x7280;
	s24 =	simm.s32 $0xF600  }
0xb1: {  	[tilespmem:s24], [sflag:$0x1] =	stream.indirect.gather [spmem:s4], $0x1, s23, s18, $0xb8;
	[tilespmem:$0x1B140] =	vst v63  }
0xb2: {  	s30 =	simm.s32 $0x7400;
	s31 =	simm.s32 $0xF800  }
0xb3: {  	[tilespmem:s31], [sflag:$0x1] =	stream.indirect.gather [spmem:s4], $0x1, s30, s18, $0xb8;
	[tilespmem:$0x1B140] =	vst v63  }
0xb4: {  	s3 =	simm.s32 $0x7580;
	s16 =	simm.s32 $0xFA00  }
0xb5: {  	[tilespmem:s16], [sflag:$0x1] =	stream.indirect.gather [spmem:s4], $0x1, s3, s18, $0xb8;
	[tilespmem:$0x1B140] =	vst v63  }
0xb6: {  	s23 =	simm.s32 $0x7700;
	s24 =	simm.s32 $0xFC00  }
0xb7: {  	[tilespmem:s24], [sflag:$0x1] =	stream.indirect.gather [spmem:s4], $0x1, s23, s18, $0xb8;
	[tilespmem:$0x1B140] =	vst v63  }
0xb8: {  	s30 =	simm.s32 $0x7880;
	s31 =	simm.s32 $0xFE00  }
0xb9: {  	[tilespmem:s31], [sflag:$0x1] =	stream.indirect.gather [spmem:s4], $0x1, s30, s18, $0xb8;
	[tilespmem:$0x1B140] =	vst v63  }
0xba: {  	s3 =	simm.s32 $0x7A00;
	s16 =	simm.s32 $0x10000  }
0xbb: {  	[tilespmem:s16], [sflag:$0x1] =	stream.indirect.gather [spmem:s4], $0x1, s3, s18, $0xb8;
	[tilespmem:$0x1B140] =	vst v63  }
0xbc: {  	s23 =	simm.s32 $0x7B80;
	s24 =	simm.s32 $0x10200  }
0xbd: {  	[tilespmem:s24], [sflag:$0x1] =	stream.indirect.gather [spmem:s4], $0x1, s23, s18, $0xb8;
	[tilespmem:$0x1B140] =	vst v63  }
0xbe: {  	s30 =	simm.s32 $0x7D00;
	s31 =	simm.s32 $0x10400  }
0xbf: {  	[tilespmem:s31], [sflag:$0x1] =	stream.indirect.gather [spmem:s4], $0x1, s30, s18, $0xb8;
	[tilespmem:$0x1B140] =	vst v63  }
0xc0: {  	s3 =	simm.s32 $0x7E80;
	s16 =	simm.s32 $0x10600  }
0xc1: {  	[tilespmem:s16], [sflag:$0x1] =	stream.indirect.gather [spmem:s4], $0x1, s3, s18, $0xb8;
	[tilespmem:$0x1B140] =	vst v63  }
0xc2: {  	s23 =	simm.s32 $0x8000;
	s24 =	simm.s32 $0x10800  }
0xc3: {  	[tilespmem:s24], [sflag:$0x1] =	stream.indirect.gather [spmem:s4], $0x1, s23, s18, $0xb8;
	[tilespmem:$0x1B140] =	vst v63  }
0xc4: {  	s30 =	simm.s32 $0x8180;
	s31 =	simm.s32 $0x10A00  }
0xc5: {  	[tilespmem:s31], [sflag:$0x1] =	stream.indirect.gather [spmem:s4], $0x1, s30, s18, $0xb8;
	[tilespmem:$0x1B140] =	vst v63  }
0xc6: {  	s3 =	simm.s32 $0x8300;
	s16 =	simm.s32 $0x10C00  }
0xc7: {  	[tilespmem:s16], [sflag:$0x1] =	stream.indirect.gather [spmem:s4], $0x1, s3, s18, $0xb8;
	[tilespmem:$0x1B140] =	vst v63  }
0xc8: {  	s23 =	simm.s32 $0x8480;
	s24 =	simm.s32 $0x10E00  }
0xc9: {  	[tilespmem:s24], [sflag:$0x1] =	stream.indirect.gather [spmem:s4], $0x1, s23, s18, $0xb8;
	[tilespmem:$0x1B140] =	vst v63  }
0xca: {  	s30 =	simm.s32 $0x8600;
	s31 =	simm.s32 $0x11000  }
0xcb: {  	[tilespmem:s31], [sflag:$0x1] =	stream.indirect.gather [spmem:s4], $0x1, s30, s18, $0xb8;
	[tilespmem:$0x1B140] =	vst v63  }
0xcc: {  	s3 =	simm.s32 $0x8780;
	s16 =	simm.s32 $0x11200  }
0xcd: {  	[tilespmem:s16], [sflag:$0x1] =	stream.indirect.gather [spmem:s4], $0x1, s3, s18, $0xb8;
	[tilespmem:$0x1B140] =	vst v63  }
.Ltmp3:
0xce: {  	_ = 	snop;
	(pc) =	sbr.rel .LBB2_4-.Ltmp3, $4  }
0xcf: {  	s23 =	simm.s32 $0x8900;
	s24 =	simm.s32 $0x11400  }
0xd0: {  	[tilespmem:s24], [sflag:$0x1] =	stream.indirect.gather [spmem:s4], $0x1, s23, s18, $0xb8;
	[tilespmem:$0x1B140] =	vst v63  }
0xd1: {  	s30 =	simm.s32 $0x8A80;
	s31 =	simm.s32 $0x11600;
	s23 =	simm.s32 $0x0  }
0xd2: {  	[tilespmem:s31], [sflag:$0x1] =	stream.indirect.gather [spmem:s4], $0x1, s30, s18, $0xb8;
	[tilespmem:$0x1B140] =	vst v63  }
.LBB2_16:
0xd3: {  	s3 =	simm.s32 @!p1 $0x1  }
0xd4: {  	s1 =	smul.u32 @!p1 $0xA00, s1;
	_ =	swait.ge @!p1 [sflag:s3], $0x3C00  }
0xd5: {  	s16 =	simm.s32 @!p1 $0x11800;
	[sflag:s3] =	ssyncset.done @!p1 $0x0  }
0xd6: {  	s1 =	sadd.s32 @!p1 s2, s1;
	[sflag:s3] =	ssyncadd.s32 @!p1 $0xFFFFC400;
	s3 =	simm.s32 @!p1 $0x0  }
0xd7: {  	[hbm4b:s1+s3] =	stream.linear.scatter @!p1 [tilespmem:s16], [sflag:$0x2], $0x5000, $0x38;
	[tilespmem:$0x1B140] =	vst v63  }
0xd8: {  	p1 =	sne.s32 s31, $0x28  }
.Ltmp4:
0xd9: {  	_ = 	snop;
	(pc) =	sbr.rel @!p1 .LBB2_17-.Ltmp4, $2  }
0xda: {  	_ =	sdelay $0x2  }
0xdb: {  	s23 =	smov.u32 s31  }
.LBB2_4:
0xdc: {  	s30 =	sshll.u32 s23, $0x5  }
0xdd: {  	s1 =	sor.u32 s6, s30  }
0xde: {  	p1 =	sgt.u32 s1, $0x4E1  }
.Ltmp5:
0xdf: {  	_ = 	snop;
	(pc) =	sbr.rel @p1 .LBB2_8-.Ltmp5, $1  }
0xe0: {  	_ =	sdelay $0x3  }
0xe1: {  	s3 =	sand.u32 $0x1, s23  }
0xe2: {  	p2 =	seq.s32 s3, $0x1;
	s3 =	simm.s32 $0x2880  }
0xe3: {  	s3 =	simm.s32 @!p2 $0x80  }
0xe4: {  	v0 =	vmov s3;
	_ =	sdelay $0x3  }
0xe5: {  	s16 =	simm.s32 $0x0  }
0xe6: {  	v1 =	vld.idx.msk [tilespmem:v0+s16+$0x0 ss:$0x1], $0xffff;
	_ =	sdelay $0x4  }
0xe7: {  	v1 =	vmul.u32 $0x3, v1  }
0xe8: {  	s31 =	simm.s32 $0x8CC0  }
0xe9: {  	[tilespmem:s31+$0xFFFFFF40] =	vst v1;
	v2 =	vadd.s32 $0x1, v1  }
0xea: {  	v1 =	vadd.s32 $0x2, v1;
	[tilespmem:s31+$0xFFFFFFC0] =	vst v2  }
0xeb: {  	[tilespmem:s31+$0x40] =	vst v1  }
0xec: {  	v1 =	vld.idx.msk [tilespmem:v0+s16+$0x10 ss:$0x1], $0xffff;
	_ =	sdelay $0x4  }
0xed: {  	v1 =	vmul.u32 $0x3, v1;
	_ =	sdelay $0x1  }
0xee: {  	[tilespmem:s31+$0xFFFFFF50] =	vst v1;
	v2 =	vadd.s32 $0x1, v1  }
0xef: {  	v1 =	vadd.s32 $0x2, v1;
	[tilespmem:s31+$0xFFFFFFD0] =	vst v2  }
0xf0: {  	[tilespmem:s31+$0x50] =	vst v1  }
0xf1: {  	v1 =	vld.idx.msk [tilespmem:v0+s16+$0x20 ss:$0x1], $0xffff;
	_ =	sdelay $0x4  }
0xf2: {  	v1 =	vmul.u32 $0x3, v1;
	_ =	sdelay $0x1  }
0xf3: {  	[tilespmem:s31+$0xFFFFFF60] =	vst v1;
	v2 =	vadd.s32 $0x1, v1  }
0xf4: {  	v1 =	vadd.s32 $0x2, v1;
	[tilespmem:s31+$0xFFFFFFE0] =	vst v2  }
0xf5: {  	[tilespmem:s31+$0x60] =	vst v1  }
0xf6: {  	v1 =	vld.idx.msk [tilespmem:v0+s16+$0x30 ss:$0x1], $0xffff;
	_ =	sdelay $0x4  }
0xf7: {  	v1 =	vmul.u32 $0x3, v1;
	_ =	sdelay $0x1  }
0xf8: {  	[tilespmem:s31+$0xFFFFFF70] =	vst v1;
	v2 =	vadd.s32 $0x1, v1  }
0xf9: {  	v1 =	vadd.s32 $0x2, v1;
	[tilespmem:s31+$0xFFFFFFF0] =	vst v2  }
0xfa: {  	[tilespmem:s31+$0x70] =	vst v1  }
0xfb: {  	v1 =	vld.idx.msk [tilespmem:v0+s16+$0x40 ss:$0x1], $0xffff;
	_ =	sdelay $0x4  }
0xfc: {  	v1 =	vmul.u32 $0x3, v1;
	_ =	sdelay $0x1  }
0xfd: {  	[tilespmem:s31+$0xFFFFFF80] =	vst v1;
	v2 =	vadd.s32 $0x1, v1  }
0xfe: {  	v1 =	vadd.s32 $0x2, v1;
	[tilespmem:s31+$0x0] =	vst v2  }
0xff: {  	[tilespmem:s31+$0x80] =	vst v1  }
0x100: {  	v1 =	vld.idx.msk [tilespmem:v0+s16+$0x50 ss:$0x1], $0xffff;
	_ =	sdelay $0x4  }
0x101: {  	v1 =	vmul.u32 $0x3, v1;
	_ =	sdelay $0x1  }
0x102: {  	[tilespmem:s31+$0xFFFFFF90] =	vst v1;
	v2 =	vadd.s32 $0x1, v1  }
0x103: {  	v1 =	vadd.s32 $0x2, v1;
	[tilespmem:s31+$0x10] =	vst v2  }
0x104: {  	[tilespmem:s31+$0x90] =	vst v1  }
0x105: {  	v1 =	vld.idx.msk [tilespmem:v0+s16+$0x60 ss:$0x1], $0xffff;
	_ =	sdelay $0x4  }
0x106: {  	v1 =	vmul.u32 $0x3, v1;
	_ =	sdelay $0x1  }
0x107: {  	[tilespmem:s31+$0xFFFFFFA0] =	vst v1;
	v2 =	vadd.s32 $0x1, v1  }
0x108: {  	v1 =	vadd.s32 $0x2, v1;
	[tilespmem:s31+$0x20] =	vst v2  }
0x109: {  	[tilespmem:s31+$0xA0] =	vst v1  }
0x10a: {  	s3 =	simm.s32 $0x400;
	v1 =	vld.idx.msk [tilespmem:v0+s16+$0x70 ss:$0x1], $0xffff;
	s16 =	simm.s32 $0x8CC0  }
.LBB2_6:
0x10b: {  	p2 =	sne.s32 s3, $0x9C00  }
0x10c: {  	s31 =	sadd.s32 $0x180, s31;
	s24 =	smov.u32 s3;
	s3 =	sadd.s32 $0x400, s3  }
0x10d: {  	_ =	sdelay $0x2  }
0x10e: {  	v1 =	vmul.u32 $0x3, v1;
	_ =	sdelay $0x1  }
0x10f: {  	[tilespmem:s16+$0xFFFFFFB0] =	vst v1;
	v2 =	vadd.s32 $0x1, v1;
	v1 =	vadd.s32 $0x2, v1  }
0x110: {  	[tilespmem:s16+$0x30] =	vst v2  }
0x111: {  	s24 =	sshra.s32 s24, $0x2;
	[tilespmem:s16+$0xB0] =	vst v1;
	s16 =	smov.u32 s31  }
0x112: {  	v1 =	vld.idx.msk [tilespmem:v0+s24+$0x0 ss:$0x1], $0xffff;
	_ =	sdelay $0x5  }
0x113: {  	v1 =	vmul.u32 $0x3, v1;
	_ =	sdelay $0x1  }
0x114: {  	v2 =	vadd.s32 $0x1, v1;
	[tilespmem:s31+$0xFFFFFF40] =	vst v1;
	v1 =	vadd.s32 $0x2, v1  }
0x115: {  	[tilespmem:s31+$0xFFFFFFC0] =	vst v2  }
0x116: {  	[tilespmem:s31+$0x40] =	vst v1  }
0x117: {  	v1 =	vld.idx.msk [tilespmem:v0+s24+$0x10 ss:$0x1], $0xffff;
	_ =	sdelay $0x5  }
0x118: {  	v1 =	vmul.u32 $0x3, v1;
	_ =	sdelay $0x1  }
0x119: {  	v2 =	vadd.s32 $0x1, v1;
	[tilespmem:s31+$0xFFFFFF50] =	vst v1;
	v1 =	vadd.s32 $0x2, v1  }
0x11a: {  	[tilespmem:s31+$0xFFFFFFD0] =	vst v2  }
0x11b: {  	[tilespmem:s31+$0x50] =	vst v1  }
0x11c: {  	v1 =	vld.idx.msk [tilespmem:v0+s24+$0x20 ss:$0x1], $0xffff;
	_ =	sdelay $0x5  }
0x11d: {  	v1 =	vmul.u32 $0x3, v1;
	_ =	sdelay $0x1  }
0x11e: {  	v2 =	vadd.s32 $0x1, v1;
	[tilespmem:s31+$0xFFFFFF60] =	vst v1;
	v1 =	vadd.s32 $0x2, v1  }
0x11f: {  	[tilespmem:s31+$0xFFFFFFE0] =	vst v2  }
0x120: {  	[tilespmem:s31+$0x60] =	vst v1  }
0x121: {  	v1 =	vld.idx.msk [tilespmem:v0+s24+$0x30 ss:$0x1], $0xffff;
	_ =	sdelay $0x5  }
0x122: {  	v1 =	vmul.u32 $0x3, v1;
	_ =	sdelay $0x1  }
0x123: {  	v2 =	vadd.s32 $0x1, v1;
	[tilespmem:s31+$0xFFFFFF70] =	vst v1;
	v1 =	vadd.s32 $0x2, v1  }
0x124: {  	[tilespmem:s31+$0xFFFFFFF0] =	vst v2  }
0x125: {  	[tilespmem:s31+$0x70] =	vst v1  }
0x126: {  	v1 =	vld.idx.msk [tilespmem:v0+s24+$0x40 ss:$0x1], $0xffff;
	_ =	sdelay $0x5  }
0x127: {  	v1 =	vmul.u32 $0x3, v1;
	_ =	sdelay $0x1  }
0x128: {  	v2 =	vadd.s32 $0x1, v1;
	[tilespmem:s31+$0xFFFFFF80] =	vst v1;
	v1 =	vadd.s32 $0x2, v1  }
0x129: {  	[tilespmem:s31+$0x0] =	vst v2  }
0x12a: {  	[tilespmem:s31+$0x80] =	vst v1  }
0x12b: {  	v1 =	vld.idx.msk [tilespmem:v0+s24+$0x50 ss:$0x1], $0xffff;
	_ =	sdelay $0x5  }
0x12c: {  	v1 =	vmul.u32 $0x3, v1;
	_ =	sdelay $0x1  }
0x12d: {  	v2 =	vadd.s32 $0x1, v1;
	[tilespmem:s31+$0xFFFFFF90] =	vst v1;
	v1 =	vadd.s32 $0x2, v1  }
0x12e: {  	[tilespmem:s31+$0x10] =	vst v2  }
0x12f: {  	[tilespmem:s31+$0x90] =	vst v1  }
0x130: {  	v1 =	vld.idx.msk [tilespmem:v0+s24+$0x60 ss:$0x1], $0xffff;
	_ =	sdelay $0x5  }
0x131: {  	v1 =	vmul.u32 $0x3, v1  }
.Ltmp6:
0x132: {  	(pc) =	sbr.rel @p2 .LBB2_6-.Ltmp6, $4  }
0x133: {  	v2 =	vadd.s32 $0x1, v1;
	[tilespmem:s31+$0xFFFFFFA0] =	vst v1;
	v1 =	vadd.s32 $0x2, v1  }
0x134: {  	[tilespmem:s31+$0x20] =	vst v2  }
0x135: {  	[tilespmem:s31+$0xA0] =	vst v1  }
0x136: {  	v1 =	vld.idx.msk [tilespmem:v0+s24+$0x70 ss:$0x1], $0xffff  }
0x137: {  	_ =	sdelay $0x3  }
0x138: {  	v0 =	vmul.u32 $0x3, v1;
	_ =	sdelay $0x1  }
0x139: {  	[tilespmem:s16+$0xFFFFFFB0] =	vst v0;
	v1 =	vadd.s32 $0x1, v0  }
0x13a: {  	v0 =	vadd.s32 $0x2, v0;
	[tilespmem:s16+$0x30] =	vst v1  }
0x13b: {  	[tilespmem:s16+$0xB0] =	vst v0  }
.LBB2_8:
0x13c: {  	s3 =	sshll.u32 s23, $0x1  }
0x13d: {  	s3 =	sadd.s32 $0xFFFFFFFF, s3  }
0x13e: {  	s16 =	sshrl.u32 s3, $0x1F  }
0x13f: {  	s16 =	sadd.s32 s16, s3  }
0x140: {  	s3 =	sshra.s32 s3, $0x1F;
	s16 =	sshrl.u32 s16, $0x1  }
0x141: {  	s3 =	sadd.s32 s3, s16  }
0x142: {  	p2 =	seq.s32 s23, $0x0;
	s3 =	sshll.u32 s3, $0x5  }
0x143: {  	p3 =	sge.s32 @!p2 s3, s10  }
.Ltmp7:
0x144: {  	p2 =	por p3, p2;
	(pc) =	sbr.rel @p1 .LBB2_10-.Ltmp7, $4  }
0x145: {  	s3 =	simm.s32 @!p2 $0x2  }
0x146: {  	_ =	swait.ge @!p2 [sflag:s3], $0x5000  }
0x147: {  	[sflag:s3] =	ssyncset.done @!p2 $0x0  }
0x148: {  	[sflag:s3] =	ssyncadd.s32 @!p2 $0xFFFFB000  }
0x149: {  	s3 =	simm.s32 $0x8C00;
	s16 =	simm.s32 $0x11800  }
0x14a: {  	[tilespmem:s16], [sflag:$0x1] =	stream.indirect.gather [spmem:s4], $0x1, s3, s18, $0xb8;
	[tilespmem:$0x1B140] =	vst v63  }
0x14b: {  	s24 =	simm.s32 $0x8D80;
	s31 =	simm.s32 $0x11A00  }
0x14c: {  	[tilespmem:s31], [sflag:$0x1] =	stream.indirect.gather [spmem:s4], $0x1, s24, s18, $0xb8;
	[tilespmem:$0x1B140] =	vst v63  }
0x14d: {  	s24 =	simm.s32 $0x8F00;
	s31 =	simm.s32 $0x11C00  }
0x14e: {  	[tilespmem:s31], [sflag:$0x1] =	stream.indirect.gather [spmem:s4], $0x1, s24, s18, $0xb8;
	[tilespmem:$0x1B140] =	vst v63  }
0x14f: {  	s24 =	simm.s32 $0x9080;
	s31 =	simm.s32 $0x11E00  }
0x150: {  	[tilespmem:s31], [sflag:$0x1] =	stream.indirect.gather [spmem:s4], $0x1, s24, s18, $0xb8;
	[tilespmem:$0x1B140] =	vst v63  }
0x151: {  	s24 =	simm.s32 $0x9200;
	s31 =	simm.s32 $0x12000  }
0x152: {  	[tilespmem:s31], [sflag:$0x1] =	stream.indirect.gather [spmem:s4], $0x1, s24, s18, $0xb8;
	[tilespmem:$0x1B140] =	vst v63  }
0x153: {  	s24 =	simm.s32 $0x9380;
	s31 =	simm.s32 $0x12200  }
0x154: {  	[tilespmem:s31], [sflag:$0x1] =	stream.indirect.gather [spmem:s4], $0x1, s24, s18, $0xb8;
	[tilespmem:$0x1B140] =	vst v63  }
0x155: {  	s24 =	simm.s32 $0x9500;
	s31 =	simm.s32 $0x12400  }
0x156: {  	[tilespmem:s31], [sflag:$0x1] =	stream.indirect.gather [spmem:s4], $0x1, s24, s18, $0xb8;
	[tilespmem:$0x1B140] =	vst v63  }
0x157: {  	s24 =	simm.s32 $0x9680;
	s31 =	simm.s32 $0x12600  }
0x158: {  	[tilespmem:s31], [sflag:$0x1] =	stream.indirect.gather [spmem:s4], $0x1, s24, s18, $0xb8;
	[tilespmem:$0x1B140] =	vst v63  }
0x159: {  	s24 =	simm.s32 $0x9800;
	s31 =	simm.s32 $0x12800  }
0x15a: {  	[tilespmem:s31], [sflag:$0x1] =	stream.indirect.gather [spmem:s4], $0x1, s24, s18, $0xb8;
	[tilespmem:$0x1B140] =	vst v63  }
0x15b: {  	s24 =	simm.s32 $0x9980;
	s31 =	simm.s32 $0x12A00  }
0x15c: {  	[tilespmem:s31], [sflag:$0x1] =	stream.indirect.gather [spmem:s4], $0x1, s24, s18, $0xb8;
	[tilespmem:$0x1B140] =	vst v63  }
0x15d: {  	s24 =	simm.s32 $0x9B00;
	s31 =	simm.s32 $0x12C00  }
0x15e: {  	[tilespmem:s31], [sflag:$0x1] =	stream.indirect.gather [spmem:s4], $0x1, s24, s18, $0xb8;
	[tilespmem:$0x1B140] =	vst v63  }
0x15f: {  	s24 =	simm.s32 $0x9C80;
	s31 =	simm.s32 $0x12E00  }
0x160: {  	[tilespmem:s31], [sflag:$0x1] =	stream.indirect.gather [spmem:s4], $0x1, s24, s18, $0xb8;
	[tilespmem:$0x1B140] =	vst v63  }
0x161: {  	s24 =	simm.s32 $0x9E00;
	s31 =	simm.s32 $0x13000  }
0x162: {  	[tilespmem:s31], [sflag:$0x1] =	stream.indirect.gather [spmem:s4], $0x1, s24, s18, $0xb8;
	[tilespmem:$0x1B140] =	vst v63  }
0x163: {  	s24 =	simm.s32 $0x9F80;
	s31 =	simm.s32 $0x13200  }
0x164: {  	[tilespmem:s31], [sflag:$0x1] =	stream.indirect.gather [spmem:s4], $0x1, s24, s18, $0xb8;
	[tilespmem:$0x1B140] =	vst v63  }
0x165: {  	s24 =	simm.s32 $0xA100;
	s31 =	simm.s32 $0x13400  }
0x166: {  	[tilespmem:s31], [sflag:$0x1] =	stream.indirect.gather [spmem:s4], $0x1, s24, s18, $0xb8;
	[tilespmem:$0x1B140] =	vst v63  }
0x167: {  	s24 =	simm.s32 $0xA280;
	s31 =	simm.s32 $0x13600  }
0x168: {  	[tilespmem:s31], [sflag:$0x1] =	stream.indirect.gather [spmem:s4], $0x1, s24, s18, $0xb8;
	[tilespmem:$0x1B140] =	vst v63  }
0x169: {  	s24 =	simm.s32 $0xA400;
	s31 =	simm.s32 $0x13800  }
0x16a: {  	[tilespmem:s31], [sflag:$0x1] =	stream.indirect.gather [spmem:s4], $0x1, s24, s18, $0xb8;
	[tilespmem:$0x1B140] =	vst v63  }
0x16b: {  	s24 =	simm.s32 $0xA580;
	s31 =	simm.s32 $0x13A00  }
0x16c: {  	[tilespmem:s31], [sflag:$0x1] =	stream.indirect.gather [spmem:s4], $0x1, s24, s18, $0xb8;
	[tilespmem:$0x1B140] =	vst v63  }
0x16d: {  	s24 =	simm.s32 $0xA700;
	s31 =	simm.s32 $0x13C00  }
0x16e: {  	[tilespmem:s31], [sflag:$0x1] =	stream.indirect.gather [spmem:s4], $0x1, s24, s18, $0xb8;
	[tilespmem:$0x1B140] =	vst v63  }
0x16f: {  	s24 =	simm.s32 $0xA880;
	s31 =	simm.s32 $0x13E00  }
0x170: {  	[tilespmem:s31], [sflag:$0x1] =	stream.indirect.gather [spmem:s4], $0x1, s24, s18, $0xb8;
	[tilespmem:$0x1B140] =	vst v63  }
0x171: {  	s24 =	simm.s32 $0xAA00;
	s31 =	simm.s32 $0x14000  }
0x172: {  	[tilespmem:s31], [sflag:$0x1] =	stream.indirect.gather [spmem:s4], $0x1, s24, s18, $0xb8;
	[tilespmem:$0x1B140] =	vst v63  }
0x173: {  	s24 =	simm.s32 $0xAB80;
	s31 =	simm.s32 $0x14200  }
0x174: {  	[tilespmem:s31], [sflag:$0x1] =	stream.indirect.gather [spmem:s4], $0x1, s24, s18, $0xb8;
	[tilespmem:$0x1B140] =	vst v63  }
0x175: {  	s24 =	simm.s32 $0xAD00;
	s31 =	simm.s32 $0x14400  }
0x176: {  	[tilespmem:s31], [sflag:$0x1] =	stream.indirect.gather [spmem:s4], $0x1, s24, s18, $0xb8;
	[tilespmem:$0x1B140] =	vst v63  }
0x177: {  	s24 =	simm.s32 $0xAE80;
	s31 =	simm.s32 $0x14600  }
0x178: {  	[tilespmem:s31], [sflag:$0x1] =	stream.indirect.gather [spmem:s4], $0x1, s24, s18, $0xb8;
	[tilespmem:$0x1B140] =	vst v63  }
0x179: {  	s24 =	simm.s32 $0xB000;
	s31 =	simm.s32 $0x14800  }
0x17a: {  	[tilespmem:s31], [sflag:$0x1] =	stream.indirect.gather [spmem:s4], $0x1, s24, s18, $0xb8;
	[tilespmem:$0x1B140] =	vst v63  }
0x17b: {  	s24 =	simm.s32 $0xB180;
	s31 =	simm.s32 $0x14A00  }
0x17c: {  	[tilespmem:s31], [sflag:$0x1] =	stream.indirect.gather [spmem:s4], $0x1, s24, s18, $0xb8;
	[tilespmem:$0x1B140] =	vst v63  }
0x17d: {  	s24 =	simm.s32 $0xB300;
	s31 =	simm.s32 $0x14C00  }
0x17e: {  	[tilespmem:s31], [sflag:$0x1] =	stream.indirect.gather [spmem:s4], $0x1, s24, s18, $0xb8;
	[tilespmem:$0x1B140] =	vst v63  }
0x17f: {  	s24 =	simm.s32 $0xB480;
	s31 =	simm.s32 $0x14E00  }
0x180: {  	[tilespmem:s31], [sflag:$0x1] =	stream.indirect.gather [spmem:s4], $0x1, s24, s18, $0xb8;
	[tilespmem:$0x1B140] =	vst v63  }
0x181: {  	s24 =	simm.s32 $0xB600;
	s31 =	simm.s32 $0x15000  }
0x182: {  	[tilespmem:s31], [sflag:$0x1] =	stream.indirect.gather [spmem:s4], $0x1, s24, s18, $0xb8;
	[tilespmem:$0x1B140] =	vst v63  }
0x183: {  	s24 =	simm.s32 $0xB780;
	s31 =	simm.s32 $0x15200  }
0x184: {  	[tilespmem:s31], [sflag:$0x1] =	stream.indirect.gather [spmem:s4], $0x1, s24, s18, $0xb8;
	[tilespmem:$0x1B140] =	vst v63  }
0x185: {  	s24 =	simm.s32 $0xB900;
	s31 =	simm.s32 $0x15400  }
0x186: {  	[tilespmem:s31], [sflag:$0x1] =	stream.indirect.gather [spmem:s4], $0x1, s24, s18, $0xb8;
	[tilespmem:$0x1B140] =	vst v63  }
0x187: {  	s24 =	simm.s32 $0xBA80;
	s31 =	simm.s32 $0x15600  }
0x188: {  	[tilespmem:s31], [sflag:$0x1] =	stream.indirect.gather [spmem:s4], $0x1, s24, s18, $0xb8;
	[tilespmem:$0x1B140] =	vst v63  }
0x189: {  	s24 =	simm.s32 $0xBC00;
	s31 =	simm.s32 $0x15800  }
0x18a: {  	[tilespmem:s31], [sflag:$0x1] =	stream.indirect.gather [spmem:s4], $0x1, s24, s18, $0xb8;
	[tilespmem:$0x1B140] =	vst v63  }
0x18b: {  	s24 =	simm.s32 $0xBD80;
	s31 =	simm.s32 $0x15A00  }
0x18c: {  	[tilespmem:s31], [sflag:$0x1] =	stream.indirect.gather [spmem:s4], $0x1, s24, s18, $0xb8;
	[tilespmem:$0x1B140] =	vst v63  }
0x18d: {  	_ = 	snop  }
0x18e: {  	[tilespmem:s7], [sflag:$0x1] =	stream.indirect.gather [spmem:s4], $0x1, s19, s18, $0xb8;
	[tilespmem:$0x1B140] =	vst v63  }
0x18f: {  	_ = 	snop  }
0x190: {  	[tilespmem:s8], [sflag:$0x1] =	stream.indirect.gather [spmem:s4], $0x1, s25, s18, $0xb8;
	[tilespmem:$0x1B140] =	vst v63  }
0x191: {  	_ = 	snop  }
0x192: {  	[tilespmem:s9], [sflag:$0x1] =	stream.indirect.gather [spmem:s4], $0x1, s15, s18, $0xb8;
	[tilespmem:$0x1B140] =	vst v63  }
0x193: {  	_ = 	snop  }
0x194: {  	[tilespmem:s14], [sflag:$0x1] =	stream.indirect.gather [spmem:s4], $0x1, s26, s18, $0xb8;
	[tilespmem:$0x1B140] =	vst v63  }
0x195: {  	_ = 	snop  }
0x196: {  	[tilespmem:s5], [sflag:$0x1] =	stream.indirect.gather [spmem:s4], $0x1, s21, s18, $0xb8;
	[tilespmem:$0x1B140] =	vst v63  }
0x197: {  	_ = 	snop  }
0x198: {  	[tilespmem:s22], [sflag:$0x1] =	stream.indirect.gather [spmem:s4], $0x1, s28, s18, $0xb8;
	[tilespmem:$0x1B140] =	vst v63  }
0x199: {  	_ =	swait.ge [sflag:s29], $0x3C00  }
0x19a: {  	[sflag:s29] =	ssyncset.done $0x0  }
0x19b: {  	s24 =	smul.u32 $0xA00, s1;
	[sflag:s29] =	ssyncadd.s32 $0xFFFFC400  }
0x19c: {  	s31 =	rddreg [dreg:$0x2]  }
0x19d: {  	s3 =	sadd.s32 s31, s24  }
0x19e: {  	[hbm4b:s3+s17] =	stream.linear.scatter [tilespmem:s20], [sflag:$0x2], $0x5000, $0x38;
	[tilespmem:$0x1B140] =	vst v63  }
.LBB2_10:
0x19f: {  	s31 =	sadd.s32 $0x1, s23  }
0x1a0: {  	s3 =	sshll.u32 s31, $0x5  }
0x1a1: {  	p2 =	sge.u32 s3, s11;
	s3 =	sadd.s32 s12, s30  }
0x1a2: {  	s16 =	simm.s32 @!p2 $0x3;
	p3 =	sgt.u32 s3, $0x4E1  }
0x1a3: {  	_ =	swait.ge @!p2 [sflag:s16], $0x2800;
	s23 =	sand.u32 @!p3 $0x1, s23  }
0x1a4: {  	[sflag:s16] =	ssyncset.done @!p2 $0x0;
	p4 =	seq.s32 @!p3 s23, $0x1  }
0x1a5: {  	[sflag:s16] =	ssyncadd.s32 @!p2 $0xFFFFD800;
	s16 =	simm.s32 @!p3 $0x2800;
	p2 =	por !p4, p3  }
0x1a6: {  	s16 =	simm.s32 @p2 $0x0;
	p2 =	sge.u32 s30, s13  }
.Ltmp8:
0x1a7: {  	_ = 	snop;
	(pc) =	sbr.rel @p2 .LBB2_14-.Ltmp8, $3  }
0x1a8: {  	s3 =	smul.u32 @!p3 $0x500, s3;
	_ =	sdelay $0x1  }
0x1a9: {  	s23 =	simm.s32 @!p3 $0x0;
	s3 =	sadd.s32 @!p3 s0, s3  }
0x1aa: {  	[tilespmem:s16], [sflag:$0x3] =	stream.linear.gather @!p3 [hbm4b:s3+s23], $0x2800, $0x38;
	[tilespmem:$0x1B140] =	vst v63  }
0x1ab: {  	s3 =	sand.u32 $0x1, s31  }
0x1ac: {  	p3 =	seq.s32 s3, $0x1;
	s3 =	simm.s32 $0x2840  }
0x1ad: {  	s3 =	simm.s32 @!p3 $0x40  }
0x1ae: {  	v0 =	vmov s3;
	_ =	sdelay $0x3  }
0x1af: {  	s16 =	simm.s32 $0x0  }
0x1b0: {  	v1 =	vld.idx.msk [tilespmem:v0+s16+$0xFFFFFFC0 ss:$0x1], $0xffff;
	_ =	sdelay $0x4  }
0x1b1: {  	v1 =	vmul.u32 $0x3, v1  }
0x1b2: {  	s23 =	simm.s32 $0x50C0  }
0x1b3: {  	[tilespmem:s23+$0xFFFFFF40] =	vst v1;
	v2 =	vadd.s32 $0x1, v1  }
0x1b4: {  	v1 =	vadd.s32 $0x2, v1;
	[tilespmem:s23+$0xFFFFFFC0] =	vst v2  }
0x1b5: {  	[tilespmem:s23+$0x40] =	vst v1  }
0x1b6: {  	v1 =	vld.idx.msk [tilespmem:v0+s16+$0xFFFFFFD0 ss:$0x1], $0xffff;
	_ =	sdelay $0x4  }
0x1b7: {  	v1 =	vmul.u32 $0x3, v1;
	_ =	sdelay $0x1  }
0x1b8: {  	[tilespmem:s23+$0xFFFFFF50] =	vst v1;
	v2 =	vadd.s32 $0x1, v1  }
0x1b9: {  	v1 =	vadd.s32 $0x2, v1;
	[tilespmem:s23+$0xFFFFFFD0] =	vst v2  }
0x1ba: {  	[tilespmem:s23+$0x50] =	vst v1  }
0x1bb: {  	v1 =	vld.idx.msk [tilespmem:v0+s16+$0xFFFFFFE0 ss:$0x1], $0xffff;
	_ =	sdelay $0x4  }
0x1bc: {  	v1 =	vmul.u32 $0x3, v1;
	_ =	sdelay $0x1  }
0x1bd: {  	[tilespmem:s23+$0xFFFFFF60] =	vst v1;
	v2 =	vadd.s32 $0x1, v1  }
0x1be: {  	v1 =	vadd.s32 $0x2, v1;
	[tilespmem:s23+$0xFFFFFFE0] =	vst v2  }
0x1bf: {  	[tilespmem:s23+$0x60] =	vst v1  }
0x1c0: {  	v1 =	vld.idx.msk [tilespmem:v0+s16+$0xFFFFFFF0 ss:$0x1], $0xffff;
	_ =	sdelay $0x4  }
0x1c1: {  	v1 =	vmul.u32 $0x3, v1;
	_ =	sdelay $0x1  }
0x1c2: {  	[tilespmem:s23+$0xFFFFFF70] =	vst v1;
	v2 =	vadd.s32 $0x1, v1  }
0x1c3: {  	v1 =	vadd.s32 $0x2, v1;
	[tilespmem:s23+$0xFFFFFFF0] =	vst v2  }
0x1c4: {  	[tilespmem:s23+$0x70] =	vst v1  }
0x1c5: {  	v1 =	vld.idx.msk [tilespmem:v0+s16+$0x0 ss:$0x1], $0xffff;
	_ =	sdelay $0x4  }
0x1c6: {  	v1 =	vmul.u32 $0x3, v1;
	_ =	sdelay $0x1  }
0x1c7: {  	[tilespmem:s23+$0xFFFFFF80] =	vst v1;
	v2 =	vadd.s32 $0x1, v1  }
0x1c8: {  	v1 =	vadd.s32 $0x2, v1;
	[tilespmem:s23+$0x0] =	vst v2  }
0x1c9: {  	[tilespmem:s23+$0x80] =	vst v1  }
0x1ca: {  	v1 =	vld.idx.msk [tilespmem:v0+s16+$0x10 ss:$0x1], $0xffff;
	_ =	sdelay $0x4  }
0x1cb: {  	v1 =	vmul.u32 $0x3, v1;
	_ =	sdelay $0x1  }
0x1cc: {  	[tilespmem:s23+$0xFFFFFF90] =	vst v1;
	v2 =	vadd.s32 $0x1, v1  }
0x1cd: {  	v1 =	vadd.s32 $0x2, v1;
	[tilespmem:s23+$0x10] =	vst v2  }
0x1ce: {  	[tilespmem:s23+$0x90] =	vst v1  }
0x1cf: {  	v1 =	vld.idx.msk [tilespmem:v0+s16+$0x20 ss:$0x1], $0xffff;
	_ =	sdelay $0x4  }
0x1d0: {  	v1 =	vmul.u32 $0x3, v1;
	_ =	sdelay $0x1  }
0x1d1: {  	[tilespmem:s23+$0xFFFFFFA0] =	vst v1;
	v2 =	vadd.s32 $0x1, v1  }
0x1d2: {  	v1 =	vadd.s32 $0x2, v1;
	[tilespmem:s23+$0x20] =	vst v2  }
0x1d3: {  	[tilespmem:s23+$0xA0] =	vst v1  }
0x1d4: {  	s3 =	simm.s32 $0x400;
	v1 =	vld.idx.msk [tilespmem:v0+s16+$0x30 ss:$0x1], $0xffff;
	s16 =	simm.s32 $0x50C0  }
.LBB2_12:
0x1d5: {  	p3 =	sne.s32 s3, $0x9C00  }
0x1d6: {  	s23 =	sadd.s32 $0x180, s23;
	s24 =	smov.u32 s3;
	s3 =	sadd.s32 $0x400, s3  }
0x1d7: {  	_ =	sdelay $0x2  }
0x1d8: {  	v1 =	vmul.u32 $0x3, v1;
	_ =	sdelay $0x1  }
0x1d9: {  	[tilespmem:s16+$0xFFFFFFB0] =	vst v1;
	v2 =	vadd.s32 $0x1, v1;
	v1 =	vadd.s32 $0x2, v1  }
0x1da: {  	[tilespmem:s16+$0x30] =	vst v2  }
0x1db: {  	s24 =	sshra.s32 s24, $0x2;
	[tilespmem:s16+$0xB0] =	vst v1;
	s16 =	smov.u32 s23  }
0x1dc: {  	v1 =	vld.idx.msk [tilespmem:v0+s24+$0xFFFFFFC0 ss:$0x1], $0xffff;
	_ =	sdelay $0x5  }
0x1dd: {  	v1 =	vmul.u32 $0x3, v1;
	_ =	sdelay $0x1  }
0x1de: {  	v2 =	vadd.s32 $0x1, v1;
	[tilespmem:s23+$0xFFFFFF40] =	vst v1;
	v1 =	vadd.s32 $0x2, v1  }
0x1df: {  	[tilespmem:s23+$0xFFFFFFC0] =	vst v2  }
0x1e0: {  	[tilespmem:s23+$0x40] =	vst v1  }
0x1e1: {  	v1 =	vld.idx.msk [tilespmem:v0+s24+$0xFFFFFFD0 ss:$0x1], $0xffff;
	_ =	sdelay $0x5  }
0x1e2: {  	v1 =	vmul.u32 $0x3, v1;
	_ =	sdelay $0x1  }
0x1e3: {  	v2 =	vadd.s32 $0x1, v1;
	[tilespmem:s23+$0xFFFFFF50] =	vst v1;
	v1 =	vadd.s32 $0x2, v1  }
0x1e4: {  	[tilespmem:s23+$0xFFFFFFD0] =	vst v2  }
0x1e5: {  	[tilespmem:s23+$0x50] =	vst v1  }
0x1e6: {  	v1 =	vld.idx.msk [tilespmem:v0+s24+$0xFFFFFFE0 ss:$0x1], $0xffff;
	_ =	sdelay $0x5  }
0x1e7: {  	v1 =	vmul.u32 $0x3, v1;
	_ =	sdelay $0x1  }
0x1e8: {  	v2 =	vadd.s32 $0x1, v1;
	[tilespmem:s23+$0xFFFFFF60] =	vst v1;
	v1 =	vadd.s32 $0x2, v1  }
0x1e9: {  	[tilespmem:s23+$0xFFFFFFE0] =	vst v2  }
0x1ea: {  	[tilespmem:s23+$0x60] =	vst v1  }
0x1eb: {  	v1 =	vld.idx.msk [tilespmem:v0+s24+$0xFFFFFFF0 ss:$0x1], $0xffff;
	_ =	sdelay $0x5  }
0x1ec: {  	v1 =	vmul.u32 $0x3, v1;
	_ =	sdelay $0x1  }
0x1ed: {  	v2 =	vadd.s32 $0x1, v1;
	[tilespmem:s23+$0xFFFFFF70] =	vst v1;
	v1 =	vadd.s32 $0x2, v1  }
0x1ee: {  	[tilespmem:s23+$0xFFFFFFF0] =	vst v2  }
0x1ef: {  	[tilespmem:s23+$0x70] =	vst v1  }
0x1f0: {  	v1 =	vld.idx.msk [tilespmem:v0+s24+$0x0 ss:$0x1], $0xffff;
	_ =	sdelay $0x5  }
0x1f1: {  	v1 =	vmul.u32 $0x3, v1;
	_ =	sdelay $0x1  }
0x1f2: {  	v2 =	vadd.s32 $0x1, v1;
	[tilespmem:s23+$0xFFFFFF80] =	vst v1;
	v1 =	vadd.s32 $0x2, v1  }
0x1f3: {  	[tilespmem:s23+$0x0] =	vst v2  }
0x1f4: {  	[tilespmem:s23+$0x80] =	vst v1  }
0x1f5: {  	v1 =	vld.idx.msk [tilespmem:v0+s24+$0x10 ss:$0x1], $0xffff;
	_ =	sdelay $0x5  }
0x1f6: {  	v1 =	vmul.u32 $0x3, v1;
	_ =	sdelay $0x1  }
0x1f7: {  	v2 =	vadd.s32 $0x1, v1;
	[tilespmem:s23+$0xFFFFFF90] =	vst v1;
	v1 =	vadd.s32 $0x2, v1  }
0x1f8: {  	[tilespmem:s23+$0x10] =	vst v2  }
0x1f9: {  	[tilespmem:s23+$0x90] =	vst v1  }
0x1fa: {  	v1 =	vld.idx.msk [tilespmem:v0+s24+$0x20 ss:$0x1], $0xffff;
	_ =	sdelay $0x5  }
0x1fb: {  	v1 =	vmul.u32 $0x3, v1  }
.Ltmp9:
0x1fc: {  	(pc) =	sbr.rel @p3 .LBB2_12-.Ltmp9, $4  }
0x1fd: {  	v2 =	vadd.s32 $0x1, v1;
	[tilespmem:s23+$0xFFFFFFA0] =	vst v1;
	v1 =	vadd.s32 $0x2, v1  }
0x1fe: {  	[tilespmem:s23+$0x20] =	vst v2  }
0x1ff: {  	[tilespmem:s23+$0xA0] =	vst v1  }
0x200: {  	v1 =	vld.idx.msk [tilespmem:v0+s24+$0x30 ss:$0x1], $0xffff  }
0x201: {  	_ =	sdelay $0x3  }
0x202: {  	v0 =	vmul.u32 $0x3, v1;
	_ =	sdelay $0x1  }
0x203: {  	[tilespmem:s16+$0xFFFFFFB0] =	vst v0;
	v1 =	vadd.s32 $0x1, v0  }
0x204: {  	v0 =	vadd.s32 $0x2, v0;
	[tilespmem:s16+$0x30] =	vst v1  }
0x205: {  	[tilespmem:s16+$0xB0] =	vst v0  }
.LBB2_14:
.Ltmp10:
0x206: {  	(pc) =	sbr.rel @p2 .LBB2_16-.Ltmp10, $4  }
0x207: {  	s3 =	simm.s32 @!p1 $0x2  }
0x208: {  	_ =	swait.ge @!p1 [sflag:s3], $0x5000  }
0x209: {  	[sflag:s3] =	ssyncset.done @!p1 $0x0  }
0x20a: {  	[sflag:s3] =	ssyncadd.s32 @!p1 $0xFFFFB000  }
0x20b: {  	s3 =	simm.s32 $0x5000  }
0x20c: {  	[tilespmem:s20], [sflag:$0x1] =	stream.indirect.gather [spmem:s4], $0x1, s3, s18, $0xb8;
	[tilespmem:$0x1B140] =	vst v63  }
0x20d: {  	s30 =	simm.s32 $0x5180;
	s16 =	simm.s32 $0xCA00  }
0x20e: {  	[tilespmem:s16], [sflag:$0x1] =	stream.indirect.gather [spmem:s4], $0x1, s30, s18, $0xb8;
	[tilespmem:$0x1B140] =	vst v63  }
0x20f: {  	s23 =	simm.s32 $0xCC00;
	s16 =	simm.s32 $0x5300  }
0x210: {  	[tilespmem:s23], [sflag:$0x1] =	stream.indirect.gather [spmem:s4], $0x1, s16, s18, $0xb8;
	[tilespmem:$0x1B140] =	vst v63  }
0x211: {  	s24 =	simm.s32 $0x5480;
	s30 =	simm.s32 $0xCE00  }
0x212: {  	[tilespmem:s30], [sflag:$0x1] =	stream.indirect.gather [spmem:s4], $0x1, s24, s18, $0xb8;
	[tilespmem:$0x1B140] =	vst v63  }
0x213: {  	s16 =	simm.s32 $0x5600;
	s23 =	simm.s32 $0xD000  }
0x214: {  	[tilespmem:s23], [sflag:$0x1] =	stream.indirect.gather [spmem:s4], $0x1, s16, s18, $0xb8;
	[tilespmem:$0x1B140] =	vst v63  }
0x215: {  	s24 =	simm.s32 $0x5780;
	s30 =	simm.s32 $0xD200  }
0x216: {  	[tilespmem:s30], [sflag:$0x1] =	stream.indirect.gather [spmem:s4], $0x1, s24, s18, $0xb8;
	[tilespmem:$0x1B140] =	vst v63  }
0x217: {  	s16 =	simm.s32 $0x5900;
	s23 =	simm.s32 $0xD400  }
0x218: {  	[tilespmem:s23], [sflag:$0x1] =	stream.indirect.gather [spmem:s4], $0x1, s16, s18, $0xb8;
	[tilespmem:$0x1B140] =	vst v63  }
0x219: {  	s24 =	simm.s32 $0x5A80;
	s30 =	simm.s32 $0xD600  }
0x21a: {  	[tilespmem:s30], [sflag:$0x1] =	stream.indirect.gather [spmem:s4], $0x1, s24, s18, $0xb8;
	[tilespmem:$0x1B140] =	vst v63  }
0x21b: {  	s16 =	simm.s32 $0x5C00;
	s23 =	simm.s32 $0xD800  }
0x21c: {  	[tilespmem:s23], [sflag:$0x1] =	stream.indirect.gather [spmem:s4], $0x1, s16, s18, $0xb8;
	[tilespmem:$0x1B140] =	vst v63  }
0x21d: {  	s24 =	simm.s32 $0x5D80;
	s30 =	simm.s32 $0xDA00  }
0x21e: {  	[tilespmem:s30], [sflag:$0x1] =	stream.indirect.gather [spmem:s4], $0x1, s24, s18, $0xb8;
	[tilespmem:$0x1B140] =	vst v63  }
0x21f: {  	s16 =	simm.s32 $0x5F00;
	s23 =	simm.s32 $0xDC00  }
0x220: {  	[tilespmem:s23], [sflag:$0x1] =	stream.indirect.gather [spmem:s4], $0x1, s16, s18, $0xb8;
	[tilespmem:$0x1B140] =	vst v63  }
0x221: {  	s24 =	simm.s32 $0x6080;
	s30 =	simm.s32 $0xDE00  }
0x222: {  	[tilespmem:s30], [sflag:$0x1] =	stream.indirect.gather [spmem:s4], $0x1, s24, s18, $0xb8;
	[tilespmem:$0x1B140] =	vst v63  }
0x223: {  	s16 =	simm.s32 $0x6200;
	s23 =	simm.s32 $0xE000  }
0x224: {  	[tilespmem:s23], [sflag:$0x1] =	stream.indirect.gather [spmem:s4], $0x1, s16, s18, $0xb8;
	[tilespmem:$0x1B140] =	vst v63  }
0x225: {  	s24 =	simm.s32 $0x6380;
	s30 =	simm.s32 $0xE200  }
0x226: {  	[tilespmem:s30], [sflag:$0x1] =	stream.indirect.gather [spmem:s4], $0x1, s24, s18, $0xb8;
	[tilespmem:$0x1B140] =	vst v63  }
0x227: {  	s16 =	simm.s32 $0x6500;
	s23 =	simm.s32 $0xE400  }
0x228: {  	[tilespmem:s23], [sflag:$0x1] =	stream.indirect.gather [spmem:s4], $0x1, s16, s18, $0xb8;
	[tilespmem:$0x1B140] =	vst v63  }
0x229: {  	s24 =	simm.s32 $0x6680;
	s30 =	simm.s32 $0xE600  }
0x22a: {  	[tilespmem:s30], [sflag:$0x1] =	stream.indirect.gather [spmem:s4], $0x1, s24, s18, $0xb8;
	[tilespmem:$0x1B140] =	vst v63  }
0x22b: {  	s16 =	simm.s32 $0x6800;
	s23 =	simm.s32 $0xE800  }
0x22c: {  	[tilespmem:s23], [sflag:$0x1] =	stream.indirect.gather [spmem:s4], $0x1, s16, s18, $0xb8;
	[tilespmem:$0x1B140] =	vst v63  }
0x22d: {  	s24 =	simm.s32 $0x6980;
	s30 =	simm.s32 $0xEA00  }
0x22e: {  	[tilespmem:s30], [sflag:$0x1] =	stream.indirect.gather [spmem:s4], $0x1, s24, s18, $0xb8;
	[tilespmem:$0x1B140] =	vst v63  }
0x22f: {  	s16 =	simm.s32 $0x6B00;
	s23 =	simm.s32 $0xEC00  }
0x230: {  	[tilespmem:s23], [sflag:$0x1] =	stream.indirect.gather [spmem:s4], $0x1, s16, s18, $0xb8;
	[tilespmem:$0x1B140] =	vst v63  }
0x231: {  	s24 =	simm.s32 $0x6C80;
	s30 =	simm.s32 $0xEE00  }
0x232: {  	[tilespmem:s30], [sflag:$0x1] =	stream.indirect.gather [spmem:s4], $0x1, s24, s18, $0xb8;
	[tilespmem:$0x1B140] =	vst v63  }
0x233: {  	s16 =	simm.s32 $0x6E00;
	s23 =	simm.s32 $0xF000  }
0x234: {  	[tilespmem:s23], [sflag:$0x1] =	stream.indirect.gather [spmem:s4], $0x1, s16, s18, $0xb8;
	[tilespmem:$0x1B140] =	vst v63  }
0x235: {  	s24 =	simm.s32 $0x6F80;
	s30 =	simm.s32 $0xF200  }
0x236: {  	[tilespmem:s30], [sflag:$0x1] =	stream.indirect.gather [spmem:s4], $0x1, s24, s18, $0xb8;
	[tilespmem:$0x1B140] =	vst v63  }
0x237: {  	s16 =	simm.s32 $0x7100;
	s23 =	simm.s32 $0xF400  }
0x238: {  	[tilespmem:s23], [sflag:$0x1] =	stream.indirect.gather [spmem:s4], $0x1, s16, s18, $0xb8;
	[tilespmem:$0x1B140] =	vst v63  }
0x239: {  	s24 =	simm.s32 $0x7280;
	s30 =	simm.s32 $0xF600  }
0x23a: {  	[tilespmem:s30], [sflag:$0x1] =	stream.indirect.gather [spmem:s4], $0x1, s24, s18, $0xb8;
	[tilespmem:$0x1B140] =	vst v63  }
0x23b: {  	s16 =	simm.s32 $0x7400;
	s23 =	simm.s32 $0xF800  }
0x23c: {  	[tilespmem:s23], [sflag:$0x1] =	stream.indirect.gather [spmem:s4], $0x1, s16, s18, $0xb8;
	[tilespmem:$0x1B140] =	vst v63  }
0x23d: {  	s24 =	simm.s32 $0x7580;
	s30 =	simm.s32 $0xFA00  }
0x23e: {  	[tilespmem:s30], [sflag:$0x1] =	stream.indirect.gather [spmem:s4], $0x1, s24, s18, $0xb8;
	[tilespmem:$0x1B140] =	vst v63  }
0x23f: {  	s16 =	simm.s32 $0x7700;
	s23 =	simm.s32 $0xFC00  }
0x240: {  	[tilespmem:s23], [sflag:$0x1] =	stream.indirect.gather [spmem:s4], $0x1, s16, s18, $0xb8;
	[tilespmem:$0x1B140] =	vst v63  }
0x241: {  	s24 =	simm.s32 $0x7880;
	s30 =	simm.s32 $0xFE00  }
0x242: {  	[tilespmem:s30], [sflag:$0x1] =	stream.indirect.gather [spmem:s4], $0x1, s24, s18, $0xb8;
	[tilespmem:$0x1B140] =	vst v63  }
0x243: {  	s16 =	simm.s32 $0x7A00;
	s23 =	simm.s32 $0x10000  }
0x244: {  	[tilespmem:s23], [sflag:$0x1] =	stream.indirect.gather [spmem:s4], $0x1, s16, s18, $0xb8;
	[tilespmem:$0x1B140] =	vst v63  }
0x245: {  	s24 =	simm.s32 $0x7B80;
	s30 =	simm.s32 $0x10200  }
0x246: {  	[tilespmem:s30], [sflag:$0x1] =	stream.indirect.gather [spmem:s4], $0x1, s24, s18, $0xb8;
	[tilespmem:$0x1B140] =	vst v63  }
0x247: {  	s16 =	simm.s32 $0x7D00;
	s23 =	simm.s32 $0x10400  }
0x248: {  	[tilespmem:s23], [sflag:$0x1] =	stream.indirect.gather [spmem:s4], $0x1, s16, s18, $0xb8;
	[tilespmem:$0x1B140] =	vst v63  }
0x249: {  	s24 =	simm.s32 $0x7E80;
	s30 =	simm.s32 $0x10600  }
0x24a: {  	[tilespmem:s30], [sflag:$0x1] =	stream.indirect.gather [spmem:s4], $0x1, s24, s18, $0xb8;
	[tilespmem:$0x1B140] =	vst v63  }
0x24b: {  	s16 =	simm.s32 $0x8000;
	s23 =	simm.s32 $0x10800  }
0x24c: {  	[tilespmem:s23], [sflag:$0x1] =	stream.indirect.gather [spmem:s4], $0x1, s16, s18, $0xb8;
	[tilespmem:$0x1B140] =	vst v63  }
0x24d: {  	s24 =	simm.s32 $0x8180;
	s30 =	simm.s32 $0x10A00  }
0x24e: {  	[tilespmem:s30], [sflag:$0x1] =	stream.indirect.gather [spmem:s4], $0x1, s24, s18, $0xb8;
	[tilespmem:$0x1B140] =	vst v63  }
0x24f: {  	s16 =	simm.s32 $0x8300;
	s23 =	simm.s32 $0x10C00  }
0x250: {  	[tilespmem:s23], [sflag:$0x1] =	stream.indirect.gather [spmem:s4], $0x1, s16, s18, $0xb8;
	[tilespmem:$0x1B140] =	vst v63  }
0x251: {  	s24 =	simm.s32 $0x8480;
	s30 =	simm.s32 $0x10E00  }
0x252: {  	[tilespmem:s30], [sflag:$0x1] =	stream.indirect.gather [spmem:s4], $0x1, s24, s18, $0xb8;
	[tilespmem:$0x1B140] =	vst v63  }
0x253: {  	s16 =	simm.s32 $0x8600;
	s23 =	simm.s32 $0x11000  }
0x254: {  	[tilespmem:s23], [sflag:$0x1] =	stream.indirect.gather [spmem:s4], $0x1, s16, s18, $0xb8;
	[tilespmem:$0x1B140] =	vst v63  }
0x255: {  	s24 =	simm.s32 $0x8780;
	s30 =	simm.s32 $0x11200  }
0x256: {  	[tilespmem:s30], [sflag:$0x1] =	stream.indirect.gather [spmem:s4], $0x1, s24, s18, $0xb8;
	[tilespmem:$0x1B140] =	vst v63  }
.Ltmp11:
0x257: {  	_ = 	snop;
	(pc) =	sbr.rel .LBB2_16-.Ltmp11, $4  }
0x258: {  	s16 =	simm.s32 $0x8900;
	s23 =	simm.s32 $0x11400  }
0x259: {  	[tilespmem:s23], [sflag:$0x1] =	stream.indirect.gather [spmem:s4], $0x1, s16, s18, $0xb8;
	[tilespmem:$0x1B140] =	vst v63  }
0x25a: {  	s24 =	simm.s32 $0x8A80;
	s30 =	simm.s32 $0x11600  }
0x25b: {  	[tilespmem:s30], [sflag:$0x1] =	stream.indirect.gather [spmem:s4], $0x1, s24, s18, $0xb8;
	[tilespmem:$0x1B140] =	vst v63  }
.LBB2_18:
0x25c: {  	_ =	sfence.sel $0x180000  }
0x25d: {  	[bflag:$0x0] =	sbarrier.arrive $0xFFFF  }
0x25e: {  	_ =	strace $0x90000047  }
0x25f: {  	[bflag:$0x2] =	sbarrier.arrive $0xFFFF  }
0x260: {  	s0 =	rddreg [dreg:$0x5]  }
0x261: {  	s0 =	sadd.s32 @!p0 $0x100000, s0  }
0x262: {  	[sflag:s0] =	ssyncadd.tile.s32 @!p0 $0x1;
	_ =	shalt  }
.Lfunc_end2:
_tile_overlayer_lowered:
.L_overlay_start_2:
0x263: {  	(tag) =	ssettag $0x2  }
0x264: {  	s0 =	rddreg [dreg:$0x0];
	s2 =	stileid.u32  }
0x265: {  	s1 =	rddreg [dreg:$0x1];
	p0 =	sne.s32 s2, $0x0  }
0x266: {  	s3 =	rddreg [dreg:$0x2];
	[bflag:$0x3] =	sbarrier.arrive $0xFFFF;
	s2 =	simm.s32 @!p0 $0x1C04  }
0x267: {  	[timem:s3], [sflag:s2] =	dma.local @!p0 [hbm:s0], s1  }
0x268: {  	s0 =	simm.s32 @!p0 $0x4  }
0x269: {  	_ =	swait.ge @!p0 [sflag:s0], s1  }
0x26a: {  	s1 =	ssub.s32 @!p0 $0x0, s1;
	[sflag:s0] =	ssyncset.done @!p0 $0x0  }
0x26b: {  	[sflag:s0] =	ssyncadd.s32 @!p0 s1  }
0x26c: {  	[bflag:$0x3] =	sbarrier.arrive $0xFFFF  }
0x26d: {  	_ =	shalt  }

</sc_bundles>
